<compile_context>
chip_gen: v7x
topology: tpu7x:2x2x1
jax: 0.10.2.dev20260603
libtpu: 0.0.44.dev20260713+nightly
codegen_flags: <defaults>
</compile_context>

<pallas_src>
import functools

import jax
import jax.numpy as jnp
from jax import lax
from jax.experimental import pallas as pl
from jax.experimental.pallas import tpu as pltpu
from jax.experimental.pallas import tpu_sc as plsc

N = 10000
F = 128
K = 5000
LANES = 128
NPAD = 10240
NROWS2D = NPAD // LANES
IBLK = 1024
NB = NPAD // IBLK
KPAD = 5008
RB = 4
NBLK = K // RB
NTILES = 32
BLK_PER_TILE = -(-NBLK // NTILES)
SCAT_PER_TILE = NPAD // NTILES


def _scores_body(x_ref, w_ref, o_ref):
    s = jnp.dot(x_ref[...], w_ref[...])
    rid = lax.broadcasted_iota(jnp.int32, (NPAD, 1), 0)
    o_ref[...] = jnp.where(rid < N, s, -jnp.inf)


def _scores(x_pad, w):
    return pl.pallas_call(
        _scores_body,
        out_shape=jax.ShapeDtypeStruct((NPAD, 1), jnp.float32),
    )(x_pad, w)


def _ranks_body(scol_ref, s2d_ref, o_ref, sib_ref):
    ib = pl.program_id(0)
    sib_ref[...] = jnp.broadcast_to(scol_ref[...], (IBLK, LANES))
    jlt = (lax.broadcasted_iota(jnp.int32, (LANES, LANES), 1)
           < lax.broadcasted_iota(jnp.int32, (LANES, LANES), 0))

    for isub in range(IBLK // LANES):
        si = sib_ref[pl.ds(isub * LANES, LANES), :]
        ri = ib * (IBLK // LANES) + isub

        def before(rb, acc):
            sj = s2d_ref[pl.ds(rb, 1), :]
            return acc + jnp.where(sj >= si, 1.0, 0.0)

        def after(rb, acc):
            sj = s2d_ref[pl.ds(rb, 1), :]
            return acc + jnp.where(sj > si, 1.0, 0.0)

        acc = jnp.zeros((LANES, LANES), jnp.float32)
        acc = lax.fori_loop(0, ri, before, acc)
        sj = s2d_ref[pl.ds(ri, 1), :]
        acc = acc + jnp.where((sj > si) | ((sj == si) & jlt), 1.0, 0.0)
        acc = lax.fori_loop(ri + 1, NROWS2D, after, acc)
        o_ref[pl.ds(isub * LANES, LANES), :] = (
            jnp.sum(acc, axis=1, keepdims=True).astype(jnp.int32))


def _ranks(scol, s2d):
    return pl.pallas_call(
        _ranks_body,
        grid=(NB,),
        in_specs=[
            pl.BlockSpec((IBLK, 1), lambda i: (i, 0)),
            pl.BlockSpec((NROWS2D, LANES), lambda i: (0, 0)),
        ],
        out_specs=pl.BlockSpec((IBLK, 1), lambda i: (i, 0)),
        out_shape=jax.ShapeDtypeStruct((NPAD, 1), jnp.int32),
        scratch_shapes=[pltpu.VMEM((IBLK, LANES), jnp.float32)],
    )(scol, s2d)


def _make_scatter():
    mesh = plsc.VectorSubcoreMesh(core_axis_name="c", subcore_axis_name="s")

    @functools.partial(
        pl.kernel,
        out_type=jax.ShapeDtypeStruct((NPAD,), jnp.int32),
        mesh=mesh,
        compiler_params=pltpu.CompilerParams(needs_layout_passes=False),
        scratch_types=[
            pltpu.VMEM((80,), jnp.int32),
            pltpu.VMEM((80,), jnp.int32),
            pltpu.VMEM((80,), jnp.int32),
            pltpu.VMEM((80,), jnp.int32),
            pltpu.VMEM((SCAT_PER_TILE,), jnp.int32),
            pltpu.SemaphoreType.DMA,
        ],
    )
    def scatter_k(ranks_hbm, out_hbm, r0, r1, r2, r3, vals_v, sem):
        wid = lax.axis_index("s") * 2 + lax.axis_index("c")
        base = wid * SCAT_PER_TILE
        rrefs = (r0, r1, r2, r3)
        for j in range(4):
            pltpu.sync_copy(ranks_hbm.at[pl.ds(base + j * 80, 80)], rrefs[j])
        for g in range(SCAT_PER_TILE // 16):
            vals_v[pl.ds(g * 16, 16)] = base + g * 16 + lax.iota(jnp.int32, 16)
        handles = []
        for j in range(4):
            handles.append(pltpu.async_copy(
                vals_v.at[pl.ds(j * 80, 80)], out_hbm.at[rrefs[j]], sem))
        for h in handles:
            h.wait()

    return scatter_k


_scatter_cached = functools.cache(_make_scatter)


def _make_gather():
    mesh = plsc.VectorSubcoreMesh(core_axis_name="c", subcore_axis_name="s")

    @functools.partial(
        pl.kernel,
        out_type=jax.ShapeDtypeStruct((K * K,), jnp.float32),
        mesh=mesh,
        compiler_params=pltpu.CompilerParams(needs_layout_passes=False),
        scratch_types=[
            pltpu.VMEM((KPAD,), jnp.int32),
            pltpu.VMEM((BLK_PER_TILE * 16,), jnp.int32),
            pltpu.VMEM((2 * RB * N,), jnp.float32),
            pltpu.VMEM((2 * RB * KPAD,), jnp.float32),
            pltpu.SemaphoreType.DMA,
            pltpu.SemaphoreType.DMA,
            pltpu.SemaphoreType.DMA,
            pltpu.SemaphoreType.DMA,
        ],
    )
    def gather_k(a_hbm, idxc_hbm, idxr_hbm, apool_hbm,
                 idxc_v, idxr_v, rows_v, out_v, sem_a0, sem_a1, sem_o0,
                 sem_o1):
        wid = lax.axis_index("s") * 2 + lax.axis_index("c")
        sems_a = (sem_a0, sem_a1)
        sems_o = (sem_o0, sem_o1)
        base = wid * BLK_PER_TILE
        pltpu.sync_copy(idxc_hbm, idxc_v)
        pltpu.sync_copy(
            idxr_hbm.at[pl.ds(base * 16, BLK_PER_TILE * 16)], idxr_v)
        lane = lax.iota(jnp.int32, 16)
        int_min = jnp.int32(-2147483648)

        def issue_rows(bi, buf):
            rvec = idxr_v[pl.ds(pl.multiple_of(bi * 16, 16), 16)]
            for j in range(RB):
                rid = jnp.max(jnp.where(lane == j, rvec, int_min))
                pltpu.async_copy(
                    a_hbm.at[pl.ds(pl.multiple_of(rid * N, 8), N)],
                    rows_v.at[pl.ds((buf * RB + j) * N, N)], sems_a[buf])

        def drain_rows(buf):
            for j in range(RB):
                pltpu.make_async_copy(
                    a_hbm.at[pl.ds(0, N)],
                    rows_v.at[pl.ds((buf * RB + j) * N, N)],
                    sems_a[buf]).wait()

        def drain_out(buf):
            for j in range(RB):
                pltpu.make_async_copy(
                    out_v.at[pl.ds((buf * RB + j) * KPAD, K)],
                    apool_hbm.at[pl.ds(0, K)], sems_o[buf]).wait()

        @pl.when(base < NBLK)
        def _prime():
            issue_rows(0, 0)

        def pair(p, carry):
            for sub in (0, 1):
                bi = 2 * p + sub
                b = base + bi

                @pl.when(b < NBLK)
                def _():
                    @pl.when((b + 1 < NBLK) & (bi + 1 < BLK_PER_TILE))
                    def _issue_next():
                        issue_rows(bi + 1, 1 - sub)

                    drain_rows(sub)

                    @pl.when(bi >= 2)
                    def _drain_prev_out():
                        drain_out(sub)

                    def grp(g, c2):
                        off = pl.multiple_of(g * 16, 16)
                        cidx = idxc_v[pl.ds(off, 16)]
                        for j in range(RB):
                            vals = plsc.load_gather(
                                rows_v, [cidx + (sub * RB + j) * N])
                            out_v[pl.ds(pl.multiple_of(
                                (sub * RB + j) * KPAD, 16) + off, 16)] = vals
                        return c2

                    lax.fori_loop(0, KPAD // 16, grp, 0)
                    r0 = b * RB
                    for j in range(RB):
                        pltpu.async_copy(
                            out_v.at[pl.ds((sub * RB + j) * KPAD, K)],
                            apool_hbm.at[pl.ds((r0 + j) * K, K)],
                            sems_o[sub])
            return carry

        lax.fori_loop(0, BLK_PER_TILE // 2, pair, 0)
        for sub in (0, 1):
            @pl.when(base + sub < NBLK)
            def _final_drain(sub=sub):
                drain_out(sub)

    return gather_k


_gather_cached = functools.cache(_make_gather)


KX = 5120
XPT = KX // NTILES


def _make_xgather():
    mesh = plsc.VectorSubcoreMesh(core_axis_name="c", subcore_axis_name="s")

    @functools.partial(
        pl.kernel,
        out_type=jax.ShapeDtypeStruct((KX, F), jnp.float32),
        mesh=mesh,
        compiler_params=pltpu.CompilerParams(needs_layout_passes=False),
        scratch_types=[
            pltpu.VMEM((XPT,), jnp.int32),
            pltpu.VMEM((XPT, F), jnp.float32),
            pltpu.SemaphoreType.DMA,
        ],
    )
    def xgather_k(x_hbm, idxx_hbm, xpool_hbm, idxx_v, xrows_v, sem):
        wid = lax.axis_index("s") * 2 + lax.axis_index("c")
        pltpu.sync_copy(idxx_hbm.at[pl.ds(wid * XPT, XPT)], idxx_v)
        h0 = pltpu.async_copy(x_hbm.at[idxx_v.at[pl.ds(0, 80)]],
                              xrows_v.at[pl.ds(0, 80)], sem)
        h1 = pltpu.async_copy(x_hbm.at[idxx_v.at[pl.ds(80, 80)]],
                              xrows_v.at[pl.ds(80, 80)], sem)
        h0.wait()
        h1.wait()
        pltpu.sync_copy(xrows_v, xpool_hbm.at[pl.ds(wid * XPT, XPT)])

    return xgather_k


_xgather_cached = functools.cache(_make_xgather)


def kernel(X, A, W):
    x_pad = jnp.pad(X, ((0, NPAD - N), (0, 0)))
    scol = _scores(x_pad, W)
    s2d = scol.reshape(NROWS2D, LANES)
    ranks = _ranks(scol, s2d)
    idx_full = _scatter_cached()(ranks.reshape(NPAD))
    idx = lax.slice(idx_full, (0,), (K,))
    idxc = lax.slice(idx_full, (0,), (KPAD,))
    idxr = jnp.pad(idx.reshape(NBLK, RB),
                   ((0, NTILES * BLK_PER_TILE - NBLK), (0, 16 - RB))).reshape(-1)
    a_flat = _gather_cached()(A.reshape(-1), idxc, idxr)
    idxx = lax.slice(idx_full, (0,), (KX,))
    xpool = _xgather_cached()(X, idxx)
    x_pooled = lax.slice(xpool, (0, 0), (K, F))
    return (x_pooled, a_flat.reshape(K, K), idx)

# --- scband reference (transcript-rebuilt; emitter-appended) ---
"""Pipeline reference for scband-top-kpool-30270929502677 (READ-ONLY COPY).

The authoritative reference and input builder live on the scoring server;
editing this copy changes nothing except your own understanding.
"""

import jax, jax.numpy as jnp
import numpy as np

RATIO = 0.5


def setup_inputs(seed: int = 0) -> dict:
    key = jax.random.key(seed)
    k1, k2, k3 = jax.random.split(key, 3)
    N, F = 10000, 128
    X = jax.random.normal(k1, (N, F), dtype=jnp.float32)
    A = jax.random.uniform(k2, (N, N), dtype=jnp.float32)
    # glorot_uniform for score_vector of shape (F, 1)
    limit = float(np.sqrt(6.0 / (F + 1)))
    W = jax.random.uniform(k3, (F, 1), minval=-limit, maxval=limit, dtype=jnp.float32)
    return {"X": X, "A": A, "W": W}


def reference(X, A, W):
    N = X.shape[0]
    scores = jnp.squeeze(X @ W, axis=1)  # [N]
    k = int(np.ceil(RATIO * N))
    topk_scores, idx = jax.lax.top_k(scores, k)
    X_pooled = jnp.take(X, idx, axis=0)
    A_pooled = jnp.take(jnp.take(A, idx, axis=0), idx, axis=1)
    return (X_pooled, A_pooled, idx)

if __name__ == "__main__":
    import jax
    _d = setup_inputs()
    print(jax.jit(kernel)(*tuple(_d.values())))

</pallas_src>

<mosaic_0001>
#map = affine_map<(d0, d1) -> (0)>
module attributes {stable_mosaic.version = 14 : i64} {
  func.func @scatter_k(%arg0: i32, %arg1: i32, %arg2: memref<10240xi32, #tpu.memory_space<hbm>>, %arg3: memref<10240xi32, #tpu.memory_space<hbm>>, %arg4: memref<80xi32, #tpu.memory_space<vmem>>, %arg5: memref<80xi32, #tpu.memory_space<vmem>>, %arg6: memref<80xi32, #tpu.memory_space<vmem>>, %arg7: memref<80xi32, #tpu.memory_space<vmem>>, %arg8: memref<320xi32, #tpu.memory_space<vmem>>, %arg9: memref<!tpu.dma_semaphore, #tpu.memory_space<semaphore_mem>>) attributes {dimension_semantics = [#tpu.dimension_semantics<core_parallel>, #tpu.dimension_semantics<subcore_parallel>], iteration_bounds = array<i64: 2, 16>, scalar_prefetch = 0 : i64, scratch_operands = 6 : i64, tpu.core_type = #tpu.core_type<sc_vector_subcore>, window_params = [{transform_indices = #map}, {transform_indices = #map}]} {
    %mul3A = arith.constant 2 : i32
    %mul3A_0 = arith.muli %arg1, %mul3A : i32
    %add3A = arith.addi %mul3A_0, %arg0 : i32
    %mul3A_1 = arith.constant 320 : i32
    %mul3A_2 = arith.muli %add3A, %mul3A_1 : i32
    %add3A_3 = arith.constant 0 : i32
    %add3A_4 = arith.addi %mul3A_2, %add3A_3 : i32
    "tpu.region"() ({
      %run_scoped3A = tpu.sem_alloc : memref<!tpu.dma_semaphore, #tpu.memory_space<semaphore_mem>>
      %dma_start3A_179 = tpu.memref_slice %arg2[%add3A_4] : memref<10240xi32, #tpu.memory_space<hbm>> -> memref<80xi32, #tpu.memory_space<hbm>>
      %dma_start3A_180 = tpu.memref_slice %arg2[%add3A_4] : memref<10240xi32, #tpu.memory_space<hbm>> -> memref<80xi32, #tpu.memory_space<hbm>>
      tpu.enqueue_dma source(%dma_start3A_180 : memref<80xi32, #tpu.memory_space<hbm>>) target(%arg4 : memref<80xi32, #tpu.memory_space<vmem>>) target_semaphore(%run_scoped3A : memref<!tpu.dma_semaphore, #tpu.memory_space<semaphore_mem>>)
      %dma_wait3A_181 = tpu.memref_slice %arg2[%add3A_4] : memref<10240xi32, #tpu.memory_space<hbm>> -> memref<80xi32, #tpu.memory_space<hbm>>
      %dma_wait3A_182 = tpu.memref_slice %arg2[%add3A_4] : memref<10240xi32, #tpu.memory_space<hbm>> -> memref<80xi32, #tpu.memory_space<hbm>>
      tpu.wait_dma2 semaphore(%run_scoped3A : memref<!tpu.dma_semaphore, #tpu.memory_space<semaphore_mem>>) src(%dma_wait3A_182 : memref<80xi32, #tpu.memory_space<hbm>>) dst(%arg4 : memref<80xi32, #tpu.memory_space<vmem>>)
      tpu.yield
    }) : () -> ()
    %add3A_5 = arith.constant 80 : i32
    %add3A_6 = arith.addi %mul3A_2, %add3A_5 : i32
    "tpu.region"() ({
      %run_scoped3A = tpu.sem_alloc : memref<!tpu.dma_semaphore, #tpu.memory_space<semaphore_mem>>
      %dma_start3A_179 = tpu.memref_slice %arg2[%add3A_6] : memref<10240xi32, #tpu.memory_space<hbm>> -> memref<80xi32, #tpu.memory_space<hbm>>
      %dma_start3A_180 = tpu.memref_slice %arg2[%add3A_6] : memref<10240xi32, #tpu.memory_space<hbm>> -> memref<80xi32, #tpu.memory_space<hbm>>
      tpu.enqueue_dma source(%dma_start3A_180 : memref<80xi32, #tpu.memory_space<hbm>>) target(%arg5 : memref<80xi32, #tpu.memory_space<vmem>>) target_semaphore(%run_scoped3A : memref<!tpu.dma_semaphore, #tpu.memory_space<semaphore_mem>>)
      %dma_wait3A_181 = tpu.memref_slice %arg2[%add3A_6] : memref<10240xi32, #tpu.memory_space<hbm>> -> memref<80xi32, #tpu.memory_space<hbm>>
      %dma_wait3A_182 = tpu.memref_slice %arg2[%add3A_6] : memref<10240xi32, #tpu.memory_space<hbm>> -> memref<80xi32, #tpu.memory_space<hbm>>
      tpu.wait_dma2 semaphore(%run_scoped3A : memref<!tpu.dma_semaphore, #tpu.memory_space<semaphore_mem>>) src(%dma_wait3A_182 : memref<80xi32, #tpu.memory_space<hbm>>) dst(%arg5 : memref<80xi32, #tpu.memory_space<vmem>>)
      tpu.yield
    }) : () -> ()
    %add3A_7 = arith.constant 160 : i32
    %add3A_8 = arith.addi %mul3A_2, %add3A_7 : i32
    "tpu.region"() ({
      %run_scoped3A = tpu.sem_alloc : memref<!tpu.dma_semaphore, #tpu.memory_space<semaphore_mem>>
      %dma_start3A_179 = tpu.memref_slice %arg2[%add3A_8] : memref<10240xi32, #tpu.memory_space<hbm>> -> memref<80xi32, #tpu.memory_space<hbm>>
      %dma_start3A_180 = tpu.memref_slice %arg2[%add3A_8] : memref<10240xi32, #tpu.memory_space<hbm>> -> memref<80xi32, #tpu.memory_space<hbm>>
      tpu.enqueue_dma source(%dma_start3A_180 : memref<80xi32, #tpu.memory_space<hbm>>) target(%arg6 : memref<80xi32, #tpu.memory_space<vmem>>) target_semaphore(%run_scoped3A : memref<!tpu.dma_semaphore, #tpu.memory_space<semaphore_mem>>)
      %dma_wait3A_181 = tpu.memref_slice %arg2[%add3A_8] : memref<10240xi32, #tpu.memory_space<hbm>> -> memref<80xi32, #tpu.memory_space<hbm>>
      %dma_wait3A_182 = tpu.memref_slice %arg2[%add3A_8] : memref<10240xi32, #tpu.memory_space<hbm>> -> memref<80xi32, #tpu.memory_space<hbm>>
      tpu.wait_dma2 semaphore(%run_scoped3A : memref<!tpu.dma_semaphore, #tpu.memory_space<semaphore_mem>>) src(%dma_wait3A_182 : memref<80xi32, #tpu.memory_space<hbm>>) dst(%arg6 : memref<80xi32, #tpu.memory_space<vmem>>)
      tpu.yield
    }) : () -> ()
    %add3A_9 = arith.constant 240 : i32
    %add3A_10 = arith.addi %mul3A_2, %add3A_9 : i32
    "tpu.region"() ({
      %run_scoped3A = tpu.sem_alloc : memref<!tpu.dma_semaphore, #tpu.memory_space<semaphore_mem>>
      %dma_start3A_179 = tpu.memref_slice %arg2[%add3A_10] : memref<10240xi32, #tpu.memory_space<hbm>> -> memref<80xi32, #tpu.memory_space<hbm>>
      %dma_start3A_180 = tpu.memref_slice %arg2[%add3A_10] : memref<10240xi32, #tpu.memory_space<hbm>> -> memref<80xi32, #tpu.memory_space<hbm>>
      tpu.enqueue_dma source(%dma_start3A_180 : memref<80xi32, #tpu.memory_space<hbm>>) target(%arg7 : memref<80xi32, #tpu.memory_space<vmem>>) target_semaphore(%run_scoped3A : memref<!tpu.dma_semaphore, #tpu.memory_space<semaphore_mem>>)
      %dma_wait3A_181 = tpu.memref_slice %arg2[%add3A_10] : memref<10240xi32, #tpu.memory_space<hbm>> -> memref<80xi32, #tpu.memory_space<hbm>>
      %dma_wait3A_182 = tpu.memref_slice %arg2[%add3A_10] : memref<10240xi32, #tpu.memory_space<hbm>> -> memref<80xi32, #tpu.memory_space<hbm>>
      tpu.wait_dma2 semaphore(%run_scoped3A : memref<!tpu.dma_semaphore, #tpu.memory_space<semaphore_mem>>) src(%dma_wait3A_182 : memref<80xi32, #tpu.memory_space<hbm>>) dst(%arg7 : memref<80xi32, #tpu.memory_space<vmem>>)
      tpu.yield
    }) : () -> ()
    %add3A_11 = arith.constant 0 : i32
    %add3A_12 = arith.addi %mul3A_2, %add3A_11 : i32
    %iota3A = tpu.iota {dimensions = array<i32: 0>} : vector<16xi32>
    %add3A_13 = vector.broadcast %add3A_12 : i32 to vector<16xi32>
    %add3A_14 = arith.addi %add3A_13, %iota3A : vector<16xi32>
    %swap3A = arith.constant 0 : index
    %swap3A_15 = tpu.vector_load %arg8[%swap3A] {strides = array<i32>} : memref<320xi32, #tpu.memory_space<vmem>>, vector<16xi32>,
    tpu.vector_store %arg8[%swap3A], %add3A_14 {strides = array<i32>} : memref<320xi32, #tpu.memory_space<vmem>>, vector<16xi32>,
    %add3A_16 = arith.constant 16 : i32
    %add3A_17 = arith.addi %mul3A_2, %add3A_16 : i32
    %iota3A_18 = tpu.iota {dimensions = array<i32: 0>} : vector<16xi32>
    %add3A_19 = vector.broadcast %add3A_17 : i32 to vector<16xi32>
    %add3A_20 = arith.addi %add3A_19, %iota3A_18 : vector<16xi32>
    %swap3A_21 = arith.constant 16 : index
    %swap3A_22 = tpu.vector_load %arg8[%swap3A_21] {strides = array<i32>} : memref<320xi32, #tpu.memory_space<vmem>>, vector<16xi32>,
    tpu.vector_store %arg8[%swap3A_21], %add3A_20 {strides = array<i32>} : memref<320xi32, #tpu.memory_space<vmem>>, vector<16xi32>,
    %add3A_23 = arith.constant 32 : i32
    %add3A_24 = arith.addi %mul3A_2, %add3A_23 : i32
    %iota3A_25 = tpu.iota {dimensions = array<i32: 0>} : vector<16xi32>
    %add3A_26 = vector.broadcast %add3A_24 : i32 to vector<16xi32>
    %add3A_27 = arith.addi %add3A_26, %iota3A_25 : vector<16xi32>
    %swap3A_28 = arith.constant 32 : index
    %swap3A_29 = tpu.vector_load %arg8[%swap3A_28] {strides = array<i32>} : memref<320xi32, #tpu.memory_space<vmem>>, vector<16xi32>,
    tpu.vector_store %arg8[%swap3A_28], %add3A_27 {strides = array<i32>} : memref<320xi32, #tpu.memory_space<vmem>>, vector<16xi32>,
    %add3A_30 = arith.constant 48 : i32
    %add3A_31 = arith.addi %mul3A_2, %add3A_30 : i32
    %iota3A_32 = tpu.iota {dimensions = array<i32: 0>} : vector<16xi32>
    %add3A_33 = vector.broadcast %add3A_31 : i32 to vector<16xi32>
    %add3A_34 = arith.addi %add3A_33, %iota3A_32 : vector<16xi32>
    %swap3A_35 = arith.constant 48 : index
    %swap3A_36 = tpu.vector_load %arg8[%swap3A_35] {strides = array<i32>} : memref<320xi32, #tpu.memory_space<vmem>>, vector<16xi32>,
    tpu.vector_store %arg8[%swap3A_35], %add3A_34 {strides = array<i32>} : memref<320xi32, #tpu.memory_space<vmem>>, vector<16xi32>,
    %add3A_37 = arith.constant 64 : i32
    %add3A_38 = arith.addi %mul3A_2, %add3A_37 : i32
    %iota3A_39 = tpu.iota {dimensions = array<i32: 0>} : vector<16xi32>
    %add3A_40 = vector.broadcast %add3A_38 : i32 to vector<16xi32>
    %add3A_41 = arith.addi %add3A_40, %iota3A_39 : vector<16xi32>
    %swap3A_42 = arith.constant 64 : index
    %swap3A_43 = tpu.vector_load %arg8[%swap3A_42] {strides = array<i32>} : memref<320xi32, #tpu.memory_space<vmem>>, vector<16xi32>,
    tpu.vector_store %arg8[%swap3A_42], %add3A_41 {strides = array<i32>} : memref<320xi32, #tpu.memory_space<vmem>>, vector<16xi32>,
    %add3A_44 = arith.constant 80 : i32
    %add3A_45 = arith.addi %mul3A_2, %add3A_44 : i32
    %iota3A_46 = tpu.iota {dimensions = array<i32: 0>} : vector<16xi32>
    %add3A_47 = vector.broadcast %add3A_45 : i32 to vector<16xi32>
    %add3A_48 = arith.addi %add3A_47, %iota3A_46 : vector<16xi32>
    %swap3A_49 = arith.constant 80 : index
    %swap3A_50 = tpu.vector_load %arg8[%swap3A_49] {strides = array<i32>} : memref<320xi32, #tpu.memory_space<vmem>>, vector<16xi32>,
    tpu.vector_store %arg8[%swap3A_49], %add3A_48 {strides = array<i32>} : memref<320xi32, #tpu.memory_space<vmem>>, vector<16xi32>,
    %add3A_51 = arith.constant 96 : i32
    %add3A_52 = arith.addi %mul3A_2, %add3A_51 : i32
    %iota3A_53 = tpu.iota {dimensions = array<i32: 0>} : vector<16xi32>
    %add3A_54 = vector.broadcast %add3A_52 : i32 to vector<16xi32>
    %add3A_55 = arith.addi %add3A_54, %iota3A_53 : vector<16xi32>
    %swap3A_56 = arith.constant 96 : index
    %swap3A_57 = tpu.vector_load %arg8[%swap3A_56] {strides = array<i32>} : memref<320xi32, #tpu.memory_space<vmem>>, vector<16xi32>,
    tpu.vector_store %arg8[%swap3A_56], %add3A_55 {strides = array<i32>} : memref<320xi32, #tpu.memory_space<vmem>>, vector<16xi32>,
    %add3A_58 = arith.constant 112 : i32
    %add3A_59 = arith.addi %mul3A_2, %add3A_58 : i32
    %iota3A_60 = tpu.iota {dimensions = array<i32: 0>} : vector<16xi32>
    %add3A_61 = vector.broadcast %add3A_59 : i32 to vector<16xi32>
    %add3A_62 = arith.addi %add3A_61, %iota3A_60 : vector<16xi32>
    %swap3A_63 = arith.constant 112 : index
    %swap3A_64 = tpu.vector_load %arg8[%swap3A_63] {strides = array<i32>} : memref<320xi32, #tpu.memory_space<vmem>>, vector<16xi32>,
    tpu.vector_store %arg8[%swap3A_63], %add3A_62 {strides = array<i32>} : memref<320xi32, #tpu.memory_space<vmem>>, vector<16xi32>,
    %add3A_65 = arith.constant 128 : i32
    %add3A_66 = arith.addi %mul3A_2, %add3A_65 : i32
    %iota3A_67 = tpu.iota {dimensions = array<i32: 0>} : vector<16xi32>
    %add3A_68 = vector.broadcast %add3A_66 : i32 to vector<16xi32>
    %add3A_69 = arith.addi %add3A_68, %iota3A_67 : vector<16xi32>
    %swap3A_70 = arith.constant 128 : index
    %swap3A_71 = tpu.vector_load %arg8[%swap3A_70] {strides = array<i32>} : memref<320xi32, #tpu.memory_space<vmem>>, vector<16xi32>,
    tpu.vector_store %arg8[%swap3A_70], %add3A_69 {strides = array<i32>} : memref<320xi32, #tpu.memory_space<vmem>>, vector<16xi32>,
    %add3A_72 = arith.constant 144 : i32
    %add3A_73 = arith.addi %mul3A_2, %add3A_72 : i32
    %iota3A_74 = tpu.iota {dimensions = array<i32: 0>} : vector<16xi32>
    %add3A_75 = vector.broadcast %add3A_73 : i32 to vector<16xi32>
    %add3A_76 = arith.addi %add3A_75, %iota3A_74 : vector<16xi32>
    %swap3A_77 = arith.constant 144 : index
    %swap3A_78 = tpu.vector_load %arg8[%swap3A_77] {strides = array<i32>} : memref<320xi32, #tpu.memory_space<vmem>>, vector<16xi32>,
    tpu.vector_store %arg8[%swap3A_77], %add3A_76 {strides = array<i32>} : memref<320xi32, #tpu.memory_space<vmem>>, vector<16xi32>,
    %add3A_79 = arith.constant 160 : i32
    %add3A_80 = arith.addi %mul3A_2, %add3A_79 : i32
    %iota3A_81 = tpu.iota {dimensions = array<i32: 0>} : vector<16xi32>
    %add3A_82 = vector.broadcast %add3A_80 : i32 to vector<16xi32>
    %add3A_83 = arith.addi %add3A_82, %iota3A_81 : vector<16xi32>
    %swap3A_84 = arith.constant 160 : index
    %swap3A_85 = tpu.vector_load %arg8[%swap3A_84] {strides = array<i32>} : memref<320xi32, #tpu.memory_space<vmem>>, vector<16xi32>,
    tpu.vector_store %arg8[%swap3A_84], %add3A_83 {strides = array<i32>} : memref<320xi32, #tpu.memory_space<vmem>>, vector<16xi32>,
    %add3A_86 = arith.constant 176 : i32
    %add3A_87 = arith.addi %mul3A_2, %add3A_86 : i32
    %iota3A_88 = tpu.iota {dimensions = array<i32: 0>} : vector<16xi32>
    %add3A_89 = vector.broadcast %add3A_87 : i32 to vector<16xi32>
    %add3A_90 = arith.addi %add3A_89, %iota3A_88 : vector<16xi32>
    %swap3A_91 = arith.constant 176 : index
    %swap3A_92 = tpu.vector_load %arg8[%swap3A_91] {strides = array<i32>} : memref<320xi32, #tpu.memory_space<vmem>>, vector<16xi32>,
    tpu.vector_store %arg8[%swap3A_91], %add3A_90 {strides = array<i32>} : memref<320xi32, #tpu.memory_space<vmem>>, vector<16xi32>,
    %add3A_93 = arith.constant 192 : i32
    %add3A_94 = arith.addi %mul3A_2, %add3A_93 : i32
    %iota3A_95 = tpu.iota {dimensions = array<i32: 0>} : vector<16xi32>
    %add3A_96 = vector.broadcast %add3A_94 : i32 to vector<16xi32>
    %add3A_97 = arith.addi %add3A_96, %iota3A_95 : vector<16xi32>
    %swap3A_98 = arith.constant 192 : index
    %swap3A_99 = tpu.vector_load %arg8[%swap3A_98] {strides = array<i32>} : memref<320xi32, #tpu.memory_space<vmem>>, vector<16xi32>,
    tpu.vector_store %arg8[%swap3A_98], %add3A_97 {strides = array<i32>} : memref<320xi32, #tpu.memory_space<vmem>>, vector<16xi32>,
    %add3A_100 = arith.constant 208 : i32
    %add3A_101 = arith.addi %mul3A_2, %add3A_100 : i32
    %iota3A_102 = tpu.iota {dimensions = array<i32: 0>} : vector<16xi32>
    %add3A_103 = vector.broadcast %add3A_101 : i32 to vector<16xi32>
    %add3A_104 = arith.addi %add3A_103, %iota3A_102 : vector<16xi32>
    %swap3A_105 = arith.constant 208 : index
    %swap3A_106 = tpu.vector_load %arg8[%swap3A_105] {strides = array<i32>} : memref<320xi32, #tpu.memory_space<vmem>>, vector<16xi32>,
    tpu.vector_store %arg8[%swap3A_105], %add3A_104 {strides = array<i32>} : memref<320xi32, #tpu.memory_space<vmem>>, vector<16xi32>,
    %add3A_107 = arith.constant 224 : i32
    %add3A_108 = arith.addi %mul3A_2, %add3A_107 : i32
    %iota3A_109 = tpu.iota {dimensions = array<i32: 0>} : vector<16xi32>
    %add3A_110 = vector.broadcast %add3A_108 : i32 to vector<16xi32>
    %add3A_111 = arith.addi %add3A_110, %iota3A_109 : vector<16xi32>
    %swap3A_112 = arith.constant 224 : index
    %swap3A_113 = tpu.vector_load %arg8[%swap3A_112] {strides = array<i32>} : memref<320xi32, #tpu.memory_space<vmem>>, vector<16xi32>,
    tpu.vector_store %arg8[%swap3A_112], %add3A_111 {strides = array<i32>} : memref<320xi32, #tpu.memory_space<vmem>>, vector<16xi32>,
    %add3A_114 = arith.constant 240 : i32
    %add3A_115 = arith.addi %mul3A_2, %add3A_114 : i32
    %iota3A_116 = tpu.iota {dimensions = array<i32: 0>} : vector<16xi32>
    %add3A_117 = vector.broadcast %add3A_115 : i32 to vector<16xi32>
    %add3A_118 = arith.addi %add3A_117, %iota3A_116 : vector<16xi32>
    %swap3A_119 = arith.constant 240 : index
    %swap3A_120 = tpu.vector_load %arg8[%swap3A_119] {strides = array<i32>} : memref<320xi32, #tpu.memory_space<vmem>>, vector<16xi32>,
    tpu.vector_store %arg8[%swap3A_119], %add3A_118 {strides = array<i32>} : memref<320xi32, #tpu.memory_space<vmem>>, vector<16xi32>,
    %add3A_121 = arith.constant 256 : i32
    %add3A_122 = arith.addi %mul3A_2, %add3A_121 : i32
    %iota3A_123 = tpu.iota {dimensions = array<i32: 0>} : vector<16xi32>
    %add3A_124 = vector.broadcast %add3A_122 : i32 to vector<16xi32>
    %add3A_125 = arith.addi %add3A_124, %iota3A_123 : vector<16xi32>
    %swap3A_126 = arith.constant 256 : index
    %swap3A_127 = tpu.vector_load %arg8[%swap3A_126] {strides = array<i32>} : memref<320xi32, #tpu.memory_space<vmem>>, vector<16xi32>,
    tpu.vector_store %arg8[%swap3A_126], %add3A_125 {strides = array<i32>} : memref<320xi32, #tpu.memory_space<vmem>>, vector<16xi32>,
    %add3A_128 = arith.constant 272 : i32
    %add3A_129 = arith.addi %mul3A_2, %add3A_128 : i32
    %iota3A_130 = tpu.iota {dimensions = array<i32: 0>} : vector<16xi32>
    %add3A_131 = vector.broadcast %add3A_129 : i32 to vector<16xi32>
    %add3A_132 = arith.addi %add3A_131, %iota3A_130 : vector<16xi32>
    %swap3A_133 = arith.constant 272 : index
    %swap3A_134 = tpu.vector_load %arg8[%swap3A_133] {strides = array<i32>} : memref<320xi32, #tpu.memory_space<vmem>>, vector<16xi32>,
    tpu.vector_store %arg8[%swap3A_133], %add3A_132 {strides = array<i32>} : memref<320xi32, #tpu.memory_space<vmem>>, vector<16xi32>,
    %add3A_135 = arith.constant 288 : i32
    %add3A_136 = arith.addi %mul3A_2, %add3A_135 : i32
    %iota3A_137 = tpu.iota {dimensions = array<i32: 0>} : vector<16xi32>
    %add3A_138 = vector.broadcast %add3A_136 : i32 to vector<16xi32>
    %add3A_139 = arith.addi %add3A_138, %iota3A_137 : vector<16xi32>
    %swap3A_140 = arith.constant 288 : index
    %swap3A_141 = tpu.vector_load %arg8[%swap3A_140] {strides = array<i32>} : memref<320xi32, #tpu.memory_space<vmem>>, vector<16xi32>,
    tpu.vector_store %arg8[%swap3A_140], %add3A_139 {strides = array<i32>} : memref<320xi32, #tpu.memory_space<vmem>>, vector<16xi32>,
    %add3A_142 = arith.constant 304 : i32
    %add3A_143 = arith.addi %mul3A_2, %add3A_142 : i32
    %iota3A_144 = tpu.iota {dimensions = array<i32: 0>} : vector<16xi32>
    %add3A_145 = vector.broadcast %add3A_143 : i32 to vector<16xi32>
    %add3A_146 = arith.addi %add3A_145, %iota3A_144 : vector<16xi32>
    %swap3A_147 = arith.constant 304 : index
    %swap3A_148 = tpu.vector_load %arg8[%swap3A_147] {strides = array<i32>} : memref<320xi32, #tpu.memory_space<vmem>>, vector<16xi32>,
    tpu.vector_store %arg8[%swap3A_147], %add3A_146 {strides = array<i32>} : memref<320xi32, #tpu.memory_space<vmem>>, vector<16xi32>,
    %dma_start3A = arith.constant 0 : i32
    %dma_start3A_149 = tpu.memref_slice %arg8[%dma_start3A] : memref<320xi32, #tpu.memory_space<vmem>> -> memref<80xi32, #tpu.memory_space<vmem>>
    %dma_start3A_150 = arith.constant 0 : i32
    %dma_start3A_151 = tpu.memref_slice %arg3[%dma_start3A_150] : memref<10240xi32, #tpu.memory_space<hbm>> -> memref<10240xi32, #tpu.memory_space<hbm>>
    tpu.enqueue_indirect_dma source(%dma_start3A_149 : memref<80xi32, #tpu.memory_space<vmem>>) target(%dma_start3A_151 : memref<10240xi32, #tpu.memory_space<hbm>>) offsets(%arg4 : memref<80xi32, #tpu.memory_space<vmem>>) semaphore(%arg9 : memref<!tpu.dma_semaphore, #tpu.memory_space<semaphore_mem>>)
    %dma_start3A_152 = arith.constant 80 : i32
    %dma_start3A_153 = tpu.memref_slice %arg8[%dma_start3A_152] : memref<320xi32, #tpu.memory_space<vmem>> -> memref<80xi32, #tpu.memory_space<vmem>>
    %dma_start3A_154 = arith.constant 0 : i32
    %dma_start3A_155 = tpu.memref_slice %arg3[%dma_start3A_154] : memref<10240xi32, #tpu.memory_space<hbm>> -> memref<10240xi32, #tpu.memory_space<hbm>>
    tpu.enqueue_indirect_dma source(%dma_start3A_153 : memref<80xi32, #tpu.memory_space<vmem>>) target(%dma_start3A_155 : memref<10240xi32, #tpu.memory_space<hbm>>) offsets(%arg5 : memref<80xi32, #tpu.memory_space<vmem>>) semaphore(%arg9 : memref<!tpu.dma_semaphore, #tpu.memory_space<semaphore_mem>>)
    %dma_start3A_156 = arith.constant 160 : i32
    %dma_start3A_157 = tpu.memref_slice %arg8[%dma_start3A_156] : memref<320xi32, #tpu.memory_space<vmem>> -> memref<80xi32, #tpu.memory_space<vmem>>
    %dma_start3A_158 = arith.constant 0 : i32
    %dma_start3A_159 = tpu.memref_slice %arg3[%dma_start3A_158] : memref<10240xi32, #tpu.memory_space<hbm>> -> memref<10240xi32, #tpu.memory_space<hbm>>
    tpu.enqueue_indirect_dma source(%dma_start3A_157 : memref<80xi32, #tpu.memory_space<vmem>>) target(%dma_start3A_159 : memref<10240xi32, #tpu.memory_space<hbm>>) offsets(%arg6 : memref<80xi32, #tpu.memory_space<vmem>>) semaphore(%arg9 : memref<!tpu.dma_semaphore, #tpu.memory_space<semaphore_mem>>)
    %dma_start3A_160 = arith.constant 240 : i32
    %dma_start3A_161 = tpu.memref_slice %arg8[%dma_start3A_160] : memref<320xi32, #tpu.memory_space<vmem>> -> memref<80xi32, #tpu.memory_space<vmem>>
    %dma_start3A_162 = arith.constant 0 : i32
    %dma_start3A_163 = tpu.memref_slice %arg3[%dma_start3A_162] : memref<10240xi32, #tpu.memory_space<hbm>> -> memref<10240xi32, #tpu.memory_space<hbm>>
    tpu.enqueue_indirect_dma source(%dma_start3A_161 : memref<80xi32, #tpu.memory_space<vmem>>) target(%dma_start3A_163 : memref<10240xi32, #tpu.memory_space<hbm>>) offsets(%arg7 : memref<80xi32, #tpu.memory_space<vmem>>) semaphore(%arg9 : memref<!tpu.dma_semaphore, #tpu.memory_space<semaphore_mem>>)
    %dma_wait3A = arith.constant 0 : i32
    %dma_wait3A_164 = tpu.memref_slice %arg8[%dma_wait3A] : memref<320xi32, #tpu.memory_space<vmem>> -> memref<80xi32, #tpu.memory_space<vmem>>
    %dma_wait3A_165 = arith.constant 0 : i32
    %dma_wait3A_166 = tpu.memref_slice %arg3[%dma_wait3A_165] : memref<10240xi32, #tpu.memory_space<hbm>> -> memref<10240xi32, #tpu.memory_space<hbm>>
    tpu.wait_indirect_dma semaphore(%arg9 : memref<!tpu.dma_semaphore, #tpu.memory_space<semaphore_mem>>) src(%dma_wait3A_164 : memref<80xi32, #tpu.memory_space<vmem>>) dst(%dma_wait3A_166 : memref<10240xi32, #tpu.memory_space<hbm>>)
    %dma_wait3A_167 = arith.constant 80 : i32
    %dma_wait3A_168 = tpu.memref_slice %arg8[%dma_wait3A_167] : memref<320xi32, #tpu.memory_space<vmem>> -> memref<80xi32, #tpu.memory_space<vmem>>
    %dma_wait3A_169 = arith.constant 0 : i32
    %dma_wait3A_170 = tpu.memref_slice %arg3[%dma_wait3A_169] : memref<10240xi32, #tpu.memory_space<hbm>> -> memref<10240xi32, #tpu.memory_space<hbm>>
    tpu.wait_indirect_dma semaphore(%arg9 : memref<!tpu.dma_semaphore, #tpu.memory_space<semaphore_mem>>) src(%dma_wait3A_168 : memref<80xi32, #tpu.memory_space<vmem>>) dst(%dma_wait3A_170 : memref<10240xi32, #tpu.memory_space<hbm>>)
    %dma_wait3A_171 = arith.constant 160 : i32
    %dma_wait3A_172 = tpu.memref_slice %arg8[%dma_wait3A_171] : memref<320xi32, #tpu.memory_space<vmem>> -> memref<80xi32, #tpu.memory_space<vmem>>
    %dma_wait3A_173 = arith.constant 0 : i32
    %dma_wait3A_174 = tpu.memref_slice %arg3[%dma_wait3A_173] : memref<10240xi32, #tpu.memory_space<hbm>> -> memref<10240xi32, #tpu.memory_space<hbm>>
    tpu.wait_indirect_dma semaphore(%arg9 : memref<!tpu.dma_semaphore, #tpu.memory_space<semaphore_mem>>) src(%dma_wait3A_172 : memref<80xi32, #tpu.memory_space<vmem>>) dst(%dma_wait3A_174 : memref<10240xi32, #tpu.memory_space<hbm>>)
    %dma_wait3A_175 = arith.constant 240 : i32
    %dma_wait3A_176 = tpu.memref_slice %arg8[%dma_wait3A_175] : memref<320xi32, #tpu.memory_space<vmem>> -> memref<80xi32, #tpu.memory_space<vmem>>
    %dma_wait3A_177 = arith.constant 0 : i32
    %dma_wait3A_178 = tpu.memref_slice %arg3[%dma_wait3A_177] : memref<10240xi32, #tpu.memory_space<hbm>> -> memref<10240xi32, #tpu.memory_space<hbm>>
    tpu.wait_indirect_dma semaphore(%arg9 : memref<!tpu.dma_semaphore, #tpu.memory_space<semaphore_mem>>) src(%dma_wait3A_176 : memref<80xi32, #tpu.memory_space<vmem>>) dst(%dma_wait3A_178 : memref<10240xi32, #tpu.memory_space<hbm>>)
    return
  }
}

#map = affine_map<(d0, d1) -> (0)>
module attributes {stable_mosaic.version = 14 : i64} {
  func.func @gather_k(%arg0: i32, %arg1: i32, %arg2: memref<100000000xf32, #tpu.memory_space<hbm>>, %arg3: memref<5008xi32, #tpu.memory_space<hbm>>, %arg4: memref<20480xi32, #tpu.memory_space<hbm>>, %arg5: memref<25000000xf32, #tpu.memory_space<hbm>>, %arg6: memref<5008xi32, #tpu.memory_space<vmem>>, %arg7: memref<640xi32, #tpu.memory_space<vmem>>, %arg8: memref<80000xf32, #tpu.memory_space<vmem>>, %arg9: memref<40064xf32, #tpu.memory_space<vmem>>, %arg10: memref<!tpu.dma_semaphore, #tpu.memory_space<semaphore_mem>>, %arg11: memref<!tpu.dma_semaphore, #tpu.memory_space<semaphore_mem>>, %arg12: memref<!tpu.dma_semaphore, #tpu.memory_space<semaphore_mem>>, %arg13: memref<!tpu.dma_semaphore, #tpu.memory_space<semaphore_mem>>) attributes {dimension_semantics = [#tpu.dimension_semantics<core_parallel>, #tpu.dimension_semantics<subcore_parallel>], iteration_bounds = array<i64: 2, 16>, scalar_prefetch = 0 : i64, scratch_operands = 8 : i64, tpu.core_type = #tpu.core_type<sc_vector_subcore>, window_params = [{transform_indices = #map}, {transform_indices = #map}, {transform_indices = #map}, {transform_indices = #map}]} {
    %mul3A = arith.constant 2 : i32
    %mul3A_0 = arith.muli %arg1, %mul3A : i32
    %add3A = arith.addi %mul3A_0, %arg0 : i32
    %mul3A_1 = arith.constant 40 : i32
    %mul3A_2 = arith.muli %add3A, %mul3A_1 : i32
    "tpu.region"() ({
      %run_scoped3A = tpu.sem_alloc : memref<!tpu.dma_semaphore, #tpu.memory_space<semaphore_mem>>
      tpu.enqueue_dma source(%arg3 : memref<5008xi32, #tpu.memory_space<hbm>>) target(%arg6 : memref<5008xi32, #tpu.memory_space<vmem>>) target_semaphore(%run_scoped3A : memref<!tpu.dma_semaphore, #tpu.memory_space<semaphore_mem>>)
      tpu.wait_dma2 semaphore(%run_scoped3A : memref<!tpu.dma_semaphore, #tpu.memory_space<semaphore_mem>>) src(%arg3 : memref<5008xi32, #tpu.memory_space<hbm>>) dst(%arg6 : memref<5008xi32, #tpu.memory_space<vmem>>)
      tpu.yield
    }) : () -> ()
    %mul3A_3 = arith.constant 16 : i32
    %mul3A_4 = arith.muli %mul3A_2, %mul3A_3 : i32
    "tpu.region"() ({
      %run_scoped3A = tpu.sem_alloc : memref<!tpu.dma_semaphore, #tpu.memory_space<semaphore_mem>>
      %dma_start3A = tpu.memref_slice %arg4[%mul3A_4] : memref<20480xi32, #tpu.memory_space<hbm>> -> memref<640xi32, #tpu.memory_space<hbm>>
      %dma_start3A_28 = tpu.memref_slice %arg4[%mul3A_4] : memref<20480xi32, #tpu.memory_space<hbm>> -> memref<640xi32, #tpu.memory_space<hbm>>
      tpu.enqueue_dma source(%dma_start3A_28 : memref<640xi32, #tpu.memory_space<hbm>>) target(%arg7 : memref<640xi32, #tpu.memory_space<vmem>>) target_semaphore(%run_scoped3A : memref<!tpu.dma_semaphore, #tpu.memory_space<semaphore_mem>>)
      %dma_wait3A = tpu.memref_slice %arg4[%mul3A_4] : memref<20480xi32, #tpu.memory_space<hbm>> -> memref<640xi32, #tpu.memory_space<hbm>>
      %dma_wait3A_29 = tpu.memref_slice %arg4[%mul3A_4] : memref<20480xi32, #tpu.memory_space<hbm>> -> memref<640xi32, #tpu.memory_space<hbm>>
      tpu.wait_dma2 semaphore(%run_scoped3A : memref<!tpu.dma_semaphore, #tpu.memory_space<semaphore_mem>>) src(%dma_wait3A_29 : memref<640xi32, #tpu.memory_space<hbm>>) dst(%arg7 : memref<640xi32, #tpu.memory_space<vmem>>)
      tpu.yield
    }) : () -> ()
    %iota3A = tpu.iota {dimensions = array<i32: 0>} : vector<16xi32>
    %lt3A = arith.constant 1250 : i32
    %lt3A_5 = arith.cmpi slt, %mul3A_2, %lt3A : i32
    %convert_element_type3A = arith.extui %lt3A_5 : i1 to i32
    %cond3A = arith.constant -2147483648 : i32
    %cond3A_6 = arith.constant 0 : i32
    %cond3A_7 = arith.cmpi ne, %convert_element_type3A, %cond3A_6 : i32
    scf.if %cond3A_7 {
      %multiple_of3A = arith.constant 0 : i32
      %multiple_of3A_28 = tpu.assume_multiple %multiple_of3A, 16 : i32
      %get3A = arith.index_cast %multiple_of3A_28 : i32 to index
      %get3A_29 = tpu.vector_load %arg7[%get3A] {strides = array<i32>} : memref<640xi32, #tpu.memory_space<vmem>>, vector<16xi32>,
      %eq3A = arith.constant 0 : i32
      %eq3A_30 = vector.broadcast %eq3A : i32 to vector<16xi32>
      %eq3A_31 = arith.cmpi eq, %iota3A, %eq3A_30 : vector<16xi32>
      %broadcast_in_dim3A = vector.broadcast %cond3A : i32 to vector<16xi32>
      %select_n3A = arith.select %eq3A_31, %get3A_29, %broadcast_in_dim3A : vector<16xi1>, vector<16xi32>
      %reduce_max3A = arith.constant true
      %reduce_max3A_32 = vector.broadcast %reduce_max3A : i1 to vector<16xi1>
      %reduce_max3A_33 = arith.constant -2147483648 : i32
      %reduce_max3A_34 = vector.broadcast %reduce_max3A_33 : i32 to vector<16xi32>
      %reduce_max3A_35 = arith.xori %select_n3A, %reduce_max3A_34 : vector<16xi32>
      %reduce_max3A_36 = tpu.scan <max>, %reduce_max3A_35 masked %reduce_max3A_32 : vector<16xi32>, vector<16xi1> -> vector<16xi32>
      %reduce_max3A_37 = arith.xori %reduce_max3A_36, %reduce_max3A_34 : vector<16xi32>
      %reduce_max3A_38 = vector.extract %reduce_max3A_37[15] : i32 from vector<16xi32>
      %mul3A_39 = arith.constant 10000 : i32
      %mul3A_40 = arith.muli %reduce_max3A_38, %mul3A_39 : i32
      %multiple_of3A_41 = tpu.assume_multiple %mul3A_40, 8 : i32
      %dma_start3A = arith.constant 0 : i32
      %dma_start3A_42 = tpu.memref_slice %arg8[%dma_start3A] : memref<80000xf32, #tpu.memory_space<vmem>> -> memref<10000xf32, #tpu.memory_space<vmem>>
      %dma_start3A_43 = tpu.memref_slice %arg2[%multiple_of3A_41] : memref<100000000xf32, #tpu.memory_space<hbm>> -> memref<10000xf32, #tpu.memory_space<hbm>>
      %dma_start3A_44 = arith.constant 0 : i32
      %dma_start3A_45 = tpu.memref_slice %arg8[%dma_start3A_44] : memref<80000xf32, #tpu.memory_space<vmem>> -> memref<10000xf32, #tpu.memory_space<vmem>>
      %dma_start3A_46 = tpu.memref_slice %arg2[%multiple_of3A_41] : memref<100000000xf32, #tpu.memory_space<hbm>> -> memref<10000xf32, #tpu.memory_space<hbm>>
      tpu.enqueue_dma source(%dma_start3A_46 : memref<10000xf32, #tpu.memory_space<hbm>>) target(%dma_start3A_45 : memref<10000xf32, #tpu.memory_space<vmem>>) target_semaphore(%arg10 : memref<!tpu.dma_semaphore, #tpu.memory_space<semaphore_mem>>)
      %eq3A_47 = arith.constant 1 : i32
      %eq3A_48 = vector.broadcast %eq3A_47 : i32 to vector<16xi32>
      %eq3A_49 = arith.cmpi eq, %iota3A, %eq3A_48 : vector<16xi32>
      %broadcast_in_dim3A_50 = vector.broadcast %cond3A : i32 to vector<16xi32>
      %select_n3A_51 = arith.select %eq3A_49, %get3A_29, %broadcast_in_dim3A_50 : vector<16xi1>, vector<16xi32>
      %reduce_max3A_52 = arith.constant true
      %reduce_max3A_53 = vector.broadcast %reduce_max3A_52 : i1 to vector<16xi1>
      %reduce_max3A_54 = arith.constant -2147483648 : i32
      %reduce_max3A_55 = vector.broadcast %reduce_max3A_54 : i32 to vector<16xi32>
      %reduce_max3A_56 = arith.xori %select_n3A_51, %reduce_max3A_55 : vector<16xi32>
      %reduce_max3A_57 = tpu.scan <max>, %reduce_max3A_56 masked %reduce_max3A_53 : vector<16xi32>, vector<16xi1> -> vector<16xi32>
      %reduce_max3A_58 = arith.xori %reduce_max3A_57, %reduce_max3A_55 : vector<16xi32>
      %reduce_max3A_59 = vector.extract %reduce_max3A_58[15] : i32 from vector<16xi32>
      %mul3A_60 = arith.constant 10000 : i32
      %mul3A_61 = arith.muli %reduce_max3A_59, %mul3A_60 : i32
      %multiple_of3A_62 = tpu.assume_multiple %mul3A_61, 8 : i32
      %dma_start3A_63 = arith.constant 10000 : i32
      %dma_start3A_64 = tpu.memref_slice %arg8[%dma_start3A_63] : memref<80000xf32, #tpu.memory_space<vmem>> -> memref<10000xf32, #tpu.memory_space<vmem>>
      %dma_start3A_65 = tpu.memref_slice %arg2[%multiple_of3A_62] : memref<100000000xf32, #tpu.memory_space<hbm>> -> memref<10000xf32, #tpu.memory_space<hbm>>
      %dma_start3A_66 = arith.constant 10000 : i32
      %dma_start3A_67 = tpu.memref_slice %arg8[%dma_start3A_66] : memref<80000xf32, #tpu.memory_space<vmem>> -> memref<10000xf32, #tpu.memory_space<vmem>>
      %dma_start3A_68 = tpu.memref_slice %arg2[%multiple_of3A_62] : memref<100000000xf32, #tpu.memory_space<hbm>> -> memref<10000xf32, #tpu.memory_space<hbm>>
      tpu.enqueue_dma source(%dma_start3A_68 : memref<10000xf32, #tpu.memory_space<hbm>>) target(%dma_start3A_67 : memref<10000xf32, #tpu.memory_space<vmem>>) target_semaphore(%arg10 : memref<!tpu.dma_semaphore, #tpu.memory_space<semaphore_mem>>)
      %eq3A_69 = arith.constant 2 : i32
      %eq3A_70 = vector.broadcast %eq3A_69 : i32 to vector<16xi32>
      %eq3A_71 = arith.cmpi eq, %iota3A, %eq3A_70 : vector<16xi32>
      %broadcast_in_dim3A_72 = vector.broadcast %cond3A : i32 to vector<16xi32>
      %select_n3A_73 = arith.select %eq3A_71, %get3A_29, %broadcast_in_dim3A_72 : vector<16xi1>, vector<16xi32>
      %reduce_max3A_74 = arith.constant true
      %reduce_max3A_75 = vector.broadcast %reduce_max3A_74 : i1 to vector<16xi1>
      %reduce_max3A_76 = arith.constant -2147483648 : i32
      %reduce_max3A_77 = vector.broadcast %reduce_max3A_76 : i32 to vector<16xi32>
      %reduce_max3A_78 = arith.xori %select_n3A_73, %reduce_max3A_77 : vector<16xi32>
      %reduce_max3A_79 = tpu.scan <max>, %reduce_max3A_78 masked %reduce_max3A_75 : vector<16xi32>, vector<16xi1> -> vector<16xi32>
      %reduce_max3A_80 = arith.xori %reduce_max3A_79, %reduce_max3A_77 : vector<16xi32>
      %reduce_max3A_81 = vector.extract %reduce_max3A_80[15] : i32 from vector<16xi32>
      %mul3A_82 = arith.constant 10000 : i32
      %mul3A_83 = arith.muli %reduce_max3A_81, %mul3A_82 : i32
      %multiple_of3A_84 = tpu.assume_multiple %mul3A_83, 8 : i32
      %dma_start3A_85 = arith.constant 20000 : i32
      %dma_start3A_86 = tpu.memref_slice %arg8[%dma_start3A_85] : memref<80000xf32, #tpu.memory_space<vmem>> -> memref<10000xf32, #tpu.memory_space<vmem>>
      %dma_start3A_87 = tpu.memref_slice %arg2[%multiple_of3A_84] : memref<100000000xf32, #tpu.memory_space<hbm>> -> memref<10000xf32, #tpu.memory_space<hbm>>
      %dma_start3A_88 = arith.constant 20000 : i32
      %dma_start3A_89 = tpu.memref_slice %arg8[%dma_start3A_88] : memref<80000xf32, #tpu.memory_space<vmem>> -> memref<10000xf32, #tpu.memory_space<vmem>>
      %dma_start3A_90 = tpu.memref_slice %arg2[%multiple_of3A_84] : memref<100000000xf32, #tpu.memory_space<hbm>> -> memref<10000xf32, #tpu.memory_space<hbm>>
      tpu.enqueue_dma source(%dma_start3A_90 : memref<10000xf32, #tpu.memory_space<hbm>>) target(%dma_start3A_89 : memref<10000xf32, #tpu.memory_space<vmem>>) target_semaphore(%arg10 : memref<!tpu.dma_semaphore, #tpu.memory_space<semaphore_mem>>)
      %eq3A_91 = arith.constant 3 : i32
      %eq3A_92 = vector.broadcast %eq3A_91 : i32 to vector<16xi32>
      %eq3A_93 = arith.cmpi eq, %iota3A, %eq3A_92 : vector<16xi32>
      %broadcast_in_dim3A_94 = vector.broadcast %cond3A : i32 to vector<16xi32>
      %select_n3A_95 = arith.select %eq3A_93, %get3A_29, %broadcast_in_dim3A_94 : vector<16xi1>, vector<16xi32>
      %reduce_max3A_96 = arith.constant true
      %reduce_max3A_97 = vector.broadcast %reduce_max3A_96 : i1 to vector<16xi1>
      %reduce_max3A_98 = arith.constant -2147483648 : i32
      %reduce_max3A_99 = vector.broadcast %reduce_max3A_98 : i32 to vector<16xi32>
      %reduce_max3A_100 = arith.xori %select_n3A_95, %reduce_max3A_99 : vector<16xi32>
      %reduce_max3A_101 = tpu.scan <max>, %reduce_max3A_100 masked %reduce_max3A_97 : vector<16xi32>, vector<16xi1> -> vector<16xi32>
      %reduce_max3A_102 = arith.xori %reduce_max3A_101, %reduce_max3A_99 : vector<16xi32>
      %reduce_max3A_103 = vector.extract %reduce_max3A_102[15] : i32 from vector<16xi32>
      %mul3A_104 = arith.constant 10000 : i32
      %mul3A_105 = arith.muli %reduce_max3A_103, %mul3A_104 : i32
      %multiple_of3A_106 = tpu.assume_multiple %mul3A_105, 8 : i32
      %dma_start3A_107 = arith.constant 30000 : i32
      %dma_start3A_108 = tpu.memref_slice %arg8[%dma_start3A_107] : memref<80000xf32, #tpu.memory_space<vmem>> -> memref<10000xf32, #tpu.memory_space<vmem>>
      %dma_start3A_109 = tpu.memref_slice %arg2[%multiple_of3A_106] : memref<100000000xf32, #tpu.memory_space<hbm>> -> memref<10000xf32, #tpu.memory_space<hbm>>
      %dma_start3A_110 = arith.constant 30000 : i32
      %dma_start3A_111 = tpu.memref_slice %arg8[%dma_start3A_110] : memref<80000xf32, #tpu.memory_space<vmem>> -> memref<10000xf32, #tpu.memory_space<vmem>>
      %dma_start3A_112 = tpu.memref_slice %arg2[%multiple_of3A_106] : memref<100000000xf32, #tpu.memory_space<hbm>> -> memref<10000xf32, #tpu.memory_space<hbm>>
      tpu.enqueue_dma source(%dma_start3A_112 : memref<10000xf32, #tpu.memory_space<hbm>>) target(%dma_start3A_111 : memref<10000xf32, #tpu.memory_space<vmem>>) target_semaphore(%arg10 : memref<!tpu.dma_semaphore, #tpu.memory_space<semaphore_mem>>)
    } else {
    }
    %scan3A = arith.constant 0 : i32
    %scan3A_8 = arith.constant -2147483648 : i32
    %scan3A_9 = arith.constant 0 : i32
    %scan3A_10 = arith.constant 20 : i32
    %scan3A_11 = arith.addi %scan3A_9, %scan3A_10 : i32
    %scan3A_12 = arith.constant 1 : i32
    scf.for %scan3A_28 = %scan3A_9 to %scan3A_11 step %scan3A_12  : i32 {
      %mul3A_29 = arith.constant 2 : i32
      %mul3A_30 = arith.muli %mul3A_29, %scan3A_28 : i32
      %add3A_31 = arith.constant 0 : i32
      %add3A_32 = arith.addi %mul3A_30, %add3A_31 : i32
      %add3A_33 = arith.addi %mul3A_2, %add3A_32 : i32
      %lt3A_34 = arith.constant 1250 : i32
      %lt3A_35 = arith.cmpi slt, %add3A_33, %lt3A_34 : i32
      %convert_element_type3A_36 = arith.extui %lt3A_35 : i1 to i32
      %cond3A_37 = arith.constant 0 : i32
      %cond3A_38 = arith.cmpi ne, %convert_element_type3A_36, %cond3A_37 : i32
      scf.if %cond3A_38 {
        %add3A_49 = arith.constant 1 : i32
        %add3A_50 = arith.addi %add3A_33, %add3A_49 : i32
        %lt3A_51 = arith.constant 1250 : i32
        %lt3A_52 = arith.cmpi slt, %add3A_50, %lt3A_51 : i32
        %add3A_53 = arith.constant 1 : i32
        %add3A_54 = arith.addi %add3A_32, %add3A_53 : i32
        %lt3A_55 = arith.constant 40 : i32
        %lt3A_56 = arith.cmpi slt, %add3A_54, %lt3A_55 : i32
        %and3A = arith.andi %lt3A_52, %lt3A_56 : i1
        %convert_element_type3A_57 = arith.extui %and3A : i1 to i32
        %cond3A_58 = arith.constant 0 : i32
        %cond3A_59 = arith.cmpi ne, %convert_element_type3A_57, %cond3A_58 : i32
        scf.if %cond3A_59 {
          %add3A_142 = arith.constant 1 : i32
          %add3A_143 = arith.addi %add3A_32, %add3A_142 : i32
          %mul3A_144 = arith.constant 16 : i32
          %mul3A_145 = arith.muli %add3A_143, %mul3A_144 : i32
          %multiple_of3A = tpu.assume_multiple %mul3A_145, 16 : i32
          %get3A = arith.index_cast %multiple_of3A : i32 to index
          %get3A_146 = tpu.vector_load %arg7[%get3A] {strides = array<i32>} : memref<640xi32, #tpu.memory_space<vmem>>, vector<16xi32>,
          %eq3A = arith.constant 0 : i32
          %eq3A_147 = vector.broadcast %eq3A : i32 to vector<16xi32>
          %eq3A_148 = arith.cmpi eq, %iota3A, %eq3A_147 : vector<16xi32>
          %broadcast_in_dim3A = vector.broadcast %scan3A_8 : i32 to vector<16xi32>
          %select_n3A = arith.select %eq3A_148, %get3A_146, %broadcast_in_dim3A : vector<16xi1>, vector<16xi32>
          %reduce_max3A = arith.constant true
          %reduce_max3A_149 = vector.broadcast %reduce_max3A : i1 to vector<16xi1>
          %reduce_max3A_150 = arith.constant -2147483648 : i32
          %reduce_max3A_151 = vector.broadcast %reduce_max3A_150 : i32 to vector<16xi32>
          %reduce_max3A_152 = arith.xori %select_n3A, %reduce_max3A_151 : vector<16xi32>
          %reduce_max3A_153 = tpu.scan <max>, %reduce_max3A_152 masked %reduce_max3A_149 : vector<16xi32>, vector<16xi1> -> vector<16xi32>
          %reduce_max3A_154 = arith.xori %reduce_max3A_153, %reduce_max3A_151 : vector<16xi32>
          %reduce_max3A_155 = vector.extract %reduce_max3A_154[15] : i32 from vector<16xi32>
          %mul3A_156 = arith.constant 10000 : i32
          %mul3A_157 = arith.muli %reduce_max3A_155, %mul3A_156 : i32
          %multiple_of3A_158 = tpu.assume_multiple %mul3A_157, 8 : i32
          %dma_start3A_159 = arith.constant 40000 : i32
          %dma_start3A_160 = tpu.memref_slice %arg8[%dma_start3A_159] : memref<80000xf32, #tpu.memory_space<vmem>> -> memref<10000xf32, #tpu.memory_space<vmem>>
          %dma_start3A_161 = tpu.memref_slice %arg2[%multiple_of3A_158] : memref<100000000xf32, #tpu.memory_space<hbm>> -> memref<10000xf32, #tpu.memory_space<hbm>>
          %dma_start3A_162 = arith.constant 40000 : i32
          %dma_start3A_163 = tpu.memref_slice %arg8[%dma_start3A_162] : memref<80000xf32, #tpu.memory_space<vmem>> -> memref<10000xf32, #tpu.memory_space<vmem>>
          %dma_start3A_164 = tpu.memref_slice %arg2[%multiple_of3A_158] : memref<100000000xf32, #tpu.memory_space<hbm>> -> memref<10000xf32, #tpu.memory_space<hbm>>
          tpu.enqueue_dma source(%dma_start3A_164 : memref<10000xf32, #tpu.memory_space<hbm>>) target(%dma_start3A_163 : memref<10000xf32, #tpu.memory_space<vmem>>) target_semaphore(%arg11 : memref<!tpu.dma_semaphore, #tpu.memory_space<semaphore_mem>>)
          %eq3A_165 = arith.constant 1 : i32
          %eq3A_166 = vector.broadcast %eq3A_165 : i32 to vector<16xi32>
          %eq3A_167 = arith.cmpi eq, %iota3A, %eq3A_166 : vector<16xi32>
          %broadcast_in_dim3A_168 = vector.broadcast %scan3A_8 : i32 to vector<16xi32>
          %select_n3A_169 = arith.select %eq3A_167, %get3A_146, %broadcast_in_dim3A_168 : vector<16xi1>, vector<16xi32>
          %reduce_max3A_170 = arith.constant true
          %reduce_max3A_171 = vector.broadcast %reduce_max3A_170 : i1 to vector<16xi1>
          %reduce_max3A_172 = arith.constant -2147483648 : i32
          %reduce_max3A_173 = vector.broadcast %reduce_max3A_172 : i32 to vector<16xi32>
          %reduce_max3A_174 = arith.xori %select_n3A_169, %reduce_max3A_173 : vector<16xi32>
          %reduce_max3A_175 = tpu.scan <max>, %reduce_max3A_174 masked %reduce_max3A_171 : vector<16xi32>, vector<16xi1> -> vector<16xi32>
          %reduce_max3A_176 = arith.xori %reduce_max3A_175, %reduce_max3A_173 : vector<16xi32>
          %reduce_max3A_177 = vector.extract %reduce_max3A_176[15] : i32 from vector<16xi32>
          %mul3A_178 = arith.constant 10000 : i32
          %mul3A_179 = arith.muli %reduce_max3A_177, %mul3A_178 : i32
          %multiple_of3A_180 = tpu.assume_multiple %mul3A_179, 8 : i32
          %dma_start3A_181 = arith.constant 50000 : i32
          %dma_start3A_182 = tpu.memref_slice %arg8[%dma_start3A_181] : memref<80000xf32, #tpu.memory_space<vmem>> -> memref<10000xf32, #tpu.memory_space<vmem>>
          %dma_start3A_183 = tpu.memref_slice %arg2[%multiple_of3A_180] : memref<100000000xf32, #tpu.memory_space<hbm>> -> memref<10000xf32, #tpu.memory_space<hbm>>
          %dma_start3A_184 = arith.constant 50000 : i32
          %dma_start3A_185 = tpu.memref_slice %arg8[%dma_start3A_184] : memref<80000xf32, #tpu.memory_space<vmem>> -> memref<10000xf32, #tpu.memory_space<vmem>>
          %dma_start3A_186 = tpu.memref_slice %arg2[%multiple_of3A_180] : memref<100000000xf32, #tpu.memory_space<hbm>> -> memref<10000xf32, #tpu.memory_space<hbm>>
          tpu.enqueue_dma source(%dma_start3A_186 : memref<10000xf32, #tpu.memory_space<hbm>>) target(%dma_start3A_185 : memref<10000xf32, #tpu.memory_space<vmem>>) target_semaphore(%arg11 : memref<!tpu.dma_semaphore, #tpu.memory_space<semaphore_mem>>)
          %eq3A_187 = arith.constant 2 : i32
          %eq3A_188 = vector.broadcast %eq3A_187 : i32 to vector<16xi32>
          %eq3A_189 = arith.cmpi eq, %iota3A, %eq3A_188 : vector<16xi32>
          %broadcast_in_dim3A_190 = vector.broadcast %scan3A_8 : i32 to vector<16xi32>
          %select_n3A_191 = arith.select %eq3A_189, %get3A_146, %broadcast_in_dim3A_190 : vector<16xi1>, vector<16xi32>
          %reduce_max3A_192 = arith.constant true
          %reduce_max3A_193 = vector.broadcast %reduce_max3A_192 : i1 to vector<16xi1>
          %reduce_max3A_194 = arith.constant -2147483648 : i32
          %reduce_max3A_195 = vector.broadcast %reduce_max3A_194 : i32 to vector<16xi32>
          %reduce_max3A_196 = arith.xori %select_n3A_191, %reduce_max3A_195 : vector<16xi32>
          %reduce_max3A_197 = tpu.scan <max>, %reduce_max3A_196 masked %reduce_max3A_193 : vector<16xi32>, vector<16xi1> -> vector<16xi32>
          %reduce_max3A_198 = arith.xori %reduce_max3A_197, %reduce_max3A_195 : vector<16xi32>
          %reduce_max3A_199 = vector.extract %reduce_max3A_198[15] : i32 from vector<16xi32>
          %mul3A_200 = arith.constant 10000 : i32
          %mul3A_201 = arith.muli %reduce_max3A_199, %mul3A_200 : i32
          %multiple_of3A_202 = tpu.assume_multiple %mul3A_201, 8 : i32
          %dma_start3A_203 = arith.constant 60000 : i32
          %dma_start3A_204 = tpu.memref_slice %arg8[%dma_start3A_203] : memref<80000xf32, #tpu.memory_space<vmem>> -> memref<10000xf32, #tpu.memory_space<vmem>>
          %dma_start3A_205 = tpu.memref_slice %arg2[%multiple_of3A_202] : memref<100000000xf32, #tpu.memory_space<hbm>> -> memref<10000xf32, #tpu.memory_space<hbm>>
          %dma_start3A_206 = arith.constant 60000 : i32
          %dma_start3A_207 = tpu.memref_slice %arg8[%dma_start3A_206] : memref<80000xf32, #tpu.memory_space<vmem>> -> memref<10000xf32, #tpu.memory_space<vmem>>
          %dma_start3A_208 = tpu.memref_slice %arg2[%multiple_of3A_202] : memref<100000000xf32, #tpu.memory_space<hbm>> -> memref<10000xf32, #tpu.memory_space<hbm>>
          tpu.enqueue_dma source(%dma_start3A_208 : memref<10000xf32, #tpu.memory_space<hbm>>) target(%dma_start3A_207 : memref<10000xf32, #tpu.memory_space<vmem>>) target_semaphore(%arg11 : memref<!tpu.dma_semaphore, #tpu.memory_space<semaphore_mem>>)
          %eq3A_209 = arith.constant 3 : i32
          %eq3A_210 = vector.broadcast %eq3A_209 : i32 to vector<16xi32>
          %eq3A_211 = arith.cmpi eq, %iota3A, %eq3A_210 : vector<16xi32>
          %broadcast_in_dim3A_212 = vector.broadcast %scan3A_8 : i32 to vector<16xi32>
          %select_n3A_213 = arith.select %eq3A_211, %get3A_146, %broadcast_in_dim3A_212 : vector<16xi1>, vector<16xi32>
          %reduce_max3A_214 = arith.constant true
          %reduce_max3A_215 = vector.broadcast %reduce_max3A_214 : i1 to vector<16xi1>
          %reduce_max3A_216 = arith.constant -2147483648 : i32
          %reduce_max3A_217 = vector.broadcast %reduce_max3A_216 : i32 to vector<16xi32>
          %reduce_max3A_218 = arith.xori %select_n3A_213, %reduce_max3A_217 : vector<16xi32>
          %reduce_max3A_219 = tpu.scan <max>, %reduce_max3A_218 masked %reduce_max3A_215 : vector<16xi32>, vector<16xi1> -> vector<16xi32>
          %reduce_max3A_220 = arith.xori %reduce_max3A_219, %reduce_max3A_217 : vector<16xi32>
          %reduce_max3A_221 = vector.extract %reduce_max3A_220[15] : i32 from vector<16xi32>
          %mul3A_222 = arith.constant 10000 : i32
          %mul3A_223 = arith.muli %reduce_max3A_221, %mul3A_222 : i32
          %multiple_of3A_224 = tpu.assume_multiple %mul3A_223, 8 : i32
          %dma_start3A_225 = arith.constant 70000 : i32
          %dma_start3A_226 = tpu.memref_slice %arg8[%dma_start3A_225] : memref<80000xf32, #tpu.memory_space<vmem>> -> memref<10000xf32, #tpu.memory_space<vmem>>
          %dma_start3A_227 = tpu.memref_slice %arg2[%multiple_of3A_224] : memref<100000000xf32, #tpu.memory_space<hbm>> -> memref<10000xf32, #tpu.memory_space<hbm>>
          %dma_start3A_228 = arith.constant 70000 : i32
          %dma_start3A_229 = tpu.memref_slice %arg8[%dma_start3A_228] : memref<80000xf32, #tpu.memory_space<vmem>> -> memref<10000xf32, #tpu.memory_space<vmem>>
          %dma_start3A_230 = tpu.memref_slice %arg2[%multiple_of3A_224] : memref<100000000xf32, #tpu.memory_space<hbm>> -> memref<10000xf32, #tpu.memory_space<hbm>>
          tpu.enqueue_dma source(%dma_start3A_230 : memref<10000xf32, #tpu.memory_space<hbm>>) target(%dma_start3A_229 : memref<10000xf32, #tpu.memory_space<vmem>>) target_semaphore(%arg11 : memref<!tpu.dma_semaphore, #tpu.memory_space<semaphore_mem>>)
        } else {
        }
        %dma_wait3A = arith.constant 0 : i32
        %dma_wait3A_60 = tpu.memref_slice %arg8[%dma_wait3A] : memref<80000xf32, #tpu.memory_space<vmem>> -> memref<10000xf32, #tpu.memory_space<vmem>>
        %dma_wait3A_61 = arith.constant 0 : i32
        %dma_wait3A_62 = tpu.memref_slice %arg2[%dma_wait3A_61] : memref<100000000xf32, #tpu.memory_space<hbm>> -> memref<10000xf32, #tpu.memory_space<hbm>>
        %dma_wait3A_63 = arith.constant 0 : i32
        %dma_wait3A_64 = tpu.memref_slice %arg8[%dma_wait3A_63] : memref<80000xf32, #tpu.memory_space<vmem>> -> memref<10000xf32, #tpu.memory_space<vmem>>
        %dma_wait3A_65 = arith.constant 0 : i32
        %dma_wait3A_66 = tpu.memref_slice %arg2[%dma_wait3A_65] : memref<100000000xf32, #tpu.memory_space<hbm>> -> memref<10000xf32, #tpu.memory_space<hbm>>
        tpu.wait_dma2 semaphore(%arg10 : memref<!tpu.dma_semaphore, #tpu.memory_space<semaphore_mem>>) src(%dma_wait3A_66 : memref<10000xf32, #tpu.memory_space<hbm>>) dst(%dma_wait3A_64 : memref<10000xf32, #tpu.memory_space<vmem>>)
        %dma_wait3A_67 = arith.constant 10000 : i32
        %dma_wait3A_68 = tpu.memref_slice %arg8[%dma_wait3A_67] : memref<80000xf32, #tpu.memory_space<vmem>> -> memref<10000xf32, #tpu.memory_space<vmem>>
        %dma_wait3A_69 = arith.constant 0 : i32
        %dma_wait3A_70 = tpu.memref_slice %arg2[%dma_wait3A_69] : memref<100000000xf32, #tpu.memory_space<hbm>> -> memref<10000xf32, #tpu.memory_space<hbm>>
        %dma_wait3A_71 = arith.constant 10000 : i32
        %dma_wait3A_72 = tpu.memref_slice %arg8[%dma_wait3A_71] : memref<80000xf32, #tpu.memory_space<vmem>> -> memref<10000xf32, #tpu.memory_space<vmem>>
        %dma_wait3A_73 = arith.constant 0 : i32
        %dma_wait3A_74 = tpu.memref_slice %arg2[%dma_wait3A_73] : memref<100000000xf32, #tpu.memory_space<hbm>> -> memref<10000xf32, #tpu.memory_space<hbm>>
        tpu.wait_dma2 semaphore(%arg10 : memref<!tpu.dma_semaphore, #tpu.memory_space<semaphore_mem>>) src(%dma_wait3A_74 : memref<10000xf32, #tpu.memory_space<hbm>>) dst(%dma_wait3A_72 : memref<10000xf32, #tpu.memory_space<vmem>>)
        %dma_wait3A_75 = arith.constant 20000 : i32
        %dma_wait3A_76 = tpu.memref_slice %arg8[%dma_wait3A_75] : memref<80000xf32, #tpu.memory_space<vmem>> -> memref<10000xf32, #tpu.memory_space<vmem>>
        %dma_wait3A_77 = arith.constant 0 : i32
        %dma_wait3A_78 = tpu.memref_slice %arg2[%dma_wait3A_77] : memref<100000000xf32, #tpu.memory_space<hbm>> -> memref<10000xf32, #tpu.memory_space<hbm>>
        %dma_wait3A_79 = arith.constant 20000 : i32
        %dma_wait3A_80 = tpu.memref_slice %arg8[%dma_wait3A_79] : memref<80000xf32, #tpu.memory_space<vmem>> -> memref<10000xf32, #tpu.memory_space<vmem>>
        %dma_wait3A_81 = arith.constant 0 : i32
        %dma_wait3A_82 = tpu.memref_slice %arg2[%dma_wait3A_81] : memref<100000000xf32, #tpu.memory_space<hbm>> -> memref<10000xf32, #tpu.memory_space<hbm>>
        tpu.wait_dma2 semaphore(%arg10 : memref<!tpu.dma_semaphore, #tpu.memory_space<semaphore_mem>>) src(%dma_wait3A_82 : memref<10000xf32, #tpu.memory_space<hbm>>) dst(%dma_wait3A_80 : memref<10000xf32, #tpu.memory_space<vmem>>)
        %dma_wait3A_83 = arith.constant 30000 : i32
        %dma_wait3A_84 = tpu.memref_slice %arg8[%dma_wait3A_83] : memref<80000xf32, #tpu.memory_space<vmem>> -> memref<10000xf32, #tpu.memory_space<vmem>>
        %dma_wait3A_85 = arith.constant 0 : i32
        %dma_wait3A_86 = tpu.memref_slice %arg2[%dma_wait3A_85] : memref<100000000xf32, #tpu.memory_space<hbm>> -> memref<10000xf32, #tpu.memory_space<hbm>>
        %dma_wait3A_87 = arith.constant 30000 : i32
        %dma_wait3A_88 = tpu.memref_slice %arg8[%dma_wait3A_87] : memref<80000xf32, #tpu.memory_space<vmem>> -> memref<10000xf32, #tpu.memory_space<vmem>>
        %dma_wait3A_89 = arith.constant 0 : i32
        %dma_wait3A_90 = tpu.memref_slice %arg2[%dma_wait3A_89] : memref<100000000xf32, #tpu.memory_space<hbm>> -> memref<10000xf32, #tpu.memory_space<hbm>>
        tpu.wait_dma2 semaphore(%arg10 : memref<!tpu.dma_semaphore, #tpu.memory_space<semaphore_mem>>) src(%dma_wait3A_90 : memref<10000xf32, #tpu.memory_space<hbm>>) dst(%dma_wait3A_88 : memref<10000xf32, #tpu.memory_space<vmem>>)
        %ge3A = arith.constant 2 : i32
        %ge3A_91 = arith.cmpi sge, %add3A_32, %ge3A : i32
        %convert_element_type3A_92 = arith.extui %ge3A_91 : i1 to i32
        %cond3A_93 = arith.constant 0 : i32
        %cond3A_94 = arith.cmpi ne, %convert_element_type3A_92, %cond3A_93 : i32
        scf.if %cond3A_94 {
          %dma_wait3A_142 = arith.constant 0 : i32
          %dma_wait3A_143 = tpu.memref_slice %arg9[%dma_wait3A_142] : memref<40064xf32, #tpu.memory_space<vmem>> -> memref<5000xf32, #tpu.memory_space<vmem>>
          %dma_wait3A_144 = arith.constant 0 : i32
          %dma_wait3A_145 = tpu.memref_slice %arg5[%dma_wait3A_144] : memref<25000000xf32, #tpu.memory_space<hbm>> -> memref<5000xf32, #tpu.memory_space<hbm>>
          %dma_wait3A_146 = arith.constant 0 : i32
          %dma_wait3A_147 = tpu.memref_slice %arg5[%dma_wait3A_146] : memref<25000000xf32, #tpu.memory_space<hbm>> -> memref<5000xf32, #tpu.memory_space<hbm>>
          %dma_wait3A_148 = arith.constant 0 : i32
          %dma_wait3A_149 = tpu.memref_slice %arg9[%dma_wait3A_148] : memref<40064xf32, #tpu.memory_space<vmem>> -> memref<5000xf32, #tpu.memory_space<vmem>>
          tpu.wait_dma2 semaphore(%arg12 : memref<!tpu.dma_semaphore, #tpu.memory_space<semaphore_mem>>) src(%dma_wait3A_149 : memref<5000xf32, #tpu.memory_space<vmem>>) dst(%dma_wait3A_147 : memref<5000xf32, #tpu.memory_space<hbm>>)
          %dma_wait3A_150 = arith.constant 5008 : i32
          %dma_wait3A_151 = tpu.memref_slice %arg9[%dma_wait3A_150] : memref<40064xf32, #tpu.memory_space<vmem>> -> memref<5000xf32, #tpu.memory_space<vmem>>
          %dma_wait3A_152 = arith.constant 0 : i32
          %dma_wait3A_153 = tpu.memref_slice %arg5[%dma_wait3A_152] : memref<25000000xf32, #tpu.memory_space<hbm>> -> memref<5000xf32, #tpu.memory_space<hbm>>
          %dma_wait3A_154 = arith.constant 0 : i32
          %dma_wait3A_155 = tpu.memref_slice %arg5[%dma_wait3A_154] : memref<25000000xf32, #tpu.memory_space<hbm>> -> memref<5000xf32, #tpu.memory_space<hbm>>
          %dma_wait3A_156 = arith.constant 5008 : i32
          %dma_wait3A_157 = tpu.memref_slice %arg9[%dma_wait3A_156] : memref<40064xf32, #tpu.memory_space<vmem>> -> memref<5000xf32, #tpu.memory_space<vmem>>
          tpu.wait_dma2 semaphore(%arg12 : memref<!tpu.dma_semaphore, #tpu.memory_space<semaphore_mem>>) src(%dma_wait3A_157 : memref<5000xf32, #tpu.memory_space<vmem>>) dst(%dma_wait3A_155 : memref<5000xf32, #tpu.memory_space<hbm>>)
          %dma_wait3A_158 = arith.constant 10016 : i32
          %dma_wait3A_159 = tpu.memref_slice %arg9[%dma_wait3A_158] : memref<40064xf32, #tpu.memory_space<vmem>> -> memref<5000xf32, #tpu.memory_space<vmem>>
          %dma_wait3A_160 = arith.constant 0 : i32
          %dma_wait3A_161 = tpu.memref_slice %arg5[%dma_wait3A_160] : memref<25000000xf32, #tpu.memory_space<hbm>> -> memref<5000xf32, #tpu.memory_space<hbm>>
          %dma_wait3A_162 = arith.constant 0 : i32
          %dma_wait3A_163 = tpu.memref_slice %arg5[%dma_wait3A_162] : memref<25000000xf32, #tpu.memory_space<hbm>> -> memref<5000xf32, #tpu.memory_space<hbm>>
          %dma_wait3A_164 = arith.constant 10016 : i32
          %dma_wait3A_165 = tpu.memref_slice %arg9[%dma_wait3A_164] : memref<40064xf32, #tpu.memory_space<vmem>> -> memref<5000xf32, #tpu.memory_space<vmem>>
          tpu.wait_dma2 semaphore(%arg12 : memref<!tpu.dma_semaphore, #tpu.memory_space<semaphore_mem>>) src(%dma_wait3A_165 : memref<5000xf32, #tpu.memory_space<vmem>>) dst(%dma_wait3A_163 : memref<5000xf32, #tpu.memory_space<hbm>>)
          %dma_wait3A_166 = arith.constant 15024 : i32
          %dma_wait3A_167 = tpu.memref_slice %arg9[%dma_wait3A_166] : memref<40064xf32, #tpu.memory_space<vmem>> -> memref<5000xf32, #tpu.memory_space<vmem>>
          %dma_wait3A_168 = arith.constant 0 : i32
          %dma_wait3A_169 = tpu.memref_slice %arg5[%dma_wait3A_168] : memref<25000000xf32, #tpu.memory_space<hbm>> -> memref<5000xf32, #tpu.memory_space<hbm>>
          %dma_wait3A_170 = arith.constant 0 : i32
          %dma_wait3A_171 = tpu.memref_slice %arg5[%dma_wait3A_170] : memref<25000000xf32, #tpu.memory_space<hbm>> -> memref<5000xf32, #tpu.memory_space<hbm>>
          %dma_wait3A_172 = arith.constant 15024 : i32
          %dma_wait3A_173 = tpu.memref_slice %arg9[%dma_wait3A_172] : memref<40064xf32, #tpu.memory_space<vmem>> -> memref<5000xf32, #tpu.memory_space<vmem>>
          tpu.wait_dma2 semaphore(%arg12 : memref<!tpu.dma_semaphore, #tpu.memory_space<semaphore_mem>>) src(%dma_wait3A_173 : memref<5000xf32, #tpu.memory_space<vmem>>) dst(%dma_wait3A_171 : memref<5000xf32, #tpu.memory_space<hbm>>)
        } else {
        }
        %scan3A_95 = arith.constant 0 : i32
        %scan3A_96 = arith.constant 0 : i32
        %scan3A_97 = arith.constant 313 : i32
        %scan3A_98 = arith.addi %scan3A_96, %scan3A_97 : i32
        %scan3A_99 = arith.constant 1 : i32
        scf.for %scan3A_142 = %scan3A_96 to %scan3A_98 step %scan3A_99  : i32 {
          %mul3A_143 = arith.constant 16 : i32
          %mul3A_144 = arith.muli %scan3A_142, %mul3A_143 : i32
          %multiple_of3A = tpu.assume_multiple %mul3A_144, 16 : i32
          %get3A = arith.index_cast %multiple_of3A : i32 to index
          %get3A_145 = tpu.vector_load %arg6[%get3A] {strides = array<i32>} : memref<5008xi32, #tpu.memory_space<vmem>>, vector<16xi32>,
          %add3A_146 = arith.constant 0 : i32
          %add3A_147 = vector.broadcast %add3A_146 : i32 to vector<16xi32>
          %add3A_148 = arith.addi %get3A_145, %add3A_147 : vector<16xi32>
          %gather3A = tpu.vector_load_idx %arg8[%add3A_148] : memref<80000xf32, #tpu.memory_space<vmem>>[vector<16xi32>], vector<16xf32>,
          %multiple_of3A_149 = arith.constant 0 : i32
          %multiple_of3A_150 = tpu.assume_multiple %multiple_of3A_149, 16 : i32
          %add3A_151 = arith.addi %multiple_of3A_150, %multiple_of3A : i32
          %swap3A = arith.index_cast %add3A_151 : i32 to index
          %swap3A_152 = tpu.vector_load %arg9[%swap3A] {strides = array<i32>} : memref<40064xf32, #tpu.memory_space<vmem>>, vector<16xf32>,
          tpu.vector_store %arg9[%swap3A], %gather3A {strides = array<i32>} : memref<40064xf32, #tpu.memory_space<vmem>>, vector<16xf32>,
          %add3A_153 = arith.constant 10000 : i32
          %add3A_154 = vector.broadcast %add3A_153 : i32 to vector<16xi32>
          %add3A_155 = arith.addi %get3A_145, %add3A_154 : vector<16xi32>
          %gather3A_156 = tpu.vector_load_idx %arg8[%add3A_155] : memref<80000xf32, #tpu.memory_space<vmem>>[vector<16xi32>], vector<16xf32>,
          %multiple_of3A_157 = arith.constant 5008 : i32
          %multiple_of3A_158 = tpu.assume_multiple %multiple_of3A_157, 16 : i32
          %add3A_159 = arith.addi %multiple_of3A_158, %multiple_of3A : i32
          %swap3A_160 = arith.index_cast %add3A_159 : i32 to index
          %swap3A_161 = tpu.vector_load %arg9[%swap3A_160] {strides = array<i32>} : memref<40064xf32, #tpu.memory_space<vmem>>, vector<16xf32>,
          tpu.vector_store %arg9[%swap3A_160], %gather3A_156 {strides = array<i32>} : memref<40064xf32, #tpu.memory_space<vmem>>, vector<16xf32>,
          %add3A_162 = arith.constant 20000 : i32
          %add3A_163 = vector.broadcast %add3A_162 : i32 to vector<16xi32>
          %add3A_164 = arith.addi %get3A_145, %add3A_163 : vector<16xi32>
          %gather3A_165 = tpu.vector_load_idx %arg8[%add3A_164] : memref<80000xf32, #tpu.memory_space<vmem>>[vector<16xi32>], vector<16xf32>,
          %multiple_of3A_166 = arith.constant 10016 : i32
          %multiple_of3A_167 = tpu.assume_multiple %multiple_of3A_166, 16 : i32
          %add3A_168 = arith.addi %multiple_of3A_167, %multiple_of3A : i32
          %swap3A_169 = arith.index_cast %add3A_168 : i32 to index
          %swap3A_170 = tpu.vector_load %arg9[%swap3A_169] {strides = array<i32>} : memref<40064xf32, #tpu.memory_space<vmem>>, vector<16xf32>,
          tpu.vector_store %arg9[%swap3A_169], %gather3A_165 {strides = array<i32>} : memref<40064xf32, #tpu.memory_space<vmem>>, vector<16xf32>,
          %add3A_171 = arith.constant 30000 : i32
          %add3A_172 = vector.broadcast %add3A_171 : i32 to vector<16xi32>
          %add3A_173 = arith.addi %get3A_145, %add3A_172 : vector<16xi32>
          %gather3A_174 = tpu.vector_load_idx %arg8[%add3A_173] : memref<80000xf32, #tpu.memory_space<vmem>>[vector<16xi32>], vector<16xf32>,
          %multiple_of3A_175 = arith.constant 15024 : i32
          %multiple_of3A_176 = tpu.assume_multiple %multiple_of3A_175, 16 : i32
          %add3A_177 = arith.addi %multiple_of3A_176, %multiple_of3A : i32
          %swap3A_178 = arith.index_cast %add3A_177 : i32 to index
          %swap3A_179 = tpu.vector_load %arg9[%swap3A_178] {strides = array<i32>} : memref<40064xf32, #tpu.memory_space<vmem>>, vector<16xf32>,
          tpu.vector_store %arg9[%swap3A_178], %gather3A_174 {strides = array<i32>} : memref<40064xf32, #tpu.memory_space<vmem>>, vector<16xf32>,
        }
        %scan3A_100 = arith.constant 313 : i32
        %mul3A_101 = arith.constant 4 : i32
        %mul3A_102 = arith.muli %add3A_33, %mul3A_101 : i32
        %add3A_103 = arith.constant 0 : i32
        %add3A_104 = arith.addi %mul3A_102, %add3A_103 : i32
        %mul3A_105 = arith.constant 5000 : i32
        %mul3A_106 = arith.muli %add3A_104, %mul3A_105 : i32
        %dma_start3A = arith.constant 0 : i32
        %dma_start3A_107 = tpu.memref_slice %arg9[%dma_start3A] : memref<40064xf32, #tpu.memory_space<vmem>> -> memref<5000xf32, #tpu.memory_space<vmem>>
        %dma_start3A_108 = tpu.memref_slice %arg5[%mul3A_106] : memref<25000000xf32, #tpu.memory_space<hbm>> -> memref<5000xf32, #tpu.memory_space<hbm>>
        %dma_start3A_109 = tpu.memref_slice %arg5[%mul3A_106] : memref<25000000xf32, #tpu.memory_space<hbm>> -> memref<5000xf32, #tpu.memory_space<hbm>>
        %dma_start3A_110 = arith.constant 0 : i32
        %dma_start3A_111 = tpu.memref_slice %arg9[%dma_start3A_110] : memref<40064xf32, #tpu.memory_space<vmem>> -> memref<5000xf32, #tpu.memory_space<vmem>>
        tpu.enqueue_dma source(%dma_start3A_111 : memref<5000xf32, #tpu.memory_space<vmem>>) target(%dma_start3A_109 : memref<5000xf32, #tpu.memory_space<hbm>>) target_semaphore(%arg12 : memref<!tpu.dma_semaphore, #tpu.memory_space<semaphore_mem>>)
        %add3A_112 = arith.constant 1 : i32
        %add3A_113 = arith.addi %mul3A_102, %add3A_112 : i32
        %mul3A_114 = arith.constant 5000 : i32
        %mul3A_115 = arith.muli %add3A_113, %mul3A_114 : i32
        %dma_start3A_116 = arith.constant 5008 : i32
        %dma_start3A_117 = tpu.memref_slice %arg9[%dma_start3A_116] : memref<40064xf32, #tpu.memory_space<vmem>> -> memref<5000xf32, #tpu.memory_space<vmem>>
        %dma_start3A_118 = tpu.memref_slice %arg5[%mul3A_115] : memref<25000000xf32, #tpu.memory_space<hbm>> -> memref<5000xf32, #tpu.memory_space<hbm>>
        %dma_start3A_119 = tpu.memref_slice %arg5[%mul3A_115] : memref<25000000xf32, #tpu.memory_space<hbm>> -> memref<5000xf32, #tpu.memory_space<hbm>>
        %dma_start3A_120 = arith.constant 5008 : i32
        %dma_start3A_121 = tpu.memref_slice %arg9[%dma_start3A_120] : memref<40064xf32, #tpu.memory_space<vmem>> -> memref<5000xf32, #tpu.memory_space<vmem>>
        tpu.enqueue_dma source(%dma_start3A_121 : memref<5000xf32, #tpu.memory_space<vmem>>) target(%dma_start3A_119 : memref<5000xf32, #tpu.memory_space<hbm>>) target_semaphore(%arg12 : memref<!tpu.dma_semaphore, #tpu.memory_space<semaphore_mem>>)
        %add3A_122 = arith.constant 2 : i32
        %add3A_123 = arith.addi %mul3A_102, %add3A_122 : i32
        %mul3A_124 = arith.constant 5000 : i32
        %mul3A_125 = arith.muli %add3A_123, %mul3A_124 : i32
        %dma_start3A_126 = arith.constant 10016 : i32
        %dma_start3A_127 = tpu.memref_slice %arg9[%dma_start3A_126] : memref<40064xf32, #tpu.memory_space<vmem>> -> memref<5000xf32, #tpu.memory_space<vmem>>
        %dma_start3A_128 = tpu.memref_slice %arg5[%mul3A_125] : memref<25000000xf32, #tpu.memory_space<hbm>> -> memref<5000xf32, #tpu.memory_space<hbm>>
        %dma_start3A_129 = tpu.memref_slice %arg5[%mul3A_125] : memref<25000000xf32, #tpu.memory_space<hbm>> -> memref<5000xf32, #tpu.memory_space<hbm>>
        %dma_start3A_130 = arith.constant 10016 : i32
        %dma_start3A_131 = tpu.memref_slice %arg9[%dma_start3A_130] : memref<40064xf32, #tpu.memory_space<vmem>> -> memref<5000xf32, #tpu.memory_space<vmem>>
        tpu.enqueue_dma source(%dma_start3A_131 : memref<5000xf32, #tpu.memory_space<vmem>>) target(%dma_start3A_129 : memref<5000xf32, #tpu.memory_space<hbm>>) target_semaphore(%arg12 : memref<!tpu.dma_semaphore, #tpu.memory_space<semaphore_mem>>)
        %add3A_132 = arith.constant 3 : i32
        %add3A_133 = arith.addi %mul3A_102, %add3A_132 : i32
        %mul3A_134 = arith.constant 5000 : i32
        %mul3A_135 = arith.muli %add3A_133, %mul3A_134 : i32
        %dma_start3A_136 = arith.constant 15024 : i32
        %dma_start3A_137 = tpu.memref_slice %arg9[%dma_start3A_136] : memref<40064xf32, #tpu.memory_space<vmem>> -> memref<5000xf32, #tpu.memory_space<vmem>>
        %dma_start3A_138 = tpu.memref_slice %arg5[%mul3A_135] : memref<25000000xf32, #tpu.memory_space<hbm>> -> memref<5000xf32, #tpu.memory_space<hbm>>
        %dma_start3A_139 = tpu.memref_slice %arg5[%mul3A_135] : memref<25000000xf32, #tpu.memory_space<hbm>> -> memref<5000xf32, #tpu.memory_space<hbm>>
        %dma_start3A_140 = arith.constant 15024 : i32
        %dma_start3A_141 = tpu.memref_slice %arg9[%dma_start3A_140] : memref<40064xf32, #tpu.memory_space<vmem>> -> memref<5000xf32, #tpu.memory_space<vmem>>
        tpu.enqueue_dma source(%dma_start3A_141 : memref<5000xf32, #tpu.memory_space<vmem>>) target(%dma_start3A_139 : memref<5000xf32, #tpu.memory_space<hbm>>) target_semaphore(%arg12 : memref<!tpu.dma_semaphore, #tpu.memory_space<semaphore_mem>>)
      } else {
      }
      %mul3A_39 = arith.constant 2 : i32
      %mul3A_40 = arith.muli %mul3A_39, %scan3A_28 : i32
      %add3A_41 = arith.constant 1 : i32
      %add3A_42 = arith.addi %mul3A_40, %add3A_41 : i32
      %add3A_43 = arith.addi %mul3A_2, %add3A_42 : i32
      %lt3A_44 = arith.constant 1250 : i32
      %lt3A_45 = arith.cmpi slt, %add3A_43, %lt3A_44 : i32
      %convert_element_type3A_46 = arith.extui %lt3A_45 : i1 to i32
      %cond3A_47 = arith.constant 0 : i32
      %cond3A_48 = arith.cmpi ne, %convert_element_type3A_46, %cond3A_47 : i32
      scf.if %cond3A_48 {
        %add3A_49 = arith.constant 1 : i32
        %add3A_50 = arith.addi %add3A_43, %add3A_49 : i32
        %lt3A_51 = arith.constant 1250 : i32
        %lt3A_52 = arith.cmpi slt, %add3A_50, %lt3A_51 : i32
        %add3A_53 = arith.constant 1 : i32
        %add3A_54 = arith.addi %add3A_42, %add3A_53 : i32
        %lt3A_55 = arith.constant 40 : i32
        %lt3A_56 = arith.cmpi slt, %add3A_54, %lt3A_55 : i32
        %and3A = arith.andi %lt3A_52, %lt3A_56 : i1
        %convert_element_type3A_57 = arith.extui %and3A : i1 to i32
        %cond3A_58 = arith.constant 0 : i32
        %cond3A_59 = arith.cmpi ne, %convert_element_type3A_57, %cond3A_58 : i32
        scf.if %cond3A_59 {
          %add3A_142 = arith.constant 1 : i32
          %add3A_143 = arith.addi %add3A_42, %add3A_142 : i32
          %mul3A_144 = arith.constant 16 : i32
          %mul3A_145 = arith.muli %add3A_143, %mul3A_144 : i32
          %multiple_of3A = tpu.assume_multiple %mul3A_145, 16 : i32
          %get3A = arith.index_cast %multiple_of3A : i32 to index
          %get3A_146 = tpu.vector_load %arg7[%get3A] {strides = array<i32>} : memref<640xi32, #tpu.memory_space<vmem>>, vector<16xi32>,
          %eq3A = arith.constant 0 : i32
          %eq3A_147 = vector.broadcast %eq3A : i32 to vector<16xi32>
          %eq3A_148 = arith.cmpi eq, %iota3A, %eq3A_147 : vector<16xi32>
          %broadcast_in_dim3A = vector.broadcast %scan3A_8 : i32 to vector<16xi32>
          %select_n3A = arith.select %eq3A_148, %get3A_146, %broadcast_in_dim3A : vector<16xi1>, vector<16xi32>
          %reduce_max3A = arith.constant true
          %reduce_max3A_149 = vector.broadcast %reduce_max3A : i1 to vector<16xi1>
          %reduce_max3A_150 = arith.constant -2147483648 : i32
          %reduce_max3A_151 = vector.broadcast %reduce_max3A_150 : i32 to vector<16xi32>
          %reduce_max3A_152 = arith.xori %select_n3A, %reduce_max3A_151 : vector<16xi32>
          %reduce_max3A_153 = tpu.scan <max>, %reduce_max3A_152 masked %reduce_max3A_149 : vector<16xi32>, vector<16xi1> -> vector<16xi32>
          %reduce_max3A_154 = arith.xori %reduce_max3A_153, %reduce_max3A_151 : vector<16xi32>
          %reduce_max3A_155 = vector.extract %reduce_max3A_154[15] : i32 from vector<16xi32>
          %mul3A_156 = arith.constant 10000 : i32
          %mul3A_157 = arith.muli %reduce_max3A_155, %mul3A_156 : i32
          %multiple_of3A_158 = tpu.assume_multiple %mul3A_157, 8 : i32
          %dma_start3A_159 = arith.constant 0 : i32
          %dma_start3A_160 = tpu.memref_slice %arg8[%dma_start3A_159] : memref<80000xf32, #tpu.memory_space<vmem>> -> memref<10000xf32, #tpu.memory_space<vmem>>
          %dma_start3A_161 = tpu.memref_slice %arg2[%multiple_of3A_158] : memref<100000000xf32, #tpu.memory_space<hbm>> -> memref<10000xf32, #tpu.memory_space<hbm>>
          %dma_start3A_162 = arith.constant 0 : i32
          %dma_start3A_163 = tpu.memref_slice %arg8[%dma_start3A_162] : memref<80000xf32, #tpu.memory_space<vmem>> -> memref<10000xf32, #tpu.memory_space<vmem>>
          %dma_start3A_164 = tpu.memref_slice %arg2[%multiple_of3A_158] : memref<100000000xf32, #tpu.memory_space<hbm>> -> memref<10000xf32, #tpu.memory_space<hbm>>
          tpu.enqueue_dma source(%dma_start3A_164 : memref<10000xf32, #tpu.memory_space<hbm>>) target(%dma_start3A_163 : memref<10000xf32, #tpu.memory_space<vmem>>) target_semaphore(%arg10 : memref<!tpu.dma_semaphore, #tpu.memory_space<semaphore_mem>>)
          %eq3A_165 = arith.constant 1 : i32
          %eq3A_166 = vector.broadcast %eq3A_165 : i32 to vector<16xi32>
          %eq3A_167 = arith.cmpi eq, %iota3A, %eq3A_166 : vector<16xi32>
          %broadcast_in_dim3A_168 = vector.broadcast %scan3A_8 : i32 to vector<16xi32>
          %select_n3A_169 = arith.select %eq3A_167, %get3A_146, %broadcast_in_dim3A_168 : vector<16xi1>, vector<16xi32>
          %reduce_max3A_170 = arith.constant true
          %reduce_max3A_171 = vector.broadcast %reduce_max3A_170 : i1 to vector<16xi1>
          %reduce_max3A_172 = arith.constant -2147483648 : i32
          %reduce_max3A_173 = vector.broadcast %reduce_max3A_172 : i32 to vector<16xi32>
          %reduce_max3A_174 = arith.xori %select_n3A_169, %reduce_max3A_173 : vector<16xi32>
          %reduce_max3A_175 = tpu.scan <max>, %reduce_max3A_174 masked %reduce_max3A_171 : vector<16xi32>, vector<16xi1> -> vector<16xi32>
          %reduce_max3A_176 = arith.xori %reduce_max3A_175, %reduce_max3A_173 : vector<16xi32>
          %reduce_max3A_177 = vector.extract %reduce_max3A_176[15] : i32 from vector<16xi32>
          %mul3A_178 = arith.constant 10000 : i32
          %mul3A_179 = arith.muli %reduce_max3A_177, %mul3A_178 : i32
          %multiple_of3A_180 = tpu.assume_multiple %mul3A_179, 8 : i32
          %dma_start3A_181 = arith.constant 10000 : i32
          %dma_start3A_182 = tpu.memref_slice %arg8[%dma_start3A_181] : memref<80000xf32, #tpu.memory_space<vmem>> -> memref<10000xf32, #tpu.memory_space<vmem>>
          %dma_start3A_183 = tpu.memref_slice %arg2[%multiple_of3A_180] : memref<100000000xf32, #tpu.memory_space<hbm>> -> memref<10000xf32, #tpu.memory_space<hbm>>
          %dma_start3A_184 = arith.constant 10000 : i32
          %dma_start3A_185 = tpu.memref_slice %arg8[%dma_start3A_184] : memref<80000xf32, #tpu.memory_space<vmem>> -> memref<10000xf32, #tpu.memory_space<vmem>>
          %dma_start3A_186 = tpu.memref_slice %arg2[%multiple_of3A_180] : memref<100000000xf32, #tpu.memory_space<hbm>> -> memref<10000xf32, #tpu.memory_space<hbm>>
          tpu.enqueue_dma source(%dma_start3A_186 : memref<10000xf32, #tpu.memory_space<hbm>>) target(%dma_start3A_185 : memref<10000xf32, #tpu.memory_space<vmem>>) target_semaphore(%arg10 : memref<!tpu.dma_semaphore, #tpu.memory_space<semaphore_mem>>)
          %eq3A_187 = arith.constant 2 : i32
          %eq3A_188 = vector.broadcast %eq3A_187 : i32 to vector<16xi32>
          %eq3A_189 = arith.cmpi eq, %iota3A, %eq3A_188 : vector<16xi32>
          %broadcast_in_dim3A_190 = vector.broadcast %scan3A_8 : i32 to vector<16xi32>
          %select_n3A_191 = arith.select %eq3A_189, %get3A_146, %broadcast_in_dim3A_190 : vector<16xi1>, vector<16xi32>
          %reduce_max3A_192 = arith.constant true
          %reduce_max3A_193 = vector.broadcast %reduce_max3A_192 : i1 to vector<16xi1>
          %reduce_max3A_194 = arith.constant -2147483648 : i32
          %reduce_max3A_195 = vector.broadcast %reduce_max3A_194 : i32 to vector<16xi32>
          %reduce_max3A_196 = arith.xori %select_n3A_191, %reduce_max3A_195 : vector<16xi32>
          %reduce_max3A_197 = tpu.scan <max>, %reduce_max3A_196 masked %reduce_max3A_193 : vector<16xi32>, vector<16xi1> -> vector<16xi32>
          %reduce_max3A_198 = arith.xori %reduce_max3A_197, %reduce_max3A_195 : vector<16xi32>
          %reduce_max3A_199 = vector.extract %reduce_max3A_198[15] : i32 from vector<16xi32>
          %mul3A_200 = arith.constant 10000 : i32
          %mul3A_201 = arith.muli %reduce_max3A_199, %mul3A_200 : i32
          %multiple_of3A_202 = tpu.assume_multiple %mul3A_201, 8 : i32
          %dma_start3A_203 = arith.constant 20000 : i32
          %dma_start3A_204 = tpu.memref_slice %arg8[%dma_start3A_203] : memref<80000xf32, #tpu.memory_space<vmem>> -> memref<10000xf32, #tpu.memory_space<vmem>>
          %dma_start3A_205 = tpu.memref_slice %arg2[%multiple_of3A_202] : memref<100000000xf32, #tpu.memory_space<hbm>> -> memref<10000xf32, #tpu.memory_space<hbm>>
          %dma_start3A_206 = arith.constant 20000 : i32
          %dma_start3A_207 = tpu.memref_slice %arg8[%dma_start3A_206] : memref<80000xf32, #tpu.memory_space<vmem>> -> memref<10000xf32, #tpu.memory_space<vmem>>
          %dma_start3A_208 = tpu.memref_slice %arg2[%multiple_of3A_202] : memref<100000000xf32, #tpu.memory_space<hbm>> -> memref<10000xf32, #tpu.memory_space<hbm>>
          tpu.enqueue_dma source(%dma_start3A_208 : memref<10000xf32, #tpu.memory_space<hbm>>) target(%dma_start3A_207 : memref<10000xf32, #tpu.memory_space<vmem>>) target_semaphore(%arg10 : memref<!tpu.dma_semaphore, #tpu.memory_space<semaphore_mem>>)
          %eq3A_209 = arith.constant 3 : i32
          %eq3A_210 = vector.broadcast %eq3A_209 : i32 to vector<16xi32>
          %eq3A_211 = arith.cmpi eq, %iota3A, %eq3A_210 : vector<16xi32>
          %broadcast_in_dim3A_212 = vector.broadcast %scan3A_8 : i32 to vector<16xi32>
          %select_n3A_213 = arith.select %eq3A_211, %get3A_146, %broadcast_in_dim3A_212 : vector<16xi1>, vector<16xi32>
          %reduce_max3A_214 = arith.constant true
          %reduce_max3A_215 = vector.broadcast %reduce_max3A_214 : i1 to vector<16xi1>
          %reduce_max3A_216 = arith.constant -2147483648 : i32
          %reduce_max3A_217 = vector.broadcast %reduce_max3A_216 : i32 to vector<16xi32>
          %reduce_max3A_218 = arith.xori %select_n3A_213, %reduce_max3A_217 : vector<16xi32>
          %reduce_max3A_219 = tpu.scan <max>, %reduce_max3A_218 masked %reduce_max3A_215 : vector<16xi32>, vector<16xi1> -> vector<16xi32>
          %reduce_max3A_220 = arith.xori %reduce_max3A_219, %reduce_max3A_217 : vector<16xi32>
          %reduce_max3A_221 = vector.extract %reduce_max3A_220[15] : i32 from vector<16xi32>
          %mul3A_222 = arith.constant 10000 : i32
          %mul3A_223 = arith.muli %reduce_max3A_221, %mul3A_222 : i32
          %multiple_of3A_224 = tpu.assume_multiple %mul3A_223, 8 : i32
          %dma_start3A_225 = arith.constant 30000 : i32
          %dma_start3A_226 = tpu.memref_slice %arg8[%dma_start3A_225] : memref<80000xf32, #tpu.memory_space<vmem>> -> memref<10000xf32, #tpu.memory_space<vmem>>
          %dma_start3A_227 = tpu.memref_slice %arg2[%multiple_of3A_224] : memref<100000000xf32, #tpu.memory_space<hbm>> -> memref<10000xf32, #tpu.memory_space<hbm>>
          %dma_start3A_228 = arith.constant 30000 : i32
          %dma_start3A_229 = tpu.memref_slice %arg8[%dma_start3A_228] : memref<80000xf32, #tpu.memory_space<vmem>> -> memref<10000xf32, #tpu.memory_space<vmem>>
          %dma_start3A_230 = tpu.memref_slice %arg2[%multiple_of3A_224] : memref<100000000xf32, #tpu.memory_space<hbm>> -> memref<10000xf32, #tpu.memory_space<hbm>>
          tpu.enqueue_dma source(%dma_start3A_230 : memref<10000xf32, #tpu.memory_space<hbm>>) target(%dma_start3A_229 : memref<10000xf32, #tpu.memory_space<vmem>>) target_semaphore(%arg10 : memref<!tpu.dma_semaphore, #tpu.memory_space<semaphore_mem>>)
        } else {
        }
        %dma_wait3A = arith.constant 40000 : i32
        %dma_wait3A_60 = tpu.memref_slice %arg8[%dma_wait3A] : memref<80000xf32, #tpu.memory_space<vmem>> -> memref<10000xf32, #tpu.memory_space<vmem>>
        %dma_wait3A_61 = arith.constant 0 : i32
        %dma_wait3A_62 = tpu.memref_slice %arg2[%dma_wait3A_61] : memref<100000000xf32, #tpu.memory_space<hbm>> -> memref<10000xf32, #tpu.memory_space<hbm>>
        %dma_wait3A_63 = arith.constant 40000 : i32
        %dma_wait3A_64 = tpu.memref_slice %arg8[%dma_wait3A_63] : memref<80000xf32, #tpu.memory_space<vmem>> -> memref<10000xf32, #tpu.memory_space<vmem>>
        %dma_wait3A_65 = arith.constant 0 : i32
        %dma_wait3A_66 = tpu.memref_slice %arg2[%dma_wait3A_65] : memref<100000000xf32, #tpu.memory_space<hbm>> -> memref<10000xf32, #tpu.memory_space<hbm>>
        tpu.wait_dma2 semaphore(%arg11 : memref<!tpu.dma_semaphore, #tpu.memory_space<semaphore_mem>>) src(%dma_wait3A_66 : memref<10000xf32, #tpu.memory_space<hbm>>) dst(%dma_wait3A_64 : memref<10000xf32, #tpu.memory_space<vmem>>)
        %dma_wait3A_67 = arith.constant 50000 : i32
        %dma_wait3A_68 = tpu.memref_slice %arg8[%dma_wait3A_67] : memref<80000xf32, #tpu.memory_space<vmem>> -> memref<10000xf32, #tpu.memory_space<vmem>>
        %dma_wait3A_69 = arith.constant 0 : i32
        %dma_wait3A_70 = tpu.memref_slice %arg2[%dma_wait3A_69] : memref<100000000xf32, #tpu.memory_space<hbm>> -> memref<10000xf32, #tpu.memory_space<hbm>>
        %dma_wait3A_71 = arith.constant 50000 : i32
        %dma_wait3A_72 = tpu.memref_slice %arg8[%dma_wait3A_71] : memref<80000xf32, #tpu.memory_space<vmem>> -> memref<10000xf32, #tpu.memory_space<vmem>>
        %dma_wait3A_73 = arith.constant 0 : i32
        %dma_wait3A_74 = tpu.memref_slice %arg2[%dma_wait3A_73] : memref<100000000xf32, #tpu.memory_space<hbm>> -> memref<10000xf32, #tpu.memory_space<hbm>>
        tpu.wait_dma2 semaphore(%arg11 : memref<!tpu.dma_semaphore, #tpu.memory_space<semaphore_mem>>) src(%dma_wait3A_74 : memref<10000xf32, #tpu.memory_space<hbm>>) dst(%dma_wait3A_72 : memref<10000xf32, #tpu.memory_space<vmem>>)
        %dma_wait3A_75 = arith.constant 60000 : i32
        %dma_wait3A_76 = tpu.memref_slice %arg8[%dma_wait3A_75] : memref<80000xf32, #tpu.memory_space<vmem>> -> memref<10000xf32, #tpu.memory_space<vmem>>
        %dma_wait3A_77 = arith.constant 0 : i32
        %dma_wait3A_78 = tpu.memref_slice %arg2[%dma_wait3A_77] : memref<100000000xf32, #tpu.memory_space<hbm>> -> memref<10000xf32, #tpu.memory_space<hbm>>
        %dma_wait3A_79 = arith.constant 60000 : i32
        %dma_wait3A_80 = tpu.memref_slice %arg8[%dma_wait3A_79] : memref<80000xf32, #tpu.memory_space<vmem>> -> memref<10000xf32, #tpu.memory_space<vmem>>
        %dma_wait3A_81 = arith.constant 0 : i32
        %dma_wait3A_82 = tpu.memref_slice %arg2[%dma_wait3A_81] : memref<100000000xf32, #tpu.memory_space<hbm>> -> memref<10000xf32, #tpu.memory_space<hbm>>
        tpu.wait_dma2 semaphore(%arg11 : memref<!tpu.dma_semaphore, #tpu.memory_space<semaphore_mem>>) src(%dma_wait3A_82 : memref<10000xf32, #tpu.memory_space<hbm>>) dst(%dma_wait3A_80 : memref<10000xf32, #tpu.memory_space<vmem>>)
        %dma_wait3A_83 = arith.constant 70000 : i32
        %dma_wait3A_84 = tpu.memref_slice %arg8[%dma_wait3A_83] : memref<80000xf32, #tpu.memory_space<vmem>> -> memref<10000xf32, #tpu.memory_space<vmem>>
        %dma_wait3A_85 = arith.constant 0 : i32
        %dma_wait3A_86 = tpu.memref_slice %arg2[%dma_wait3A_85] : memref<100000000xf32, #tpu.memory_space<hbm>> -> memref<10000xf32, #tpu.memory_space<hbm>>
        %dma_wait3A_87 = arith.constant 70000 : i32
        %dma_wait3A_88 = tpu.memref_slice %arg8[%dma_wait3A_87] : memref<80000xf32, #tpu.memory_space<vmem>> -> memref<10000xf32, #tpu.memory_space<vmem>>
        %dma_wait3A_89 = arith.constant 0 : i32
        %dma_wait3A_90 = tpu.memref_slice %arg2[%dma_wait3A_89] : memref<100000000xf32, #tpu.memory_space<hbm>> -> memref<10000xf32, #tpu.memory_space<hbm>>
        tpu.wait_dma2 semaphore(%arg11 : memref<!tpu.dma_semaphore, #tpu.memory_space<semaphore_mem>>) src(%dma_wait3A_90 : memref<10000xf32, #tpu.memory_space<hbm>>) dst(%dma_wait3A_88 : memref<10000xf32, #tpu.memory_space<vmem>>)
        %ge3A = arith.constant 2 : i32
        %ge3A_91 = arith.cmpi sge, %add3A_42, %ge3A : i32
        %convert_element_type3A_92 = arith.extui %ge3A_91 : i1 to i32
        %cond3A_93 = arith.constant 0 : i32
        %cond3A_94 = arith.cmpi ne, %convert_element_type3A_92, %cond3A_93 : i32
        scf.if %cond3A_94 {
          %dma_wait3A_142 = arith.constant 20032 : i32
          %dma_wait3A_143 = tpu.memref_slice %arg9[%dma_wait3A_142] : memref<40064xf32, #tpu.memory_space<vmem>> -> memref<5000xf32, #tpu.memory_space<vmem>>
          %dma_wait3A_144 = arith.constant 0 : i32
          %dma_wait3A_145 = tpu.memref_slice %arg5[%dma_wait3A_144] : memref<25000000xf32, #tpu.memory_space<hbm>> -> memref<5000xf32, #tpu.memory_space<hbm>>
          %dma_wait3A_146 = arith.constant 0 : i32
          %dma_wait3A_147 = tpu.memref_slice %arg5[%dma_wait3A_146] : memref<25000000xf32, #tpu.memory_space<hbm>> -> memref<5000xf32, #tpu.memory_space<hbm>>
          %dma_wait3A_148 = arith.constant 20032 : i32
          %dma_wait3A_149 = tpu.memref_slice %arg9[%dma_wait3A_148] : memref<40064xf32, #tpu.memory_space<vmem>> -> memref<5000xf32, #tpu.memory_space<vmem>>
          tpu.wait_dma2 semaphore(%arg13 : memref<!tpu.dma_semaphore, #tpu.memory_space<semaphore_mem>>) src(%dma_wait3A_149 : memref<5000xf32, #tpu.memory_space<vmem>>) dst(%dma_wait3A_147 : memref<5000xf32, #tpu.memory_space<hbm>>)
          %dma_wait3A_150 = arith.constant 25040 : i32
          %dma_wait3A_151 = tpu.memref_slice %arg9[%dma_wait3A_150] : memref<40064xf32, #tpu.memory_space<vmem>> -> memref<5000xf32, #tpu.memory_space<vmem>>
          %dma_wait3A_152 = arith.constant 0 : i32
          %dma_wait3A_153 = tpu.memref_slice %arg5[%dma_wait3A_152] : memref<25000000xf32, #tpu.memory_space<hbm>> -> memref<5000xf32, #tpu.memory_space<hbm>>
          %dma_wait3A_154 = arith.constant 0 : i32
          %dma_wait3A_155 = tpu.memref_slice %arg5[%dma_wait3A_154] : memref<25000000xf32, #tpu.memory_space<hbm>> -> memref<5000xf32, #tpu.memory_space<hbm>>
          %dma_wait3A_156 = arith.constant 25040 : i32
          %dma_wait3A_157 = tpu.memref_slice %arg9[%dma_wait3A_156] : memref<40064xf32, #tpu.memory_space<vmem>> -> memref<5000xf32, #tpu.memory_space<vmem>>
          tpu.wait_dma2 semaphore(%arg13 : memref<!tpu.dma_semaphore, #tpu.memory_space<semaphore_mem>>) src(%dma_wait3A_157 : memref<5000xf32, #tpu.memory_space<vmem>>) dst(%dma_wait3A_155 : memref<5000xf32, #tpu.memory_space<hbm>>)
          %dma_wait3A_158 = arith.constant 30048 : i32
          %dma_wait3A_159 = tpu.memref_slice %arg9[%dma_wait3A_158] : memref<40064xf32, #tpu.memory_space<vmem>> -> memref<5000xf32, #tpu.memory_space<vmem>>
          %dma_wait3A_160 = arith.constant 0 : i32
          %dma_wait3A_161 = tpu.memref_slice %arg5[%dma_wait3A_160] : memref<25000000xf32, #tpu.memory_space<hbm>> -> memref<5000xf32, #tpu.memory_space<hbm>>
          %dma_wait3A_162 = arith.constant 0 : i32
          %dma_wait3A_163 = tpu.memref_slice %arg5[%dma_wait3A_162] : memref<25000000xf32, #tpu.memory_space<hbm>> -> memref<5000xf32, #tpu.memory_space<hbm>>
          %dma_wait3A_164 = arith.constant 30048 : i32
          %dma_wait3A_165 = tpu.memref_slice %arg9[%dma_wait3A_164] : memref<40064xf32, #tpu.memory_space<vmem>> -> memref<5000xf32, #tpu.memory_space<vmem>>
          tpu.wait_dma2 semaphore(%arg13 : memref<!tpu.dma_semaphore, #tpu.memory_space<semaphore_mem>>) src(%dma_wait3A_165 : memref<5000xf32, #tpu.memory_space<vmem>>) dst(%dma_wait3A_163 : memref<5000xf32, #tpu.memory_space<hbm>>)
          %dma_wait3A_166 = arith.constant 35056 : i32
          %dma_wait3A_167 = tpu.memref_slice %arg9[%dma_wait3A_166] : memref<40064xf32, #tpu.memory_space<vmem>> -> memref<5000xf32, #tpu.memory_space<vmem>>
          %dma_wait3A_168 = arith.constant 0 : i32
          %dma_wait3A_169 = tpu.memref_slice %arg5[%dma_wait3A_168] : memref<25000000xf32, #tpu.memory_space<hbm>> -> memref<5000xf32, #tpu.memory_space<hbm>>
          %dma_wait3A_170 = arith.constant 0 : i32
          %dma_wait3A_171 = tpu.memref_slice %arg5[%dma_wait3A_170] : memref<25000000xf32, #tpu.memory_space<hbm>> -> memref<5000xf32, #tpu.memory_space<hbm>>
          %dma_wait3A_172 = arith.constant 35056 : i32
          %dma_wait3A_173 = tpu.memref_slice %arg9[%dma_wait3A_172] : memref<40064xf32, #tpu.memory_space<vmem>> -> memref<5000xf32, #tpu.memory_space<vmem>>
          tpu.wait_dma2 semaphore(%arg13 : memref<!tpu.dma_semaphore, #tpu.memory_space<semaphore_mem>>) src(%dma_wait3A_173 : memref<5000xf32, #tpu.memory_space<vmem>>) dst(%dma_wait3A_171 : memref<5000xf32, #tpu.memory_space<hbm>>)
        } else {
        }
        %scan3A_95 = arith.constant 0 : i32
        %scan3A_96 = arith.constant 0 : i32
        %scan3A_97 = arith.constant 313 : i32
        %scan3A_98 = arith.addi %scan3A_96, %scan3A_97 : i32
        %scan3A_99 = arith.constant 1 : i32
        scf.for %scan3A_142 = %scan3A_96 to %scan3A_98 step %scan3A_99  : i32 {
          %mul3A_143 = arith.constant 16 : i32
          %mul3A_144 = arith.muli %scan3A_142, %mul3A_143 : i32
          %multiple_of3A = tpu.assume_multiple %mul3A_144, 16 : i32
          %get3A = arith.index_cast %multiple_of3A : i32 to index
          %get3A_145 = tpu.vector_load %arg6[%get3A] {strides = array<i32>} : memref<5008xi32, #tpu.memory_space<vmem>>, vector<16xi32>,
          %add3A_146 = arith.constant 40000 : i32
          %add3A_147 = vector.broadcast %add3A_146 : i32 to vector<16xi32>
          %add3A_148 = arith.addi %get3A_145, %add3A_147 : vector<16xi32>
          %gather3A = tpu.vector_load_idx %arg8[%add3A_148] : memref<80000xf32, #tpu.memory_space<vmem>>[vector<16xi32>], vector<16xf32>,
          %multiple_of3A_149 = arith.constant 20032 : i32
          %multiple_of3A_150 = tpu.assume_multiple %multiple_of3A_149, 16 : i32
          %add3A_151 = arith.addi %multiple_of3A_150, %multiple_of3A : i32
          %swap3A = arith.index_cast %add3A_151 : i32 to index
          %swap3A_152 = tpu.vector_load %arg9[%swap3A] {strides = array<i32>} : memref<40064xf32, #tpu.memory_space<vmem>>, vector<16xf32>,
          tpu.vector_store %arg9[%swap3A], %gather3A {strides = array<i32>} : memref<40064xf32, #tpu.memory_space<vmem>>, vector<16xf32>,
          %add3A_153 = arith.constant 50000 : i32
          %add3A_154 = vector.broadcast %add3A_153 : i32 to vector<16xi32>
          %add3A_155 = arith.addi %get3A_145, %add3A_154 : vector<16xi32>
          %gather3A_156 = tpu.vector_load_idx %arg8[%add3A_155] : memref<80000xf32, #tpu.memory_space<vmem>>[vector<16xi32>], vector<16xf32>,
          %multiple_of3A_157 = arith.constant 25040 : i32
          %multiple_of3A_158 = tpu.assume_multiple %multiple_of3A_157, 16 : i32
          %add3A_159 = arith.addi %multiple_of3A_158, %multiple_of3A : i32
          %swap3A_160 = arith.index_cast %add3A_159 : i32 to index
          %swap3A_161 = tpu.vector_load %arg9[%swap3A_160] {strides = array<i32>} : memref<40064xf32, #tpu.memory_space<vmem>>, vector<16xf32>,
          tpu.vector_store %arg9[%swap3A_160], %gather3A_156 {strides = array<i32>} : memref<40064xf32, #tpu.memory_space<vmem>>, vector<16xf32>,
          %add3A_162 = arith.constant 60000 : i32
          %add3A_163 = vector.broadcast %add3A_162 : i32 to vector<16xi32>
          %add3A_164 = arith.addi %get3A_145, %add3A_163 : vector<16xi32>
          %gather3A_165 = tpu.vector_load_idx %arg8[%add3A_164] : memref<80000xf32, #tpu.memory_space<vmem>>[vector<16xi32>], vector<16xf32>,
          %multiple_of3A_166 = arith.constant 30048 : i32
          %multiple_of3A_167 = tpu.assume_multiple %multiple_of3A_166, 16 : i32
          %add3A_168 = arith.addi %multiple_of3A_167, %multiple_of3A : i32
          %swap3A_169 = arith.index_cast %add3A_168 : i32 to index
          %swap3A_170 = tpu.vector_load %arg9[%swap3A_169] {strides = array<i32>} : memref<40064xf32, #tpu.memory_space<vmem>>, vector<16xf32>,
          tpu.vector_store %arg9[%swap3A_169], %gather3A_165 {strides = array<i32>} : memref<40064xf32, #tpu.memory_space<vmem>>, vector<16xf32>,
          %add3A_171 = arith.constant 70000 : i32
          %add3A_172 = vector.broadcast %add3A_171 : i32 to vector<16xi32>
          %add3A_173 = arith.addi %get3A_145, %add3A_172 : vector<16xi32>
          %gather3A_174 = tpu.vector_load_idx %arg8[%add3A_173] : memref<80000xf32, #tpu.memory_space<vmem>>[vector<16xi32>], vector<16xf32>,
          %multiple_of3A_175 = arith.constant 35056 : i32
          %multiple_of3A_176 = tpu.assume_multiple %multiple_of3A_175, 16 : i32
          %add3A_177 = arith.addi %multiple_of3A_176, %multiple_of3A : i32
          %swap3A_178 = arith.index_cast %add3A_177 : i32 to index
          %swap3A_179 = tpu.vector_load %arg9[%swap3A_178] {strides = array<i32>} : memref<40064xf32, #tpu.memory_space<vmem>>, vector<16xf32>,
          tpu.vector_store %arg9[%swap3A_178], %gather3A_174 {strides = array<i32>} : memref<40064xf32, #tpu.memory_space<vmem>>, vector<16xf32>,
        }
        %scan3A_100 = arith.constant 313 : i32
        %mul3A_101 = arith.constant 4 : i32
        %mul3A_102 = arith.muli %add3A_43, %mul3A_101 : i32
        %add3A_103 = arith.constant 0 : i32
        %add3A_104 = arith.addi %mul3A_102, %add3A_103 : i32
        %mul3A_105 = arith.constant 5000 : i32
        %mul3A_106 = arith.muli %add3A_104, %mul3A_105 : i32
        %dma_start3A = arith.constant 20032 : i32
        %dma_start3A_107 = tpu.memref_slice %arg9[%dma_start3A] : memref<40064xf32, #tpu.memory_space<vmem>> -> memref<5000xf32, #tpu.memory_space<vmem>>
        %dma_start3A_108 = tpu.memref_slice %arg5[%mul3A_106] : memref<25000000xf32, #tpu.memory_space<hbm>> -> memref<5000xf32, #tpu.memory_space<hbm>>
        %dma_start3A_109 = tpu.memref_slice %arg5[%mul3A_106] : memref<25000000xf32, #tpu.memory_space<hbm>> -> memref<5000xf32, #tpu.memory_space<hbm>>
        %dma_start3A_110 = arith.constant 20032 : i32
        %dma_start3A_111 = tpu.memref_slice %arg9[%dma_start3A_110] : memref<40064xf32, #tpu.memory_space<vmem>> -> memref<5000xf32, #tpu.memory_space<vmem>>
        tpu.enqueue_dma source(%dma_start3A_111 : memref<5000xf32, #tpu.memory_space<vmem>>) target(%dma_start3A_109 : memref<5000xf32, #tpu.memory_space<hbm>>) target_semaphore(%arg13 : memref<!tpu.dma_semaphore, #tpu.memory_space<semaphore_mem>>)
        %add3A_112 = arith.constant 1 : i32
        %add3A_113 = arith.addi %mul3A_102, %add3A_112 : i32
        %mul3A_114 = arith.constant 5000 : i32
        %mul3A_115 = arith.muli %add3A_113, %mul3A_114 : i32
        %dma_start3A_116 = arith.constant 25040 : i32
        %dma_start3A_117 = tpu.memref_slice %arg9[%dma_start3A_116] : memref<40064xf32, #tpu.memory_space<vmem>> -> memref<5000xf32, #tpu.memory_space<vmem>>
        %dma_start3A_118 = tpu.memref_slice %arg5[%mul3A_115] : memref<25000000xf32, #tpu.memory_space<hbm>> -> memref<5000xf32, #tpu.memory_space<hbm>>
        %dma_start3A_119 = tpu.memref_slice %arg5[%mul3A_115] : memref<25000000xf32, #tpu.memory_space<hbm>> -> memref<5000xf32, #tpu.memory_space<hbm>>
        %dma_start3A_120 = arith.constant 25040 : i32
        %dma_start3A_121 = tpu.memref_slice %arg9[%dma_start3A_120] : memref<40064xf32, #tpu.memory_space<vmem>> -> memref<5000xf32, #tpu.memory_space<vmem>>
        tpu.enqueue_dma source(%dma_start3A_121 : memref<5000xf32, #tpu.memory_space<vmem>>) target(%dma_start3A_119 : memref<5000xf32, #tpu.memory_space<hbm>>) target_semaphore(%arg13 : memref<!tpu.dma_semaphore, #tpu.memory_space<semaphore_mem>>)
        %add3A_122 = arith.constant 2 : i32
        %add3A_123 = arith.addi %mul3A_102, %add3A_122 : i32
        %mul3A_124 = arith.constant 5000 : i32
        %mul3A_125 = arith.muli %add3A_123, %mul3A_124 : i32
        %dma_start3A_126 = arith.constant 30048 : i32
        %dma_start3A_127 = tpu.memref_slice %arg9[%dma_start3A_126] : memref<40064xf32, #tpu.memory_space<vmem>> -> memref<5000xf32, #tpu.memory_space<vmem>>
        %dma_start3A_128 = tpu.memref_slice %arg5[%mul3A_125] : memref<25000000xf32, #tpu.memory_space<hbm>> -> memref<5000xf32, #tpu.memory_space<hbm>>
        %dma_start3A_129 = tpu.memref_slice %arg5[%mul3A_125] : memref<25000000xf32, #tpu.memory_space<hbm>> -> memref<5000xf32, #tpu.memory_space<hbm>>
        %dma_start3A_130 = arith.constant 30048 : i32
        %dma_start3A_131 = tpu.memref_slice %arg9[%dma_start3A_130] : memref<40064xf32, #tpu.memory_space<vmem>> -> memref<5000xf32, #tpu.memory_space<vmem>>
        tpu.enqueue_dma source(%dma_start3A_131 : memref<5000xf32, #tpu.memory_space<vmem>>) target(%dma_start3A_129 : memref<5000xf32, #tpu.memory_space<hbm>>) target_semaphore(%arg13 : memref<!tpu.dma_semaphore, #tpu.memory_space<semaphore_mem>>)
        %add3A_132 = arith.constant 3 : i32
        %add3A_133 = arith.addi %mul3A_102, %add3A_132 : i32
        %mul3A_134 = arith.constant 5000 : i32
        %mul3A_135 = arith.muli %add3A_133, %mul3A_134 : i32
        %dma_start3A_136 = arith.constant 35056 : i32
        %dma_start3A_137 = tpu.memref_slice %arg9[%dma_start3A_136] : memref<40064xf32, #tpu.memory_space<vmem>> -> memref<5000xf32, #tpu.memory_space<vmem>>
        %dma_start3A_138 = tpu.memref_slice %arg5[%mul3A_135] : memref<25000000xf32, #tpu.memory_space<hbm>> -> memref<5000xf32, #tpu.memory_space<hbm>>
        %dma_start3A_139 = tpu.memref_slice %arg5[%mul3A_135] : memref<25000000xf32, #tpu.memory_space<hbm>> -> memref<5000xf32, #tpu.memory_space<hbm>>
        %dma_start3A_140 = arith.constant 35056 : i32
        %dma_start3A_141 = tpu.memref_slice %arg9[%dma_start3A_140] : memref<40064xf32, #tpu.memory_space<vmem>> -> memref<5000xf32, #tpu.memory_space<vmem>>
        tpu.enqueue_dma source(%dma_start3A_141 : memref<5000xf32, #tpu.memory_space<vmem>>) target(%dma_start3A_139 : memref<5000xf32, #tpu.memory_space<hbm>>) target_semaphore(%arg13 : memref<!tpu.dma_semaphore, #tpu.memory_space<semaphore_mem>>)
      } else {
      }
    }
    %scan3A_13 = arith.constant 20 : i32
    %add3A_14 = arith.constant 0 : i32
    %add3A_15 = arith.addi %mul3A_2, %add3A_14 : i32
    %lt3A_16 = arith.constant 1250 : i32
    %lt3A_17 = arith.cmpi slt, %add3A_15, %lt3A_16 : i32
    %convert_element_type3A_18 = arith.extui %lt3A_17 : i1 to i32
    %cond3A_19 = arith.constant 0 : i32
    %cond3A_20 = arith.cmpi ne, %convert_element_type3A_18, %cond3A_19 : i32
    scf.if %cond3A_20 {
      %dma_wait3A = arith.constant 0 : i32
      %dma_wait3A_28 = tpu.memref_slice %arg9[%dma_wait3A] : memref<40064xf32, #tpu.memory_space<vmem>> -> memref<5000xf32, #tpu.memory_space<vmem>>
      %dma_wait3A_29 = arith.constant 0 : i32
      %dma_wait3A_30 = tpu.memref_slice %arg5[%dma_wait3A_29] : memref<25000000xf32, #tpu.memory_space<hbm>> -> memref<5000xf32, #tpu.memory_space<hbm>>
      %dma_wait3A_31 = arith.constant 0 : i32
      %dma_wait3A_32 = tpu.memref_slice %arg5[%dma_wait3A_31] : memref<25000000xf32, #tpu.memory_space<hbm>> -> memref<5000xf32, #tpu.memory_space<hbm>>
      %dma_wait3A_33 = arith.constant 0 : i32
      %dma_wait3A_34 = tpu.memref_slice %arg9[%dma_wait3A_33] : memref<40064xf32, #tpu.memory_space<vmem>> -> memref<5000xf32, #tpu.memory_space<vmem>>
      tpu.wait_dma2 semaphore(%arg12 : memref<!tpu.dma_semaphore, #tpu.memory_space<semaphore_mem>>) src(%dma_wait3A_34 : memref<5000xf32, #tpu.memory_space<vmem>>) dst(%dma_wait3A_32 : memref<5000xf32, #tpu.memory_space<hbm>>)
      %dma_wait3A_35 = arith.constant 5008 : i32
      %dma_wait3A_36 = tpu.memref_slice %arg9[%dma_wait3A_35] : memref<40064xf32, #tpu.memory_space<vmem>> -> memref<5000xf32, #tpu.memory_space<vmem>>
      %dma_wait3A_37 = arith.constant 0 : i32
      %dma_wait3A_38 = tpu.memref_slice %arg5[%dma_wait3A_37] : memref<25000000xf32, #tpu.memory_space<hbm>> -> memref<5000xf32, #tpu.memory_space<hbm>>
      %dma_wait3A_39 = arith.constant 0 : i32
      %dma_wait3A_40 = tpu.memref_slice %arg5[%dma_wait3A_39] : memref<25000000xf32, #tpu.memory_space<hbm>> -> memref<5000xf32, #tpu.memory_space<hbm>>
      %dma_wait3A_41 = arith.constant 5008 : i32
      %dma_wait3A_42 = tpu.memref_slice %arg9[%dma_wait3A_41] : memref<40064xf32, #tpu.memory_space<vmem>> -> memref<5000xf32, #tpu.memory_space<vmem>>
      tpu.wait_dma2 semaphore(%arg12 : memref<!tpu.dma_semaphore, #tpu.memory_space<semaphore_mem>>) src(%dma_wait3A_42 : memref<5000xf32, #tpu.memory_space<vmem>>) dst(%dma_wait3A_40 : memref<5000xf32, #tpu.memory_space<hbm>>)
      %dma_wait3A_43 = arith.constant 10016 : i32
      %dma_wait3A_44 = tpu.memref_slice %arg9[%dma_wait3A_43] : memref<40064xf32, #tpu.memory_space<vmem>> -> memref<5000xf32, #tpu.memory_space<vmem>>
      %dma_wait3A_45 = arith.constant 0 : i32
      %dma_wait3A_46 = tpu.memref_slice %arg5[%dma_wait3A_45] : memref<25000000xf32, #tpu.memory_space<hbm>> -> memref<5000xf32, #tpu.memory_space<hbm>>
      %dma_wait3A_47 = arith.constant 0 : i32
      %dma_wait3A_48 = tpu.memref_slice %arg5[%dma_wait3A_47] : memref<25000000xf32, #tpu.memory_space<hbm>> -> memref<5000xf32, #tpu.memory_space<hbm>>
      %dma_wait3A_49 = arith.constant 10016 : i32
      %dma_wait3A_50 = tpu.memref_slice %arg9[%dma_wait3A_49] : memref<40064xf32, #tpu.memory_space<vmem>> -> memref<5000xf32, #tpu.memory_space<vmem>>
      tpu.wait_dma2 semaphore(%arg12 : memref<!tpu.dma_semaphore, #tpu.memory_space<semaphore_mem>>) src(%dma_wait3A_50 : memref<5000xf32, #tpu.memory_space<vmem>>) dst(%dma_wait3A_48 : memref<5000xf32, #tpu.memory_space<hbm>>)
      %dma_wait3A_51 = arith.constant 15024 : i32
      %dma_wait3A_52 = tpu.memref_slice %arg9[%dma_wait3A_51] : memref<40064xf32, #tpu.memory_space<vmem>> -> memref<5000xf32, #tpu.memory_space<vmem>>
      %dma_wait3A_53 = arith.constant 0 : i32
      %dma_wait3A_54 = tpu.memref_slice %arg5[%dma_wait3A_53] : memref<25000000xf32, #tpu.memory_space<hbm>> -> memref<5000xf32, #tpu.memory_space<hbm>>
      %dma_wait3A_55 = arith.constant 0 : i32
      %dma_wait3A_56 = tpu.memref_slice %arg5[%dma_wait3A_55] : memref<25000000xf32, #tpu.memory_space<hbm>> -> memref<5000xf32, #tpu.memory_space<hbm>>
      %dma_wait3A_57 = arith.constant 15024 : i32
      %dma_wait3A_58 = tpu.memref_slice %arg9[%dma_wait3A_57] : memref<40064xf32, #tpu.memory_space<vmem>> -> memref<5000xf32, #tpu.memory_space<vmem>>
      tpu.wait_dma2 semaphore(%arg12 : memref<!tpu.dma_semaphore, #tpu.memory_space<semaphore_mem>>) src(%dma_wait3A_58 : memref<5000xf32, #tpu.memory_space<vmem>>) dst(%dma_wait3A_56 : memref<5000xf32, #tpu.memory_space<hbm>>)
    } else {
    }
    %add3A_21 = arith.constant 1 : i32
    %add3A_22 = arith.addi %mul3A_2, %add3A_21 : i32
    %lt3A_23 = arith.constant 1250 : i32
    %lt3A_24 = arith.cmpi slt, %add3A_22, %lt3A_23 : i32
    %convert_element_type3A_25 = arith.extui %lt3A_24 : i1 to i32
    %cond3A_26 = arith.constant 0 : i32
    %cond3A_27 = arith.cmpi ne, %convert_element_type3A_25, %cond3A_26 : i32
    scf.if %cond3A_27 {
      %dma_wait3A = arith.constant 20032 : i32
      %dma_wait3A_28 = tpu.memref_slice %arg9[%dma_wait3A] : memref<40064xf32, #tpu.memory_space<vmem>> -> memref<5000xf32, #tpu.memory_space<vmem>>
      %dma_wait3A_29 = arith.constant 0 : i32
      %dma_wait3A_30 = tpu.memref_slice %arg5[%dma_wait3A_29] : memref<25000000xf32, #tpu.memory_space<hbm>> -> memref<5000xf32, #tpu.memory_space<hbm>>
      %dma_wait3A_31 = arith.constant 0 : i32
      %dma_wait3A_32 = tpu.memref_slice %arg5[%dma_wait3A_31] : memref<25000000xf32, #tpu.memory_space<hbm>> -> memref<5000xf32, #tpu.memory_space<hbm>>
      %dma_wait3A_33 = arith.constant 20032 : i32
      %dma_wait3A_34 = tpu.memref_slice %arg9[%dma_wait3A_33] : memref<40064xf32, #tpu.memory_space<vmem>> -> memref<5000xf32, #tpu.memory_space<vmem>>
      tpu.wait_dma2 semaphore(%arg13 : memref<!tpu.dma_semaphore, #tpu.memory_space<semaphore_mem>>) src(%dma_wait3A_34 : memref<5000xf32, #tpu.memory_space<vmem>>) dst(%dma_wait3A_32 : memref<5000xf32, #tpu.memory_space<hbm>>)
      %dma_wait3A_35 = arith.constant 25040 : i32
      %dma_wait3A_36 = tpu.memref_slice %arg9[%dma_wait3A_35] : memref<40064xf32, #tpu.memory_space<vmem>> -> memref<5000xf32, #tpu.memory_space<vmem>>
      %dma_wait3A_37 = arith.constant 0 : i32
      %dma_wait3A_38 = tpu.memref_slice %arg5[%dma_wait3A_37] : memref<25000000xf32, #tpu.memory_space<hbm>> -> memref<5000xf32, #tpu.memory_space<hbm>>
      %dma_wait3A_39 = arith.constant 0 : i32
      %dma_wait3A_40 = tpu.memref_slice %arg5[%dma_wait3A_39] : memref<25000000xf32, #tpu.memory_space<hbm>> -> memref<5000xf32, #tpu.memory_space<hbm>>
      %dma_wait3A_41 = arith.constant 25040 : i32
      %dma_wait3A_42 = tpu.memref_slice %arg9[%dma_wait3A_41] : memref<40064xf32, #tpu.memory_space<vmem>> -> memref<5000xf32, #tpu.memory_space<vmem>>
      tpu.wait_dma2 semaphore(%arg13 : memref<!tpu.dma_semaphore, #tpu.memory_space<semaphore_mem>>) src(%dma_wait3A_42 : memref<5000xf32, #tpu.memory_space<vmem>>) dst(%dma_wait3A_40 : memref<5000xf32, #tpu.memory_space<hbm>>)
      %dma_wait3A_43 = arith.constant 30048 : i32
      %dma_wait3A_44 = tpu.memref_slice %arg9[%dma_wait3A_43] : memref<40064xf32, #tpu.memory_space<vmem>> -> memref<5000xf32, #tpu.memory_space<vmem>>
      %dma_wait3A_45 = arith.constant 0 : i32
      %dma_wait3A_46 = tpu.memref_slice %arg5[%dma_wait3A_45] : memref<25000000xf32, #tpu.memory_space<hbm>> -> memref<5000xf32, #tpu.memory_space<hbm>>
      %dma_wait3A_47 = arith.constant 0 : i32
      %dma_wait3A_48 = tpu.memref_slice %arg5[%dma_wait3A_47] : memref<25000000xf32, #tpu.memory_space<hbm>> -> memref<5000xf32, #tpu.memory_space<hbm>>
      %dma_wait3A_49 = arith.constant 30048 : i32
      %dma_wait3A_50 = tpu.memref_slice %arg9[%dma_wait3A_49] : memref<40064xf32, #tpu.memory_space<vmem>> -> memref<5000xf32, #tpu.memory_space<vmem>>
      tpu.wait_dma2 semaphore(%arg13 : memref<!tpu.dma_semaphore, #tpu.memory_space<semaphore_mem>>) src(%dma_wait3A_50 : memref<5000xf32, #tpu.memory_space<vmem>>) dst(%dma_wait3A_48 : memref<5000xf32, #tpu.memory_space<hbm>>)
      %dma_wait3A_51 = arith.constant 35056 : i32
      %dma_wait3A_52 = tpu.memref_slice %arg9[%dma_wait3A_51] : memref<40064xf32, #tpu.memory_space<vmem>> -> memref<5000xf32, #tpu.memory_space<vmem>>
      %dma_wait3A_53 = arith.constant 0 : i32
      %dma_wait3A_54 = tpu.memref_slice %arg5[%dma_wait3A_53] : memref<25000000xf32, #tpu.memory_space<hbm>> -> memref<5000xf32, #tpu.memory_space<hbm>>
      %dma_wait3A_55 = arith.constant 0 : i32
      %dma_wait3A_56 = tpu.memref_slice %arg5[%dma_wait3A_55] : memref<25000000xf32, #tpu.memory_space<hbm>> -> memref<5000xf32, #tpu.memory_space<hbm>>
      %dma_wait3A_57 = arith.constant 35056 : i32
      %dma_wait3A_58 = tpu.memref_slice %arg9[%dma_wait3A_57] : memref<40064xf32, #tpu.memory_space<vmem>> -> memref<5000xf32, #tpu.memory_space<vmem>>
      tpu.wait_dma2 semaphore(%arg13 : memref<!tpu.dma_semaphore, #tpu.memory_space<semaphore_mem>>) src(%dma_wait3A_58 : memref<5000xf32, #tpu.memory_space<vmem>>) dst(%dma_wait3A_56 : memref<5000xf32, #tpu.memory_space<hbm>>)
    } else {
    }
    return
  }
}

#map = affine_map<(d0, d1) -> (0, 0)>
#map1 = affine_map<(d0, d1) -> (0)>
module attributes {stable_mosaic.version = 14 : i64} {
  func.func @xgather_k(%arg0: i32, %arg1: i32, %arg2: memref<10000x128xf32, #tpu.memory_space<hbm>>, %arg3: memref<5120xi32, #tpu.memory_space<hbm>>, %arg4: memref<5120x128xf32, #tpu.memory_space<hbm>>, %arg5: memref<160xi32, #tpu.memory_space<vmem>>, %arg6: memref<160x128xf32, #tpu.memory_space<vmem>>, %arg7: memref<!tpu.dma_semaphore, #tpu.memory_space<semaphore_mem>>) attributes {dimension_semantics = [#tpu.dimension_semantics<core_parallel>, #tpu.dimension_semantics<subcore_parallel>], iteration_bounds = array<i64: 2, 16>, scalar_prefetch = 0 : i64, scratch_operands = 3 : i64, tpu.core_type = #tpu.core_type<sc_vector_subcore>, window_params = [{transform_indices = #map}, {transform_indices = #map1}, {transform_indices = #map}]} {
    %mul3A = arith.constant 2 : i32
    %mul3A_0 = arith.muli %arg1, %mul3A : i32
    %add3A = arith.addi %mul3A_0, %arg0 : i32
    %mul3A_1 = arith.constant 160 : i32
    %mul3A_2 = arith.muli %add3A, %mul3A_1 : i32
    "tpu.region"() ({
      %run_scoped3A = tpu.sem_alloc : memref<!tpu.dma_semaphore, #tpu.memory_space<semaphore_mem>>
      %dma_start3A_35 = tpu.memref_slice %arg3[%mul3A_2] : memref<5120xi32, #tpu.memory_space<hbm>> -> memref<160xi32, #tpu.memory_space<hbm>>
      %dma_start3A_36 = tpu.memref_slice %arg3[%mul3A_2] : memref<5120xi32, #tpu.memory_space<hbm>> -> memref<160xi32, #tpu.memory_space<hbm>>
      tpu.enqueue_dma source(%dma_start3A_36 : memref<160xi32, #tpu.memory_space<hbm>>) target(%arg5 : memref<160xi32, #tpu.memory_space<vmem>>) target_semaphore(%run_scoped3A : memref<!tpu.dma_semaphore, #tpu.memory_space<semaphore_mem>>)
      %dma_wait3A_37 = tpu.memref_slice %arg3[%mul3A_2] : memref<5120xi32, #tpu.memory_space<hbm>> -> memref<160xi32, #tpu.memory_space<hbm>>
      %dma_wait3A_38 = tpu.memref_slice %arg3[%mul3A_2] : memref<5120xi32, #tpu.memory_space<hbm>> -> memref<160xi32, #tpu.memory_space<hbm>>
      tpu.wait_dma2 semaphore(%run_scoped3A : memref<!tpu.dma_semaphore, #tpu.memory_space<semaphore_mem>>) src(%dma_wait3A_38 : memref<160xi32, #tpu.memory_space<hbm>>) dst(%arg5 : memref<160xi32, #tpu.memory_space<vmem>>)
      tpu.yield
    }) : () -> ()
    %dma_start3A = arith.constant 0 : i32
    %dma_start3A_3 = arith.constant 0 : i32
    %dma_start3A_4 = tpu.memref_slice %arg6[%dma_start3A, %dma_start3A_3] : memref<160x128xf32, #tpu.memory_space<vmem>> -> memref<80x128xf32, #tpu.memory_space<vmem>>
    %dma_start3A_5 = arith.constant 0 : i32
    %dma_start3A_6 = tpu.memref_slice %arg5[%dma_start3A_5] : memref<160xi32, #tpu.memory_space<vmem>> -> memref<80xi32, #tpu.memory_space<vmem>>
    %dma_start3A_7 = arith.constant 0 : i32
    %dma_start3A_8 = arith.constant 0 : i32
    %dma_start3A_9 = tpu.memref_slice %arg2[%dma_start3A_7, %dma_start3A_8] : memref<10000x128xf32, #tpu.memory_space<hbm>> -> memref<10000x128xf32, #tpu.memory_space<hbm>>
    tpu.enqueue_indirect_dma source(%dma_start3A_9 : memref<10000x128xf32, #tpu.memory_space<hbm>>) target(%dma_start3A_4 : memref<80x128xf32, #tpu.memory_space<vmem>>) offsets(%dma_start3A_6 : memref<80xi32, #tpu.memory_space<vmem>>) semaphore(%arg7 : memref<!tpu.dma_semaphore, #tpu.memory_space<semaphore_mem>>)
    %dma_start3A_10 = arith.constant 80 : i32
    %dma_start3A_11 = arith.constant 0 : i32
    %dma_start3A_12 = tpu.memref_slice %arg6[%dma_start3A_10, %dma_start3A_11] : memref<160x128xf32, #tpu.memory_space<vmem>> -> memref<80x128xf32, #tpu.memory_space<vmem>>
    %dma_start3A_13 = arith.constant 80 : i32
    %dma_start3A_14 = tpu.memref_slice %arg5[%dma_start3A_13] : memref<160xi32, #tpu.memory_space<vmem>> -> memref<80xi32, #tpu.memory_space<vmem>>
    %dma_start3A_15 = arith.constant 0 : i32
    %dma_start3A_16 = arith.constant 0 : i32
    %dma_start3A_17 = tpu.memref_slice %arg2[%dma_start3A_15, %dma_start3A_16] : memref<10000x128xf32, #tpu.memory_space<hbm>> -> memref<10000x128xf32, #tpu.memory_space<hbm>>
    tpu.enqueue_indirect_dma source(%dma_start3A_17 : memref<10000x128xf32, #tpu.memory_space<hbm>>) target(%dma_start3A_12 : memref<80x128xf32, #tpu.memory_space<vmem>>) offsets(%dma_start3A_14 : memref<80xi32, #tpu.memory_space<vmem>>) semaphore(%arg7 : memref<!tpu.dma_semaphore, #tpu.memory_space<semaphore_mem>>)
    %dma_wait3A = arith.constant 0 : i32
    %dma_wait3A_18 = arith.constant 0 : i32
    %dma_wait3A_19 = tpu.memref_slice %arg6[%dma_wait3A, %dma_wait3A_18] : memref<160x128xf32, #tpu.memory_space<vmem>> -> memref<80x128xf32, #tpu.memory_space<vmem>>
    %dma_wait3A_20 = arith.constant 0 : i32
    %dma_wait3A_21 = tpu.memref_slice %arg5[%dma_wait3A_20] : memref<160xi32, #tpu.memory_space<vmem>> -> memref<80xi32, #tpu.memory_space<vmem>>
    %dma_wait3A_22 = arith.constant 0 : i32
    %dma_wait3A_23 = arith.constant 0 : i32
    %dma_wait3A_24 = tpu.memref_slice %arg2[%dma_wait3A_22, %dma_wait3A_23] : memref<10000x128xf32, #tpu.memory_space<hbm>> -> memref<10000x128xf32, #tpu.memory_space<hbm>>
    tpu.wait_indirect_dma semaphore(%arg7 : memref<!tpu.dma_semaphore, #tpu.memory_space<semaphore_mem>>) src(%dma_wait3A_24 : memref<10000x128xf32, #tpu.memory_space<hbm>>) dst(%dma_wait3A_19 : memref<80x128xf32, #tpu.memory_space<vmem>>)
    %dma_wait3A_25 = arith.constant 80 : i32
    %dma_wait3A_26 = arith.constant 0 : i32
    %dma_wait3A_27 = tpu.memref_slice %arg6[%dma_wait3A_25, %dma_wait3A_26] : memref<160x128xf32, #tpu.memory_space<vmem>> -> memref<80x128xf32, #tpu.memory_space<vmem>>
    %dma_wait3A_28 = arith.constant 80 : i32
    %dma_wait3A_29 = tpu.memref_slice %arg5[%dma_wait3A_28] : memref<160xi32, #tpu.memory_space<vmem>> -> memref<80xi32, #tpu.memory_space<vmem>>
    %dma_wait3A_30 = arith.constant 0 : i32
    %dma_wait3A_31 = arith.constant 0 : i32
    %dma_wait3A_32 = tpu.memref_slice %arg2[%dma_wait3A_30, %dma_wait3A_31] : memref<10000x128xf32, #tpu.memory_space<hbm>> -> memref<10000x128xf32, #tpu.memory_space<hbm>>
    tpu.wait_indirect_dma semaphore(%arg7 : memref<!tpu.dma_semaphore, #tpu.memory_space<semaphore_mem>>) src(%dma_wait3A_32 : memref<10000x128xf32, #tpu.memory_space<hbm>>) dst(%dma_wait3A_27 : memref<80x128xf32, #tpu.memory_space<vmem>>)
    %mul3A_33 = arith.constant 160 : i32
    %mul3A_34 = arith.muli %add3A, %mul3A_33 : i32
    "tpu.region"() ({
      %run_scoped3A = tpu.sem_alloc : memref<!tpu.dma_semaphore, #tpu.memory_space<semaphore_mem>>
      %dma_start3A_35 = arith.constant 0 : i32
      %dma_start3A_36 = tpu.memref_slice %arg4[%mul3A_34, %dma_start3A_35] : memref<5120x128xf32, #tpu.memory_space<hbm>> -> memref<160x128xf32, #tpu.memory_space<hbm>>
      %dma_start3A_37 = arith.constant 0 : i32
      %dma_start3A_38 = tpu.memref_slice %arg4[%mul3A_34, %dma_start3A_37] : memref<5120x128xf32, #tpu.memory_space<hbm>> -> memref<160x128xf32, #tpu.memory_space<hbm>>
      tpu.enqueue_dma source(%arg6 : memref<160x128xf32, #tpu.memory_space<vmem>>) target(%dma_start3A_38 : memref<160x128xf32, #tpu.memory_space<hbm>>) target_semaphore(%run_scoped3A : memref<!tpu.dma_semaphore, #tpu.memory_space<semaphore_mem>>)
      %dma_wait3A_39 = arith.constant 0 : i32
      %dma_wait3A_40 = tpu.memref_slice %arg4[%mul3A_34, %dma_wait3A_39] : memref<5120x128xf32, #tpu.memory_space<hbm>> -> memref<160x128xf32, #tpu.memory_space<hbm>>
      %dma_wait3A_41 = arith.constant 0 : i32
      %dma_wait3A_42 = tpu.memref_slice %arg4[%mul3A_34, %dma_wait3A_41] : memref<5120x128xf32, #tpu.memory_space<hbm>> -> memref<160x128xf32, #tpu.memory_space<hbm>>
      tpu.wait_dma2 semaphore(%run_scoped3A : memref<!tpu.dma_semaphore, #tpu.memory_space<semaphore_mem>>) src(%arg6 : memref<160x128xf32, #tpu.memory_space<vmem>>) dst(%dma_wait3A_42 : memref<160x128xf32, #tpu.memory_space<hbm>>)
      tpu.yield
    }) : () -> ()
    return
  }
}

module attributes {stable_mosaic.version = 14 : i64} {
  func.func @_scores_body(%arg0: memref<10240x128xf32, #tpu.memory_space<vmem>>, %arg1: memref<128x1xf32, #tpu.memory_space<vmem>>, %arg2: memref<10240x1xf32, #tpu.memory_space<vmem>>) attributes {dimension_semantics = [], scalar_prefetch = 0 : i64, scratch_operands = 0 : i64, tpu.core_type = #tpu.core_type<tc>} {
    %get3A = arith.constant 0 : index
    %get3A_0 = arith.constant 0 : index
    %get3A_1 = vector.load %arg0[%get3A, %get3A_0] : memref<10240x128xf32, #tpu.memory_space<vmem>>, vector<10240x128xf32>
    %get3A_2 = arith.constant 0 : index
    %get3A_3 = arith.constant 0 : index
    %get3A_4 = vector.load %arg1[%get3A_2, %get3A_3] : memref<128x1xf32, #tpu.memory_space<vmem>>, vector<128x1xf32>
    %dot_general3A = arith.constant dense<0.000000e+00> : vector<10240x1xf32>
    %dot_general3A_5 = tpu.matmul %get3A_1, %get3A_4, %dot_general3A {dimension_numbers = #tpu.dot_dimension_numbers<[1], [0], [0], [1], [0, 0, 1, 1], [], []>, transpose_lhs_hint = false} : vector<10240x128xf32>, vector<128x1xf32>, vector<10240x1xf32> -> vector<10240x1xf32>
    %iota3A = tpu.iota {dimensions = array<i32: 0>} : vector<10240x1xi32>
    %lt3A = arith.constant 10000 : i32
    %lt3A_6 = vector.broadcast %lt3A : i32 to vector<10240x1xi32>
    %lt3A_7 = arith.cmpi slt, %iota3A, %lt3A_6 : vector<10240x1xi32>
    %jit3A = arith.constant 0xFF800000 : f32
    %broadcast_in_dim3A = vector.broadcast %jit3A : f32 to vector<10240x1xf32>
    %select_n3A = arith.select %lt3A_7, %dot_general3A_5, %broadcast_in_dim3A : vector<10240x1xi1>, vector<10240x1xf32>
    %swap3A = arith.constant 0 : index
    %swap3A_8 = arith.constant 0 : index
    %swap3A_9 = vector.load %arg2[%swap3A, %swap3A_8] : memref<10240x1xf32, #tpu.memory_space<vmem>>, vector<10240x1xf32>
    tpu.vector_store %arg2[%swap3A, %swap3A_8], %select_n3A {strides = array<i32>} : memref<10240x1xf32, #tpu.memory_space<vmem>>, vector<10240x1xf32>,
    return
  }
}

module attributes {stable_mosaic.version = 14 : i64} {
  func.func @_ranks_body(%arg0: i32, %arg1: memref<1024x1xf32, #tpu.memory_space<vmem>>, %arg2: memref<80x128xf32, #tpu.memory_space<vmem>>, %arg3: memref<1024x1xi32, #tpu.memory_space<vmem>>, %arg4: memref<1024x128xf32, #tpu.memory_space<vmem>>) attributes {dimension_semantics = [#tpu.dimension_semantics<arbitrary>], iteration_bounds = array<i64: 10>, scalar_prefetch = 0 : i64, scratch_operands = 1 : i64, tpu.core_type = #tpu.core_type<tc>, window_params = [{transform_indices = @transform_0, window_bounds = array<i64: 1024, 1>}, {pipeline_mode = #tpu.pipeline_mode<synchronous>, transform_indices = @transform_1, window_bounds = array<i64: 80, 128>}, {transform_indices = @transform_2, window_bounds = array<i64: 1024, 1>}]} {
    %get3A = arith.constant 0 : index
    %get3A_0 = arith.constant 0 : index
    %get3A_1 = vector.load %arg1[%get3A, %get3A_0] : memref<1024x1xf32, #tpu.memory_space<vmem>>, vector<1024x1xf32>
    %broadcast_in_dim3A = vector.shape_cast %get3A_1 : vector<1024x1xf32> to vector<1024x1xf32>
    %broadcast_in_dim3A_2 = vector.broadcast %broadcast_in_dim3A : vector<1024x1xf32> to vector<1024x128xf32>
    %swap3A = arith.constant 0 : index
    %swap3A_3 = arith.constant 0 : index
    %swap3A_4 = vector.load %arg4[%swap3A, %swap3A_3] : memref<1024x128xf32, #tpu.memory_space<vmem>>, vector<1024x128xf32>
    tpu.vector_store %arg4[%swap3A, %swap3A_3], %broadcast_in_dim3A_2 {strides = array<i32>} : memref<1024x128xf32, #tpu.memory_space<vmem>>, vector<1024x128xf32>,
    %iota3A = tpu.iota {dimensions = array<i32: 1>} : vector<128x128xi32>
    %iota3A_5 = tpu.iota {dimensions = array<i32: 0>} : vector<128x128xi32>
    %lt3A = arith.cmpi slt, %iota3A, %iota3A_5 : vector<128x128xi32>
    %get3A_6 = arith.constant 0 : index
    %get3A_7 = arith.constant 0 : index
    %get3A_8 = vector.load %arg4[%get3A_6, %get3A_7] : memref<1024x128xf32, #tpu.memory_space<vmem>>, vector<128x128xf32>
    %mul3A = arith.constant 8 : i32
    %mul3A_9 = arith.muli %arg0, %mul3A : i32
    %add3A = arith.constant 0 : i32
    %add3A_10 = arith.addi %mul3A_9, %add3A : i32
    %broadcast_in_dim3A_11 = arith.constant 0.000000e+00 : f32
    %broadcast_in_dim3A_12 = vector.broadcast %broadcast_in_dim3A_11 : f32 to vector<128x128xf32>
    %while3A = arith.constant 0 : i32
    %while3A_13 = arith.subi %add3A_10, %while3A : i32
    %while3A_14 = arith.addi %while3A, %while3A_13 : i32
    %while3A_15 = arith.constant 1 : i32
    %while3A_16 = arith.divsi %while3A_13, %while3A_15 : i32
    %while3A_17 = arith.muli %while3A_16, %while3A_15 : i32
    %while3A_18 = arith.addi %while3A, %while3A_17 : i32
    %while3A_19 = arith.constant 1 : i32
    %while3A_20 = scf.for %while3A_435 = %while3A to %while3A_18 step %while3A_19 iter_args(%while3A_436 = %broadcast_in_dim3A_12) -> (vector<128x128xf32>)  : i32 {
      %get3A_437 = arith.index_cast %while3A_435 : i32 to index
      %get3A_438 = arith.constant 0 : index
      %get3A_439 = vector.load %arg2[%get3A_437, %get3A_438] : memref<80x128xf32, #tpu.memory_space<vmem>>, vector<1x128xf32>
      %ge3A = vector.broadcast %get3A_439 : vector<1x128xf32> to vector<128x128xf32>
      %ge3A_440 = arith.cmpf oge, %ge3A, %get3A_8 : vector<128x128xf32>
      %jit3A_441 = arith.constant 1.000000e+00 : f32
      %jit3A_442 = arith.constant 0.000000e+00 : f32
      %broadcast_in_dim3A_443 = vector.broadcast %jit3A_441 : f32 to vector<128x128xf32>
      %broadcast_in_dim3A_444 = vector.broadcast %jit3A_442 : f32 to vector<128x128xf32>
      %select_n3A_445 = arith.select %ge3A_440, %broadcast_in_dim3A_443, %broadcast_in_dim3A_444 : vector<128x128xi1>, vector<128x128xf32>
      %add3A_446 = arith.addf %while3A_436, %select_n3A_445 : vector<128x128xf32>
      scf.yield %add3A_446 : vector<128x128xf32>
    }
    %while3A_21 = arith.constant 1 : i32
    %while3A_22 = scf.for %while3A_435 = %while3A_18 to %while3A_14 step %while3A_21 iter_args(%while3A_436 = %while3A_20) -> (vector<128x128xf32>)  : i32 {
      %get3A_437 = arith.index_cast %while3A_435 : i32 to index
      %get3A_438 = arith.constant 0 : index
      %get3A_439 = vector.load %arg2[%get3A_437, %get3A_438] : memref<80x128xf32, #tpu.memory_space<vmem>>, vector<1x128xf32>
      %ge3A = vector.broadcast %get3A_439 : vector<1x128xf32> to vector<128x128xf32>
      %ge3A_440 = arith.cmpf oge, %ge3A, %get3A_8 : vector<128x128xf32>
      %jit3A_441 = arith.constant 1.000000e+00 : f32
      %jit3A_442 = arith.constant 0.000000e+00 : f32
      %broadcast_in_dim3A_443 = vector.broadcast %jit3A_441 : f32 to vector<128x128xf32>
      %broadcast_in_dim3A_444 = vector.broadcast %jit3A_442 : f32 to vector<128x128xf32>
      %select_n3A_445 = arith.select %ge3A_440, %broadcast_in_dim3A_443, %broadcast_in_dim3A_444 : vector<128x128xi1>, vector<128x128xf32>
      %add3A_446 = arith.addf %while3A_436, %select_n3A_445 : vector<128x128xf32>
      scf.yield %add3A_446 : vector<128x128xf32>
    }
    %get3A_23 = arith.index_cast %add3A_10 : i32 to index
    %get3A_24 = arith.constant 0 : index
    %get3A_25 = vector.load %arg2[%get3A_23, %get3A_24] : memref<80x128xf32, #tpu.memory_space<vmem>>, vector<1x128xf32>
    %gt3A = vector.broadcast %get3A_25 : vector<1x128xf32> to vector<128x128xf32>
    %gt3A_26 = arith.cmpf ogt, %gt3A, %get3A_8 : vector<128x128xf32>
    %eq3A = vector.broadcast %get3A_25 : vector<1x128xf32> to vector<128x128xf32>
    %eq3A_27 = arith.cmpf oeq, %eq3A, %get3A_8 : vector<128x128xf32>
    %and3A = arith.andi %eq3A_27, %lt3A : vector<128x128xi1>
    %or3A = arith.ori %gt3A_26, %and3A : vector<128x128xi1>
    %jit3A = arith.constant 1.000000e+00 : f32
    %jit3A_28 = arith.constant 0.000000e+00 : f32
    %broadcast_in_dim3A_29 = vector.broadcast %jit3A : f32 to vector<128x128xf32>
    %broadcast_in_dim3A_30 = vector.broadcast %jit3A_28 : f32 to vector<128x128xf32>
    %select_n3A = arith.select %or3A, %broadcast_in_dim3A_29, %broadcast_in_dim3A_30 : vector<128x128xi1>, vector<128x128xf32>
    %add3A_31 = arith.addf %while3A_22, %select_n3A : vector<128x128xf32>
    %add3A_32 = arith.constant 1 : i32
    %add3A_33 = arith.addi %add3A_10, %add3A_32 : i32
    %while3A_34 = arith.constant 80 : i32
    %while3A_35 = arith.subi %while3A_34, %add3A_33 : i32
    %while3A_36 = arith.addi %add3A_33, %while3A_35 : i32
    %while3A_37 = arith.constant 1 : i32
    %while3A_38 = arith.divsi %while3A_35, %while3A_37 : i32
    %while3A_39 = arith.muli %while3A_38, %while3A_37 : i32
    %while3A_40 = arith.addi %add3A_33, %while3A_39 : i32
    %while3A_41 = arith.constant 1 : i32
    %while3A_42 = scf.for %while3A_435 = %add3A_33 to %while3A_40 step %while3A_41 iter_args(%while3A_436 = %add3A_31) -> (vector<128x128xf32>)  : i32 {
      %get3A_437 = arith.index_cast %while3A_435 : i32 to index
      %get3A_438 = arith.constant 0 : index
      %get3A_439 = vector.load %arg2[%get3A_437, %get3A_438] : memref<80x128xf32, #tpu.memory_space<vmem>>, vector<1x128xf32>
      %gt3A_440 = vector.broadcast %get3A_439 : vector<1x128xf32> to vector<128x128xf32>
      %gt3A_441 = arith.cmpf ogt, %gt3A_440, %get3A_8 : vector<128x128xf32>
      %jit3A_442 = arith.constant 1.000000e+00 : f32
      %jit3A_443 = arith.constant 0.000000e+00 : f32
      %broadcast_in_dim3A_444 = vector.broadcast %jit3A_442 : f32 to vector<128x128xf32>
      %broadcast_in_dim3A_445 = vector.broadcast %jit3A_443 : f32 to vector<128x128xf32>
      %select_n3A_446 = arith.select %gt3A_441, %broadcast_in_dim3A_444, %broadcast_in_dim3A_445 : vector<128x128xi1>, vector<128x128xf32>
      %add3A_447 = arith.addf %while3A_436, %select_n3A_446 : vector<128x128xf32>
      scf.yield %add3A_447 : vector<128x128xf32>
    }
    %while3A_43 = arith.constant 1 : i32
    %while3A_44 = scf.for %while3A_435 = %while3A_40 to %while3A_36 step %while3A_43 iter_args(%while3A_436 = %while3A_42) -> (vector<128x128xf32>)  : i32 {
      %get3A_437 = arith.index_cast %while3A_435 : i32 to index
      %get3A_438 = arith.constant 0 : index
      %get3A_439 = vector.load %arg2[%get3A_437, %get3A_438] : memref<80x128xf32, #tpu.memory_space<vmem>>, vector<1x128xf32>
      %gt3A_440 = vector.broadcast %get3A_439 : vector<1x128xf32> to vector<128x128xf32>
      %gt3A_441 = arith.cmpf ogt, %gt3A_440, %get3A_8 : vector<128x128xf32>
      %jit3A_442 = arith.constant 1.000000e+00 : f32
      %jit3A_443 = arith.constant 0.000000e+00 : f32
      %broadcast_in_dim3A_444 = vector.broadcast %jit3A_442 : f32 to vector<128x128xf32>
      %broadcast_in_dim3A_445 = vector.broadcast %jit3A_443 : f32 to vector<128x128xf32>
      %select_n3A_446 = arith.select %gt3A_441, %broadcast_in_dim3A_444, %broadcast_in_dim3A_445 : vector<128x128xi1>, vector<128x128xf32>
      %add3A_447 = arith.addf %while3A_436, %select_n3A_446 : vector<128x128xf32>
      scf.yield %add3A_447 : vector<128x128xf32>
    }
    %reduce_sum3A = arith.constant dense<0.000000e+00> : vector<128xf32>
    %reduce_sum3A_45 = vector.multi_reduction <add>, %while3A_44, %reduce_sum3A [1] : vector<128x128xf32> to vector<128xf32>
    %broadcast_in_dim3A_46 = vector.shape_cast %reduce_sum3A_45 : vector<128xf32> to vector<128x1xf32>
    %convert_element_type3A = arith.fptosi %broadcast_in_dim3A_46 : vector<128x1xf32> to vector<128x1xi32>
    %swap3A_47 = arith.constant 0 : index
    %swap3A_48 = arith.constant 0 : index
    %swap3A_49 = vector.load %arg3[%swap3A_47, %swap3A_48] : memref<1024x1xi32, #tpu.memory_space<vmem>>, vector<128x1xi32>
    tpu.vector_store %arg3[%swap3A_47, %swap3A_48], %convert_element_type3A {strides = array<i32>} : memref<1024x1xi32, #tpu.memory_space<vmem>>, vector<128x1xi32>,
    %get3A_50 = arith.constant 128 : index
    %get3A_51 = arith.constant 0 : index
    %get3A_52 = vector.load %arg4[%get3A_50, %get3A_51] : memref<1024x128xf32, #tpu.memory_space<vmem>>, vector<128x128xf32>
    %mul3A_53 = arith.constant 8 : i32
    %mul3A_54 = arith.muli %arg0, %mul3A_53 : i32
    %add3A_55 = arith.constant 1 : i32
    %add3A_56 = arith.addi %mul3A_54, %add3A_55 : i32
    %broadcast_in_dim3A_57 = arith.constant 0.000000e+00 : f32
    %broadcast_in_dim3A_58 = vector.broadcast %broadcast_in_dim3A_57 : f32 to vector<128x128xf32>
    %while3A_59 = arith.constant 0 : i32
    %while3A_60 = arith.subi %add3A_56, %while3A_59 : i32
    %while3A_61 = arith.addi %while3A_59, %while3A_60 : i32
    %while3A_62 = arith.constant 1 : i32
    %while3A_63 = arith.divsi %while3A_60, %while3A_62 : i32
    %while3A_64 = arith.muli %while3A_63, %while3A_62 : i32
    %while3A_65 = arith.addi %while3A_59, %while3A_64 : i32
    %while3A_66 = arith.constant 1 : i32
    %while3A_67 = scf.for %while3A_435 = %while3A_59 to %while3A_65 step %while3A_66 iter_args(%while3A_436 = %broadcast_in_dim3A_58) -> (vector<128x128xf32>)  : i32 {
      %get3A_437 = arith.index_cast %while3A_435 : i32 to index
      %get3A_438 = arith.constant 0 : index
      %get3A_439 = vector.load %arg2[%get3A_437, %get3A_438] : memref<80x128xf32, #tpu.memory_space<vmem>>, vector<1x128xf32>
      %ge3A = vector.broadcast %get3A_439 : vector<1x128xf32> to vector<128x128xf32>
      %ge3A_440 = arith.cmpf oge, %ge3A, %get3A_52 : vector<128x128xf32>
      %jit3A_441 = arith.constant 1.000000e+00 : f32
      %jit3A_442 = arith.constant 0.000000e+00 : f32
      %broadcast_in_dim3A_443 = vector.broadcast %jit3A_441 : f32 to vector<128x128xf32>
      %broadcast_in_dim3A_444 = vector.broadcast %jit3A_442 : f32 to vector<128x128xf32>
      %select_n3A_445 = arith.select %ge3A_440, %broadcast_in_dim3A_443, %broadcast_in_dim3A_444 : vector<128x128xi1>, vector<128x128xf32>
      %add3A_446 = arith.addf %while3A_436, %select_n3A_445 : vector<128x128xf32>
      scf.yield %add3A_446 : vector<128x128xf32>
    }
    %while3A_68 = arith.constant 1 : i32
    %while3A_69 = scf.for %while3A_435 = %while3A_65 to %while3A_61 step %while3A_68 iter_args(%while3A_436 = %while3A_67) -> (vector<128x128xf32>)  : i32 {
      %get3A_437 = arith.index_cast %while3A_435 : i32 to index
      %get3A_438 = arith.constant 0 : index
      %get3A_439 = vector.load %arg2[%get3A_437, %get3A_438] : memref<80x128xf32, #tpu.memory_space<vmem>>, vector<1x128xf32>
      %ge3A = vector.broadcast %get3A_439 : vector<1x128xf32> to vector<128x128xf32>
      %ge3A_440 = arith.cmpf oge, %ge3A, %get3A_52 : vector<128x128xf32>
      %jit3A_441 = arith.constant 1.000000e+00 : f32
      %jit3A_442 = arith.constant 0.000000e+00 : f32
      %broadcast_in_dim3A_443 = vector.broadcast %jit3A_441 : f32 to vector<128x128xf32>
      %broadcast_in_dim3A_444 = vector.broadcast %jit3A_442 : f32 to vector<128x128xf32>
      %select_n3A_445 = arith.select %ge3A_440, %broadcast_in_dim3A_443, %broadcast_in_dim3A_444 : vector<128x128xi1>, vector<128x128xf32>
      %add3A_446 = arith.addf %while3A_436, %select_n3A_445 : vector<128x128xf32>
      scf.yield %add3A_446 : vector<128x128xf32>
    }
    %get3A_70 = arith.index_cast %add3A_56 : i32 to index
    %get3A_71 = arith.constant 0 : index
    %get3A_72 = vector.load %arg2[%get3A_70, %get3A_71] : memref<80x128xf32, #tpu.memory_space<vmem>>, vector<1x128xf32>
    %gt3A_73 = vector.broadcast %get3A_72 : vector<1x128xf32> to vector<128x128xf32>
    %gt3A_74 = arith.cmpf ogt, %gt3A_73, %get3A_52 : vector<128x128xf32>
    %eq3A_75 = vector.broadcast %get3A_72 : vector<1x128xf32> to vector<128x128xf32>
    %eq3A_76 = arith.cmpf oeq, %eq3A_75, %get3A_52 : vector<128x128xf32>
    %and3A_77 = arith.andi %eq3A_76, %lt3A : vector<128x128xi1>
    %or3A_78 = arith.ori %gt3A_74, %and3A_77 : vector<128x128xi1>
    %jit3A_79 = arith.constant 1.000000e+00 : f32
    %jit3A_80 = arith.constant 0.000000e+00 : f32
    %broadcast_in_dim3A_81 = vector.broadcast %jit3A_79 : f32 to vector<128x128xf32>
    %broadcast_in_dim3A_82 = vector.broadcast %jit3A_80 : f32 to vector<128x128xf32>
    %select_n3A_83 = arith.select %or3A_78, %broadcast_in_dim3A_81, %broadcast_in_dim3A_82 : vector<128x128xi1>, vector<128x128xf32>
    %add3A_84 = arith.addf %while3A_69, %select_n3A_83 : vector<128x128xf32>
    %add3A_85 = arith.constant 1 : i32
    %add3A_86 = arith.addi %add3A_56, %add3A_85 : i32
    %while3A_87 = arith.constant 80 : i32
    %while3A_88 = arith.subi %while3A_87, %add3A_86 : i32
    %while3A_89 = arith.addi %add3A_86, %while3A_88 : i32
    %while3A_90 = arith.constant 1 : i32
    %while3A_91 = arith.divsi %while3A_88, %while3A_90 : i32
    %while3A_92 = arith.muli %while3A_91, %while3A_90 : i32
    %while3A_93 = arith.addi %add3A_86, %while3A_92 : i32
    %while3A_94 = arith.constant 1 : i32
    %while3A_95 = scf.for %while3A_435 = %add3A_86 to %while3A_93 step %while3A_94 iter_args(%while3A_436 = %add3A_84) -> (vector<128x128xf32>)  : i32 {
      %get3A_437 = arith.index_cast %while3A_435 : i32 to index
      %get3A_438 = arith.constant 0 : index
      %get3A_439 = vector.load %arg2[%get3A_437, %get3A_438] : memref<80x128xf32, #tpu.memory_space<vmem>>, vector<1x128xf32>
      %gt3A_440 = vector.broadcast %get3A_439 : vector<1x128xf32> to vector<128x128xf32>
      %gt3A_441 = arith.cmpf ogt, %gt3A_440, %get3A_52 : vector<128x128xf32>
      %jit3A_442 = arith.constant 1.000000e+00 : f32
      %jit3A_443 = arith.constant 0.000000e+00 : f32
      %broadcast_in_dim3A_444 = vector.broadcast %jit3A_442 : f32 to vector<128x128xf32>
      %broadcast_in_dim3A_445 = vector.broadcast %jit3A_443 : f32 to vector<128x128xf32>
      %select_n3A_446 = arith.select %gt3A_441, %broadcast_in_dim3A_444, %broadcast_in_dim3A_445 : vector<128x128xi1>, vector<128x128xf32>
      %add3A_447 = arith.addf %while3A_436, %select_n3A_446 : vector<128x128xf32>
      scf.yield %add3A_447 : vector<128x128xf32>
    }
    %while3A_96 = arith.constant 1 : i32
    %while3A_97 = scf.for %while3A_435 = %while3A_93 to %while3A_89 step %while3A_96 iter_args(%while3A_436 = %while3A_95) -> (vector<128x128xf32>)  : i32 {
      %get3A_437 = arith.index_cast %while3A_435 : i32 to index
      %get3A_438 = arith.constant 0 : index
      %get3A_439 = vector.load %arg2[%get3A_437, %get3A_438] : memref<80x128xf32, #tpu.memory_space<vmem>>, vector<1x128xf32>
      %gt3A_440 = vector.broadcast %get3A_439 : vector<1x128xf32> to vector<128x128xf32>
      %gt3A_441 = arith.cmpf ogt, %gt3A_440, %get3A_52 : vector<128x128xf32>
      %jit3A_442 = arith.constant 1.000000e+00 : f32
      %jit3A_443 = arith.constant 0.000000e+00 : f32
      %broadcast_in_dim3A_444 = vector.broadcast %jit3A_442 : f32 to vector<128x128xf32>
      %broadcast_in_dim3A_445 = vector.broadcast %jit3A_443 : f32 to vector<128x128xf32>
      %select_n3A_446 = arith.select %gt3A_441, %broadcast_in_dim3A_444, %broadcast_in_dim3A_445 : vector<128x128xi1>, vector<128x128xf32>
      %add3A_447 = arith.addf %while3A_436, %select_n3A_446 : vector<128x128xf32>
      scf.yield %add3A_447 : vector<128x128xf32>
    }
    %reduce_sum3A_98 = arith.constant dense<0.000000e+00> : vector<128xf32>
    %reduce_sum3A_99 = vector.multi_reduction <add>, %while3A_97, %reduce_sum3A_98 [1] : vector<128x128xf32> to vector<128xf32>
    %broadcast_in_dim3A_100 = vector.shape_cast %reduce_sum3A_99 : vector<128xf32> to vector<128x1xf32>
    %convert_element_type3A_101 = arith.fptosi %broadcast_in_dim3A_100 : vector<128x1xf32> to vector<128x1xi32>
    %swap3A_102 = arith.constant 128 : index
    %swap3A_103 = arith.constant 0 : index
    %swap3A_104 = vector.load %arg3[%swap3A_102, %swap3A_103] : memref<1024x1xi32, #tpu.memory_space<vmem>>, vector<128x1xi32>
    tpu.vector_store %arg3[%swap3A_102, %swap3A_103], %convert_element_type3A_101 {strides = array<i32>} : memref<1024x1xi32, #tpu.memory_space<vmem>>, vector<128x1xi32>,
    %get3A_105 = arith.constant 256 : index
    %get3A_106 = arith.constant 0 : index
    %get3A_107 = vector.load %arg4[%get3A_105, %get3A_106] : memref<1024x128xf32, #tpu.memory_space<vmem>>, vector<128x128xf32>
    %mul3A_108 = arith.constant 8 : i32
    %mul3A_109 = arith.muli %arg0, %mul3A_108 : i32
    %add3A_110 = arith.constant 2 : i32
    %add3A_111 = arith.addi %mul3A_109, %add3A_110 : i32
    %broadcast_in_dim3A_112 = arith.constant 0.000000e+00 : f32
    %broadcast_in_dim3A_113 = vector.broadcast %broadcast_in_dim3A_112 : f32 to vector<128x128xf32>
    %while3A_114 = arith.constant 0 : i32
    %while3A_115 = arith.subi %add3A_111, %while3A_114 : i32
    %while3A_116 = arith.addi %while3A_114, %while3A_115 : i32
    %while3A_117 = arith.constant 1 : i32
    %while3A_118 = arith.divsi %while3A_115, %while3A_117 : i32
    %while3A_119 = arith.muli %while3A_118, %while3A_117 : i32
    %while3A_120 = arith.addi %while3A_114, %while3A_119 : i32
    %while3A_121 = arith.constant 1 : i32
    %while3A_122 = scf.for %while3A_435 = %while3A_114 to %while3A_120 step %while3A_121 iter_args(%while3A_436 = %broadcast_in_dim3A_113) -> (vector<128x128xf32>)  : i32 {
      %get3A_437 = arith.index_cast %while3A_435 : i32 to index
      %get3A_438 = arith.constant 0 : index
      %get3A_439 = vector.load %arg2[%get3A_437, %get3A_438] : memref<80x128xf32, #tpu.memory_space<vmem>>, vector<1x128xf32>
      %ge3A = vector.broadcast %get3A_439 : vector<1x128xf32> to vector<128x128xf32>
      %ge3A_440 = arith.cmpf oge, %ge3A, %get3A_107 : vector<128x128xf32>
      %jit3A_441 = arith.constant 1.000000e+00 : f32
      %jit3A_442 = arith.constant 0.000000e+00 : f32
      %broadcast_in_dim3A_443 = vector.broadcast %jit3A_441 : f32 to vector<128x128xf32>
      %broadcast_in_dim3A_444 = vector.broadcast %jit3A_442 : f32 to vector<128x128xf32>
      %select_n3A_445 = arith.select %ge3A_440, %broadcast_in_dim3A_443, %broadcast_in_dim3A_444 : vector<128x128xi1>, vector<128x128xf32>
      %add3A_446 = arith.addf %while3A_436, %select_n3A_445 : vector<128x128xf32>
      scf.yield %add3A_446 : vector<128x128xf32>
    }
    %while3A_123 = arith.constant 1 : i32
    %while3A_124 = scf.for %while3A_435 = %while3A_120 to %while3A_116 step %while3A_123 iter_args(%while3A_436 = %while3A_122) -> (vector<128x128xf32>)  : i32 {
      %get3A_437 = arith.index_cast %while3A_435 : i32 to index
      %get3A_438 = arith.constant 0 : index
      %get3A_439 = vector.load %arg2[%get3A_437, %get3A_438] : memref<80x128xf32, #tpu.memory_space<vmem>>, vector<1x128xf32>
      %ge3A = vector.broadcast %get3A_439 : vector<1x128xf32> to vector<128x128xf32>
      %ge3A_440 = arith.cmpf oge, %ge3A, %get3A_107 : vector<128x128xf32>
      %jit3A_441 = arith.constant 1.000000e+00 : f32
      %jit3A_442 = arith.constant 0.000000e+00 : f32
      %broadcast_in_dim3A_443 = vector.broadcast %jit3A_441 : f32 to vector<128x128xf32>
      %broadcast_in_dim3A_444 = vector.broadcast %jit3A_442 : f32 to vector<128x128xf32>
      %select_n3A_445 = arith.select %ge3A_440, %broadcast_in_dim3A_443, %broadcast_in_dim3A_444 : vector<128x128xi1>, vector<128x128xf32>
      %add3A_446 = arith.addf %while3A_436, %select_n3A_445 : vector<128x128xf32>
      scf.yield %add3A_446 : vector<128x128xf32>
    }
    %get3A_125 = arith.index_cast %add3A_111 : i32 to index
    %get3A_126 = arith.constant 0 : index
    %get3A_127 = vector.load %arg2[%get3A_125, %get3A_126] : memref<80x128xf32, #tpu.memory_space<vmem>>, vector<1x128xf32>
    %gt3A_128 = vector.broadcast %get3A_127 : vector<1x128xf32> to vector<128x128xf32>
    %gt3A_129 = arith.cmpf ogt, %gt3A_128, %get3A_107 : vector<128x128xf32>
    %eq3A_130 = vector.broadcast %get3A_127 : vector<1x128xf32> to vector<128x128xf32>
    %eq3A_131 = arith.cmpf oeq, %eq3A_130, %get3A_107 : vector<128x128xf32>
    %and3A_132 = arith.andi %eq3A_131, %lt3A : vector<128x128xi1>
    %or3A_133 = arith.ori %gt3A_129, %and3A_132 : vector<128x128xi1>
    %jit3A_134 = arith.constant 1.000000e+00 : f32
    %jit3A_135 = arith.constant 0.000000e+00 : f32
    %broadcast_in_dim3A_136 = vector.broadcast %jit3A_134 : f32 to vector<128x128xf32>
    %broadcast_in_dim3A_137 = vector.broadcast %jit3A_135 : f32 to vector<128x128xf32>
    %select_n3A_138 = arith.select %or3A_133, %broadcast_in_dim3A_136, %broadcast_in_dim3A_137 : vector<128x128xi1>, vector<128x128xf32>
    %add3A_139 = arith.addf %while3A_124, %select_n3A_138 : vector<128x128xf32>
    %add3A_140 = arith.constant 1 : i32
    %add3A_141 = arith.addi %add3A_111, %add3A_140 : i32
    %while3A_142 = arith.constant 80 : i32
    %while3A_143 = arith.subi %while3A_142, %add3A_141 : i32
    %while3A_144 = arith.addi %add3A_141, %while3A_143 : i32
    %while3A_145 = arith.constant 1 : i32
    %while3A_146 = arith.divsi %while3A_143, %while3A_145 : i32
    %while3A_147 = arith.muli %while3A_146, %while3A_145 : i32
    %while3A_148 = arith.addi %add3A_141, %while3A_147 : i32
    %while3A_149 = arith.constant 1 : i32
    %while3A_150 = scf.for %while3A_435 = %add3A_141 to %while3A_148 step %while3A_149 iter_args(%while3A_436 = %add3A_139) -> (vector<128x128xf32>)  : i32 {
      %get3A_437 = arith.index_cast %while3A_435 : i32 to index
      %get3A_438 = arith.constant 0 : index
      %get3A_439 = vector.load %arg2[%get3A_437, %get3A_438] : memref<80x128xf32, #tpu.memory_space<vmem>>, vector<1x128xf32>
      %gt3A_440 = vector.broadcast %get3A_439 : vector<1x128xf32> to vector<128x128xf32>
      %gt3A_441 = arith.cmpf ogt, %gt3A_440, %get3A_107 : vector<128x128xf32>
      %jit3A_442 = arith.constant 1.000000e+00 : f32
      %jit3A_443 = arith.constant 0.000000e+00 : f32
      %broadcast_in_dim3A_444 = vector.broadcast %jit3A_442 : f32 to vector<128x128xf32>
      %broadcast_in_dim3A_445 = vector.broadcast %jit3A_443 : f32 to vector<128x128xf32>
      %select_n3A_446 = arith.select %gt3A_441, %broadcast_in_dim3A_444, %broadcast_in_dim3A_445 : vector<128x128xi1>, vector<128x128xf32>
      %add3A_447 = arith.addf %while3A_436, %select_n3A_446 : vector<128x128xf32>
      scf.yield %add3A_447 : vector<128x128xf32>
    }
    %while3A_151 = arith.constant 1 : i32
    %while3A_152 = scf.for %while3A_435 = %while3A_148 to %while3A_144 step %while3A_151 iter_args(%while3A_436 = %while3A_150) -> (vector<128x128xf32>)  : i32 {
      %get3A_437 = arith.index_cast %while3A_435 : i32 to index
      %get3A_438 = arith.constant 0 : index
      %get3A_439 = vector.load %arg2[%get3A_437, %get3A_438] : memref<80x128xf32, #tpu.memory_space<vmem>>, vector<1x128xf32>
      %gt3A_440 = vector.broadcast %get3A_439 : vector<1x128xf32> to vector<128x128xf32>
      %gt3A_441 = arith.cmpf ogt, %gt3A_440, %get3A_107 : vector<128x128xf32>
      %jit3A_442 = arith.constant 1.000000e+00 : f32
      %jit3A_443 = arith.constant 0.000000e+00 : f32
      %broadcast_in_dim3A_444 = vector.broadcast %jit3A_442 : f32 to vector<128x128xf32>
      %broadcast_in_dim3A_445 = vector.broadcast %jit3A_443 : f32 to vector<128x128xf32>
      %select_n3A_446 = arith.select %gt3A_441, %broadcast_in_dim3A_444, %broadcast_in_dim3A_445 : vector<128x128xi1>, vector<128x128xf32>
      %add3A_447 = arith.addf %while3A_436, %select_n3A_446 : vector<128x128xf32>
      scf.yield %add3A_447 : vector<128x128xf32>
    }
    %reduce_sum3A_153 = arith.constant dense<0.000000e+00> : vector<128xf32>
    %reduce_sum3A_154 = vector.multi_reduction <add>, %while3A_152, %reduce_sum3A_153 [1] : vector<128x128xf32> to vector<128xf32>
    %broadcast_in_dim3A_155 = vector.shape_cast %reduce_sum3A_154 : vector<128xf32> to vector<128x1xf32>
    %convert_element_type3A_156 = arith.fptosi %broadcast_in_dim3A_155 : vector<128x1xf32> to vector<128x1xi32>
    %swap3A_157 = arith.constant 256 : index
    %swap3A_158 = arith.constant 0 : index
    %swap3A_159 = vector.load %arg3[%swap3A_157, %swap3A_158] : memref<1024x1xi32, #tpu.memory_space<vmem>>, vector<128x1xi32>
    tpu.vector_store %arg3[%swap3A_157, %swap3A_158], %convert_element_type3A_156 {strides = array<i32>} : memref<1024x1xi32, #tpu.memory_space<vmem>>, vector<128x1xi32>,
    %get3A_160 = arith.constant 384 : index
    %get3A_161 = arith.constant 0 : index
    %get3A_162 = vector.load %arg4[%get3A_160, %get3A_161] : memref<1024x128xf32, #tpu.memory_space<vmem>>, vector<128x128xf32>
    %mul3A_163 = arith.constant 8 : i32
    %mul3A_164 = arith.muli %arg0, %mul3A_163 : i32
    %add3A_165 = arith.constant 3 : i32
    %add3A_166 = arith.addi %mul3A_164, %add3A_165 : i32
    %broadcast_in_dim3A_167 = arith.constant 0.000000e+00 : f32
    %broadcast_in_dim3A_168 = vector.broadcast %broadcast_in_dim3A_167 : f32 to vector<128x128xf32>
    %while3A_169 = arith.constant 0 : i32
    %while3A_170 = arith.subi %add3A_166, %while3A_169 : i32
    %while3A_171 = arith.addi %while3A_169, %while3A_170 : i32
    %while3A_172 = arith.constant 1 : i32
    %while3A_173 = arith.divsi %while3A_170, %while3A_172 : i32
    %while3A_174 = arith.muli %while3A_173, %while3A_172 : i32
    %while3A_175 = arith.addi %while3A_169, %while3A_174 : i32
    %while3A_176 = arith.constant 1 : i32
    %while3A_177 = scf.for %while3A_435 = %while3A_169 to %while3A_175 step %while3A_176 iter_args(%while3A_436 = %broadcast_in_dim3A_168) -> (vector<128x128xf32>)  : i32 {
      %get3A_437 = arith.index_cast %while3A_435 : i32 to index
      %get3A_438 = arith.constant 0 : index
      %get3A_439 = vector.load %arg2[%get3A_437, %get3A_438] : memref<80x128xf32, #tpu.memory_space<vmem>>, vector<1x128xf32>
      %ge3A = vector.broadcast %get3A_439 : vector<1x128xf32> to vector<128x128xf32>
      %ge3A_440 = arith.cmpf oge, %ge3A, %get3A_162 : vector<128x128xf32>
      %jit3A_441 = arith.constant 1.000000e+00 : f32
      %jit3A_442 = arith.constant 0.000000e+00 : f32
      %broadcast_in_dim3A_443 = vector.broadcast %jit3A_441 : f32 to vector<128x128xf32>
      %broadcast_in_dim3A_444 = vector.broadcast %jit3A_442 : f32 to vector<128x128xf32>
      %select_n3A_445 = arith.select %ge3A_440, %broadcast_in_dim3A_443, %broadcast_in_dim3A_444 : vector<128x128xi1>, vector<128x128xf32>
      %add3A_446 = arith.addf %while3A_436, %select_n3A_445 : vector<128x128xf32>
      scf.yield %add3A_446 : vector<128x128xf32>
    }
    %while3A_178 = arith.constant 1 : i32
    %while3A_179 = scf.for %while3A_435 = %while3A_175 to %while3A_171 step %while3A_178 iter_args(%while3A_436 = %while3A_177) -> (vector<128x128xf32>)  : i32 {
      %get3A_437 = arith.index_cast %while3A_435 : i32 to index
      %get3A_438 = arith.constant 0 : index
      %get3A_439 = vector.load %arg2[%get3A_437, %get3A_438] : memref<80x128xf32, #tpu.memory_space<vmem>>, vector<1x128xf32>
      %ge3A = vector.broadcast %get3A_439 : vector<1x128xf32> to vector<128x128xf32>
      %ge3A_440 = arith.cmpf oge, %ge3A, %get3A_162 : vector<128x128xf32>
      %jit3A_441 = arith.constant 1.000000e+00 : f32
      %jit3A_442 = arith.constant 0.000000e+00 : f32
      %broadcast_in_dim3A_443 = vector.broadcast %jit3A_441 : f32 to vector<128x128xf32>
      %broadcast_in_dim3A_444 = vector.broadcast %jit3A_442 : f32 to vector<128x128xf32>
      %select_n3A_445 = arith.select %ge3A_440, %broadcast_in_dim3A_443, %broadcast_in_dim3A_444 : vector<128x128xi1>, vector<128x128xf32>
      %add3A_446 = arith.addf %while3A_436, %select_n3A_445 : vector<128x128xf32>
      scf.yield %add3A_446 : vector<128x128xf32>
    }
    %get3A_180 = arith.index_cast %add3A_166 : i32 to index
    %get3A_181 = arith.constant 0 : index
    %get3A_182 = vector.load %arg2[%get3A_180, %get3A_181] : memref<80x128xf32, #tpu.memory_space<vmem>>, vector<1x128xf32>
    %gt3A_183 = vector.broadcast %get3A_182 : vector<1x128xf32> to vector<128x128xf32>
    %gt3A_184 = arith.cmpf ogt, %gt3A_183, %get3A_162 : vector<128x128xf32>
    %eq3A_185 = vector.broadcast %get3A_182 : vector<1x128xf32> to vector<128x128xf32>
    %eq3A_186 = arith.cmpf oeq, %eq3A_185, %get3A_162 : vector<128x128xf32>
    %and3A_187 = arith.andi %eq3A_186, %lt3A : vector<128x128xi1>
    %or3A_188 = arith.ori %gt3A_184, %and3A_187 : vector<128x128xi1>
    %jit3A_189 = arith.constant 1.000000e+00 : f32
    %jit3A_190 = arith.constant 0.000000e+00 : f32
    %broadcast_in_dim3A_191 = vector.broadcast %jit3A_189 : f32 to vector<128x128xf32>
    %broadcast_in_dim3A_192 = vector.broadcast %jit3A_190 : f32 to vector<128x128xf32>
    %select_n3A_193 = arith.select %or3A_188, %broadcast_in_dim3A_191, %broadcast_in_dim3A_192 : vector<128x128xi1>, vector<128x128xf32>
    %add3A_194 = arith.addf %while3A_179, %select_n3A_193 : vector<128x128xf32>
    %add3A_195 = arith.constant 1 : i32
    %add3A_196 = arith.addi %add3A_166, %add3A_195 : i32
    %while3A_197 = arith.constant 80 : i32
    %while3A_198 = arith.subi %while3A_197, %add3A_196 : i32
    %while3A_199 = arith.addi %add3A_196, %while3A_198 : i32
    %while3A_200 = arith.constant 1 : i32
    %while3A_201 = arith.divsi %while3A_198, %while3A_200 : i32
    %while3A_202 = arith.muli %while3A_201, %while3A_200 : i32
    %while3A_203 = arith.addi %add3A_196, %while3A_202 : i32
    %while3A_204 = arith.constant 1 : i32
    %while3A_205 = scf.for %while3A_435 = %add3A_196 to %while3A_203 step %while3A_204 iter_args(%while3A_436 = %add3A_194) -> (vector<128x128xf32>)  : i32 {
      %get3A_437 = arith.index_cast %while3A_435 : i32 to index
      %get3A_438 = arith.constant 0 : index
      %get3A_439 = vector.load %arg2[%get3A_437, %get3A_438] : memref<80x128xf32, #tpu.memory_space<vmem>>, vector<1x128xf32>
      %gt3A_440 = vector.broadcast %get3A_439 : vector<1x128xf32> to vector<128x128xf32>
      %gt3A_441 = arith.cmpf ogt, %gt3A_440, %get3A_162 : vector<128x128xf32>
      %jit3A_442 = arith.constant 1.000000e+00 : f32
      %jit3A_443 = arith.constant 0.000000e+00 : f32
      %broadcast_in_dim3A_444 = vector.broadcast %jit3A_442 : f32 to vector<128x128xf32>
      %broadcast_in_dim3A_445 = vector.broadcast %jit3A_443 : f32 to vector<128x128xf32>
      %select_n3A_446 = arith.select %gt3A_441, %broadcast_in_dim3A_444, %broadcast_in_dim3A_445 : vector<128x128xi1>, vector<128x128xf32>
      %add3A_447 = arith.addf %while3A_436, %select_n3A_446 : vector<128x128xf32>
      scf.yield %add3A_447 : vector<128x128xf32>
    }
    %while3A_206 = arith.constant 1 : i32
    %while3A_207 = scf.for %while3A_435 = %while3A_203 to %while3A_199 step %while3A_206 iter_args(%while3A_436 = %while3A_205) -> (vector<128x128xf32>)  : i32 {
      %get3A_437 = arith.index_cast %while3A_435 : i32 to index
      %get3A_438 = arith.constant 0 : index
      %get3A_439 = vector.load %arg2[%get3A_437, %get3A_438] : memref<80x128xf32, #tpu.memory_space<vmem>>, vector<1x128xf32>
      %gt3A_440 = vector.broadcast %get3A_439 : vector<1x128xf32> to vector<128x128xf32>
      %gt3A_441 = arith.cmpf ogt, %gt3A_440, %get3A_162 : vector<128x128xf32>
      %jit3A_442 = arith.constant 1.000000e+00 : f32
      %jit3A_443 = arith.constant 0.000000e+00 : f32
      %broadcast_in_dim3A_444 = vector.broadcast %jit3A_442 : f32 to vector<128x128xf32>
      %broadcast_in_dim3A_445 = vector.broadcast %jit3A_443 : f32 to vector<128x128xf32>
      %select_n3A_446 = arith.select %gt3A_441, %broadcast_in_dim3A_444, %broadcast_in_dim3A_445 : vector<128x128xi1>, vector<128x128xf32>
      %add3A_447 = arith.addf %while3A_436, %select_n3A_446 : vector<128x128xf32>
      scf.yield %add3A_447 : vector<128x128xf32>
    }
    %reduce_sum3A_208 = arith.constant dense<0.000000e+00> : vector<128xf32>
    %reduce_sum3A_209 = vector.multi_reduction <add>, %while3A_207, %reduce_sum3A_208 [1] : vector<128x128xf32> to vector<128xf32>
    %broadcast_in_dim3A_210 = vector.shape_cast %reduce_sum3A_209 : vector<128xf32> to vector<128x1xf32>
    %convert_element_type3A_211 = arith.fptosi %broadcast_in_dim3A_210 : vector<128x1xf32> to vector<128x1xi32>
    %swap3A_212 = arith.constant 384 : index
    %swap3A_213 = arith.constant 0 : index
    %swap3A_214 = vector.load %arg3[%swap3A_212, %swap3A_213] : memref<1024x1xi32, #tpu.memory_space<vmem>>, vector<128x1xi32>
    tpu.vector_store %arg3[%swap3A_212, %swap3A_213], %convert_element_type3A_211 {strides = array<i32>} : memref<1024x1xi32, #tpu.memory_space<vmem>>, vector<128x1xi32>,
    %get3A_215 = arith.constant 512 : index
    %get3A_216 = arith.constant 0 : index
    %get3A_217 = vector.load %arg4[%get3A_215, %get3A_216] : memref<1024x128xf32, #tpu.memory_space<vmem>>, vector<128x128xf32>
    %mul3A_218 = arith.constant 8 : i32
    %mul3A_219 = arith.muli %arg0, %mul3A_218 : i32
    %add3A_220 = arith.constant 4 : i32
    %add3A_221 = arith.addi %mul3A_219, %add3A_220 : i32
    %broadcast_in_dim3A_222 = arith.constant 0.000000e+00 : f32
    %broadcast_in_dim3A_223 = vector.broadcast %broadcast_in_dim3A_222 : f32 to vector<128x128xf32>
    %while3A_224 = arith.constant 0 : i32
    %while3A_225 = arith.subi %add3A_221, %while3A_224 : i32
    %while3A_226 = arith.addi %while3A_224, %while3A_225 : i32
    %while3A_227 = arith.constant 1 : i32
    %while3A_228 = arith.divsi %while3A_225, %while3A_227 : i32
    %while3A_229 = arith.muli %while3A_228, %while3A_227 : i32
    %while3A_230 = arith.addi %while3A_224, %while3A_229 : i32
    %while3A_231 = arith.constant 1 : i32
    %while3A_232 = scf.for %while3A_435 = %while3A_224 to %while3A_230 step %while3A_231 iter_args(%while3A_436 = %broadcast_in_dim3A_223) -> (vector<128x128xf32>)  : i32 {
      %get3A_437 = arith.index_cast %while3A_435 : i32 to index
      %get3A_438 = arith.constant 0 : index
      %get3A_439 = vector.load %arg2[%get3A_437, %get3A_438] : memref<80x128xf32, #tpu.memory_space<vmem>>, vector<1x128xf32>
      %ge3A = vector.broadcast %get3A_439 : vector<1x128xf32> to vector<128x128xf32>
      %ge3A_440 = arith.cmpf oge, %ge3A, %get3A_217 : vector<128x128xf32>
      %jit3A_441 = arith.constant 1.000000e+00 : f32
      %jit3A_442 = arith.constant 0.000000e+00 : f32
      %broadcast_in_dim3A_443 = vector.broadcast %jit3A_441 : f32 to vector<128x128xf32>
      %broadcast_in_dim3A_444 = vector.broadcast %jit3A_442 : f32 to vector<128x128xf32>
      %select_n3A_445 = arith.select %ge3A_440, %broadcast_in_dim3A_443, %broadcast_in_dim3A_444 : vector<128x128xi1>, vector<128x128xf32>
      %add3A_446 = arith.addf %while3A_436, %select_n3A_445 : vector<128x128xf32>
      scf.yield %add3A_446 : vector<128x128xf32>
    }
    %while3A_233 = arith.constant 1 : i32
    %while3A_234 = scf.for %while3A_435 = %while3A_230 to %while3A_226 step %while3A_233 iter_args(%while3A_436 = %while3A_232) -> (vector<128x128xf32>)  : i32 {
      %get3A_437 = arith.index_cast %while3A_435 : i32 to index
      %get3A_438 = arith.constant 0 : index
      %get3A_439 = vector.load %arg2[%get3A_437, %get3A_438] : memref<80x128xf32, #tpu.memory_space<vmem>>, vector<1x128xf32>
      %ge3A = vector.broadcast %get3A_439 : vector<1x128xf32> to vector<128x128xf32>
      %ge3A_440 = arith.cmpf oge, %ge3A, %get3A_217 : vector<128x128xf32>
      %jit3A_441 = arith.constant 1.000000e+00 : f32
      %jit3A_442 = arith.constant 0.000000e+00 : f32
      %broadcast_in_dim3A_443 = vector.broadcast %jit3A_441 : f32 to vector<128x128xf32>
      %broadcast_in_dim3A_444 = vector.broadcast %jit3A_442 : f32 to vector<128x128xf32>
      %select_n3A_445 = arith.select %ge3A_440, %broadcast_in_dim3A_443, %broadcast_in_dim3A_444 : vector<128x128xi1>, vector<128x128xf32>
      %add3A_446 = arith.addf %while3A_436, %select_n3A_445 : vector<128x128xf32>
      scf.yield %add3A_446 : vector<128x128xf32>
    }
    %get3A_235 = arith.index_cast %add3A_221 : i32 to index
    %get3A_236 = arith.constant 0 : index
    %get3A_237 = vector.load %arg2[%get3A_235, %get3A_236] : memref<80x128xf32, #tpu.memory_space<vmem>>, vector<1x128xf32>
    %gt3A_238 = vector.broadcast %get3A_237 : vector<1x128xf32> to vector<128x128xf32>
    %gt3A_239 = arith.cmpf ogt, %gt3A_238, %get3A_217 : vector<128x128xf32>
    %eq3A_240 = vector.broadcast %get3A_237 : vector<1x128xf32> to vector<128x128xf32>
    %eq3A_241 = arith.cmpf oeq, %eq3A_240, %get3A_217 : vector<128x128xf32>
    %and3A_242 = arith.andi %eq3A_241, %lt3A : vector<128x128xi1>
    %or3A_243 = arith.ori %gt3A_239, %and3A_242 : vector<128x128xi1>
    %jit3A_244 = arith.constant 1.000000e+00 : f32
    %jit3A_245 = arith.constant 0.000000e+00 : f32
    %broadcast_in_dim3A_246 = vector.broadcast %jit3A_244 : f32 to vector<128x128xf32>
    %broadcast_in_dim3A_247 = vector.broadcast %jit3A_245 : f32 to vector<128x128xf32>
    %select_n3A_248 = arith.select %or3A_243, %broadcast_in_dim3A_246, %broadcast_in_dim3A_247 : vector<128x128xi1>, vector<128x128xf32>
    %add3A_249 = arith.addf %while3A_234, %select_n3A_248 : vector<128x128xf32>
    %add3A_250 = arith.constant 1 : i32
    %add3A_251 = arith.addi %add3A_221, %add3A_250 : i32
    %while3A_252 = arith.constant 80 : i32
    %while3A_253 = arith.subi %while3A_252, %add3A_251 : i32
    %while3A_254 = arith.addi %add3A_251, %while3A_253 : i32
    %while3A_255 = arith.constant 1 : i32
    %while3A_256 = arith.divsi %while3A_253, %while3A_255 : i32
    %while3A_257 = arith.muli %while3A_256, %while3A_255 : i32
    %while3A_258 = arith.addi %add3A_251, %while3A_257 : i32
    %while3A_259 = arith.constant 1 : i32
    %while3A_260 = scf.for %while3A_435 = %add3A_251 to %while3A_258 step %while3A_259 iter_args(%while3A_436 = %add3A_249) -> (vector<128x128xf32>)  : i32 {
      %get3A_437 = arith.index_cast %while3A_435 : i32 to index
      %get3A_438 = arith.constant 0 : index
      %get3A_439 = vector.load %arg2[%get3A_437, %get3A_438] : memref<80x128xf32, #tpu.memory_space<vmem>>, vector<1x128xf32>
      %gt3A_440 = vector.broadcast %get3A_439 : vector<1x128xf32> to vector<128x128xf32>
      %gt3A_441 = arith.cmpf ogt, %gt3A_440, %get3A_217 : vector<128x128xf32>
      %jit3A_442 = arith.constant 1.000000e+00 : f32
      %jit3A_443 = arith.constant 0.000000e+00 : f32
      %broadcast_in_dim3A_444 = vector.broadcast %jit3A_442 : f32 to vector<128x128xf32>
      %broadcast_in_dim3A_445 = vector.broadcast %jit3A_443 : f32 to vector<128x128xf32>
      %select_n3A_446 = arith.select %gt3A_441, %broadcast_in_dim3A_444, %broadcast_in_dim3A_445 : vector<128x128xi1>, vector<128x128xf32>
      %add3A_447 = arith.addf %while3A_436, %select_n3A_446 : vector<128x128xf32>
      scf.yield %add3A_447 : vector<128x128xf32>
    }
    %while3A_261 = arith.constant 1 : i32
    %while3A_262 = scf.for %while3A_435 = %while3A_258 to %while3A_254 step %while3A_261 iter_args(%while3A_436 = %while3A_260) -> (vector<128x128xf32>)  : i32 {
      %get3A_437 = arith.index_cast %while3A_435 : i32 to index
      %get3A_438 = arith.constant 0 : index
      %get3A_439 = vector.load %arg2[%get3A_437, %get3A_438] : memref<80x128xf32, #tpu.memory_space<vmem>>, vector<1x128xf32>
      %gt3A_440 = vector.broadcast %get3A_439 : vector<1x128xf32> to vector<128x128xf32>
      %gt3A_441 = arith.cmpf ogt, %gt3A_440, %get3A_217 : vector<128x128xf32>
      %jit3A_442 = arith.constant 1.000000e+00 : f32
      %jit3A_443 = arith.constant 0.000000e+00 : f32
      %broadcast_in_dim3A_444 = vector.broadcast %jit3A_442 : f32 to vector<128x128xf32>
      %broadcast_in_dim3A_445 = vector.broadcast %jit3A_443 : f32 to vector<128x128xf32>
      %select_n3A_446 = arith.select %gt3A_441, %broadcast_in_dim3A_444, %broadcast_in_dim3A_445 : vector<128x128xi1>, vector<128x128xf32>
      %add3A_447 = arith.addf %while3A_436, %select_n3A_446 : vector<128x128xf32>
      scf.yield %add3A_447 : vector<128x128xf32>
    }
    %reduce_sum3A_263 = arith.constant dense<0.000000e+00> : vector<128xf32>
    %reduce_sum3A_264 = vector.multi_reduction <add>, %while3A_262, %reduce_sum3A_263 [1] : vector<128x128xf32> to vector<128xf32>
    %broadcast_in_dim3A_265 = vector.shape_cast %reduce_sum3A_264 : vector<128xf32> to vector<128x1xf32>
    %convert_element_type3A_266 = arith.fptosi %broadcast_in_dim3A_265 : vector<128x1xf32> to vector<128x1xi32>
    %swap3A_267 = arith.constant 512 : index
    %swap3A_268 = arith.constant 0 : index
    %swap3A_269 = vector.load %arg3[%swap3A_267, %swap3A_268] : memref<1024x1xi32, #tpu.memory_space<vmem>>, vector<128x1xi32>
    tpu.vector_store %arg3[%swap3A_267, %swap3A_268], %convert_element_type3A_266 {strides = array<i32>} : memref<1024x1xi32, #tpu.memory_space<vmem>>, vector<128x1xi32>,
    %get3A_270 = arith.constant 640 : index
    %get3A_271 = arith.constant 0 : index
    %get3A_272 = vector.load %arg4[%get3A_270, %get3A_271] : memref<1024x128xf32, #tpu.memory_space<vmem>>, vector<128x128xf32>
    %mul3A_273 = arith.constant 8 : i32
    %mul3A_274 = arith.muli %arg0, %mul3A_273 : i32
    %add3A_275 = arith.constant 5 : i32
    %add3A_276 = arith.addi %mul3A_274, %add3A_275 : i32
    %broadcast_in_dim3A_277 = arith.constant 0.000000e+00 : f32
    %broadcast_in_dim3A_278 = vector.broadcast %broadcast_in_dim3A_277 : f32 to vector<128x128xf32>
    %while3A_279 = arith.constant 0 : i32
    %while3A_280 = arith.subi %add3A_276, %while3A_279 : i32
    %while3A_281 = arith.addi %while3A_279, %while3A_280 : i32
    %while3A_282 = arith.constant 1 : i32
    %while3A_283 = arith.divsi %while3A_280, %while3A_282 : i32
    %while3A_284 = arith.muli %while3A_283, %while3A_282 : i32
    %while3A_285 = arith.addi %while3A_279, %while3A_284 : i32
    %while3A_286 = arith.constant 1 : i32
    %while3A_287 = scf.for %while3A_435 = %while3A_279 to %while3A_285 step %while3A_286 iter_args(%while3A_436 = %broadcast_in_dim3A_278) -> (vector<128x128xf32>)  : i32 {
      %get3A_437 = arith.index_cast %while3A_435 : i32 to index
      %get3A_438 = arith.constant 0 : index
      %get3A_439 = vector.load %arg2[%get3A_437, %get3A_438] : memref<80x128xf32, #tpu.memory_space<vmem>>, vector<1x128xf32>
      %ge3A = vector.broadcast %get3A_439 : vector<1x128xf32> to vector<128x128xf32>
      %ge3A_440 = arith.cmpf oge, %ge3A, %get3A_272 : vector<128x128xf32>
      %jit3A_441 = arith.constant 1.000000e+00 : f32
      %jit3A_442 = arith.constant 0.000000e+00 : f32
      %broadcast_in_dim3A_443 = vector.broadcast %jit3A_441 : f32 to vector<128x128xf32>
      %broadcast_in_dim3A_444 = vector.broadcast %jit3A_442 : f32 to vector<128x128xf32>
      %select_n3A_445 = arith.select %ge3A_440, %broadcast_in_dim3A_443, %broadcast_in_dim3A_444 : vector<128x128xi1>, vector<128x128xf32>
      %add3A_446 = arith.addf %while3A_436, %select_n3A_445 : vector<128x128xf32>
      scf.yield %add3A_446 : vector<128x128xf32>
    }
    %while3A_288 = arith.constant 1 : i32
    %while3A_289 = scf.for %while3A_435 = %while3A_285 to %while3A_281 step %while3A_288 iter_args(%while3A_436 = %while3A_287) -> (vector<128x128xf32>)  : i32 {
      %get3A_437 = arith.index_cast %while3A_435 : i32 to index
      %get3A_438 = arith.constant 0 : index
      %get3A_439 = vector.load %arg2[%get3A_437, %get3A_438] : memref<80x128xf32, #tpu.memory_space<vmem>>, vector<1x128xf32>
      %ge3A = vector.broadcast %get3A_439 : vector<1x128xf32> to vector<128x128xf32>
      %ge3A_440 = arith.cmpf oge, %ge3A, %get3A_272 : vector<128x128xf32>
      %jit3A_441 = arith.constant 1.000000e+00 : f32
      %jit3A_442 = arith.constant 0.000000e+00 : f32
      %broadcast_in_dim3A_443 = vector.broadcast %jit3A_441 : f32 to vector<128x128xf32>
      %broadcast_in_dim3A_444 = vector.broadcast %jit3A_442 : f32 to vector<128x128xf32>
      %select_n3A_445 = arith.select %ge3A_440, %broadcast_in_dim3A_443, %broadcast_in_dim3A_444 : vector<128x128xi1>, vector<128x128xf32>
      %add3A_446 = arith.addf %while3A_436, %select_n3A_445 : vector<128x128xf32>
      scf.yield %add3A_446 : vector<128x128xf32>
    }
    %get3A_290 = arith.index_cast %add3A_276 : i32 to index
    %get3A_291 = arith.constant 0 : index
    %get3A_292 = vector.load %arg2[%get3A_290, %get3A_291] : memref<80x128xf32, #tpu.memory_space<vmem>>, vector<1x128xf32>
    %gt3A_293 = vector.broadcast %get3A_292 : vector<1x128xf32> to vector<128x128xf32>
    %gt3A_294 = arith.cmpf ogt, %gt3A_293, %get3A_272 : vector<128x128xf32>
    %eq3A_295 = vector.broadcast %get3A_292 : vector<1x128xf32> to vector<128x128xf32>
    %eq3A_296 = arith.cmpf oeq, %eq3A_295, %get3A_272 : vector<128x128xf32>
    %and3A_297 = arith.andi %eq3A_296, %lt3A : vector<128x128xi1>
    %or3A_298 = arith.ori %gt3A_294, %and3A_297 : vector<128x128xi1>
    %jit3A_299 = arith.constant 1.000000e+00 : f32
    %jit3A_300 = arith.constant 0.000000e+00 : f32
    %broadcast_in_dim3A_301 = vector.broadcast %jit3A_299 : f32 to vector<128x128xf32>
    %broadcast_in_dim3A_302 = vector.broadcast %jit3A_300 : f32 to vector<128x128xf32>
    %select_n3A_303 = arith.select %or3A_298, %broadcast_in_dim3A_301, %broadcast_in_dim3A_302 : vector<128x128xi1>, vector<128x128xf32>
    %add3A_304 = arith.addf %while3A_289, %select_n3A_303 : vector<128x128xf32>
    %add3A_305 = arith.constant 1 : i32
    %add3A_306 = arith.addi %add3A_276, %add3A_305 : i32
    %while3A_307 = arith.constant 80 : i32
    %while3A_308 = arith.subi %while3A_307, %add3A_306 : i32
    %while3A_309 = arith.addi %add3A_306, %while3A_308 : i32
    %while3A_310 = arith.constant 1 : i32
    %while3A_311 = arith.divsi %while3A_308, %while3A_310 : i32
    %while3A_312 = arith.muli %while3A_311, %while3A_310 : i32
    %while3A_313 = arith.addi %add3A_306, %while3A_312 : i32
    %while3A_314 = arith.constant 1 : i32
    %while3A_315 = scf.for %while3A_435 = %add3A_306 to %while3A_313 step %while3A_314 iter_args(%while3A_436 = %add3A_304) -> (vector<128x128xf32>)  : i32 {
      %get3A_437 = arith.index_cast %while3A_435 : i32 to index
      %get3A_438 = arith.constant 0 : index
      %get3A_439 = vector.load %arg2[%get3A_437, %get3A_438] : memref<80x128xf32, #tpu.memory_space<vmem>>, vector<1x128xf32>
      %gt3A_440 = vector.broadcast %get3A_439 : vector<1x128xf32> to vector<128x128xf32>
      %gt3A_441 = arith.cmpf ogt, %gt3A_440, %get3A_272 : vector<128x128xf32>
      %jit3A_442 = arith.constant 1.000000e+00 : f32
      %jit3A_443 = arith.constant 0.000000e+00 : f32
      %broadcast_in_dim3A_444 = vector.broadcast %jit3A_442 : f32 to vector<128x128xf32>
      %broadcast_in_dim3A_445 = vector.broadcast %jit3A_443 : f32 to vector<128x128xf32>
      %select_n3A_446 = arith.select %gt3A_441, %broadcast_in_dim3A_444, %broadcast_in_dim3A_445 : vector<128x128xi1>, vector<128x128xf32>
      %add3A_447 = arith.addf %while3A_436, %select_n3A_446 : vector<128x128xf32>
      scf.yield %add3A_447 : vector<128x128xf32>
    }
    %while3A_316 = arith.constant 1 : i32
    %while3A_317 = scf.for %while3A_435 = %while3A_313 to %while3A_309 step %while3A_316 iter_args(%while3A_436 = %while3A_315) -> (vector<128x128xf32>)  : i32 {
      %get3A_437 = arith.index_cast %while3A_435 : i32 to index
      %get3A_438 = arith.constant 0 : index
      %get3A_439 = vector.load %arg2[%get3A_437, %get3A_438] : memref<80x128xf32, #tpu.memory_space<vmem>>, vector<1x128xf32>
      %gt3A_440 = vector.broadcast %get3A_439 : vector<1x128xf32> to vector<128x128xf32>
      %gt3A_441 = arith.cmpf ogt, %gt3A_440, %get3A_272 : vector<128x128xf32>
      %jit3A_442 = arith.constant 1.000000e+00 : f32
      %jit3A_443 = arith.constant 0.000000e+00 : f32
      %broadcast_in_dim3A_444 = vector.broadcast %jit3A_442 : f32 to vector<128x128xf32>
      %broadcast_in_dim3A_445 = vector.broadcast %jit3A_443 : f32 to vector<128x128xf32>
      %select_n3A_446 = arith.select %gt3A_441, %broadcast_in_dim3A_444, %broadcast_in_dim3A_445 : vector<128x128xi1>, vector<128x128xf32>
      %add3A_447 = arith.addf %while3A_436, %select_n3A_446 : vector<128x128xf32>
      scf.yield %add3A_447 : vector<128x128xf32>
    }
    %reduce_sum3A_318 = arith.constant dense<0.000000e+00> : vector<128xf32>
    %reduce_sum3A_319 = vector.multi_reduction <add>, %while3A_317, %reduce_sum3A_318 [1] : vector<128x128xf32> to vector<128xf32>
    %broadcast_in_dim3A_320 = vector.shape_cast %reduce_sum3A_319 : vector<128xf32> to vector<128x1xf32>
    %convert_element_type3A_321 = arith.fptosi %broadcast_in_dim3A_320 : vector<128x1xf32> to vector<128x1xi32>
    %swap3A_322 = arith.constant 640 : index
    %swap3A_323 = arith.constant 0 : index
    %swap3A_324 = vector.load %arg3[%swap3A_322, %swap3A_323] : memref<1024x1xi32, #tpu.memory_space<vmem>>, vector<128x1xi32>
    tpu.vector_store %arg3[%swap3A_322, %swap3A_323], %convert_element_type3A_321 {strides = array<i32>} : memref<1024x1xi32, #tpu.memory_space<vmem>>, vector<128x1xi32>,
    %get3A_325 = arith.constant 768 : index
    %get3A_326 = arith.constant 0 : index
    %get3A_327 = vector.load %arg4[%get3A_325, %get3A_326] : memref<1024x128xf32, #tpu.memory_space<vmem>>, vector<128x128xf32>
    %mul3A_328 = arith.constant 8 : i32
    %mul3A_329 = arith.muli %arg0, %mul3A_328 : i32
    %add3A_330 = arith.constant 6 : i32
    %add3A_331 = arith.addi %mul3A_329, %add3A_330 : i32
    %broadcast_in_dim3A_332 = arith.constant 0.000000e+00 : f32
    %broadcast_in_dim3A_333 = vector.broadcast %broadcast_in_dim3A_332 : f32 to vector<128x128xf32>
    %while3A_334 = arith.constant 0 : i32
    %while3A_335 = arith.subi %add3A_331, %while3A_334 : i32
    %while3A_336 = arith.addi %while3A_334, %while3A_335 : i32
    %while3A_337 = arith.constant 1 : i32
    %while3A_338 = arith.divsi %while3A_335, %while3A_337 : i32
    %while3A_339 = arith.muli %while3A_338, %while3A_337 : i32
    %while3A_340 = arith.addi %while3A_334, %while3A_339 : i32
    %while3A_341 = arith.constant 1 : i32
    %while3A_342 = scf.for %while3A_435 = %while3A_334 to %while3A_340 step %while3A_341 iter_args(%while3A_436 = %broadcast_in_dim3A_333) -> (vector<128x128xf32>)  : i32 {
      %get3A_437 = arith.index_cast %while3A_435 : i32 to index
      %get3A_438 = arith.constant 0 : index
      %get3A_439 = vector.load %arg2[%get3A_437, %get3A_438] : memref<80x128xf32, #tpu.memory_space<vmem>>, vector<1x128xf32>
      %ge3A = vector.broadcast %get3A_439 : vector<1x128xf32> to vector<128x128xf32>
      %ge3A_440 = arith.cmpf oge, %ge3A, %get3A_327 : vector<128x128xf32>
      %jit3A_441 = arith.constant 1.000000e+00 : f32
      %jit3A_442 = arith.constant 0.000000e+00 : f32
      %broadcast_in_dim3A_443 = vector.broadcast %jit3A_441 : f32 to vector<128x128xf32>
      %broadcast_in_dim3A_444 = vector.broadcast %jit3A_442 : f32 to vector<128x128xf32>
      %select_n3A_445 = arith.select %ge3A_440, %broadcast_in_dim3A_443, %broadcast_in_dim3A_444 : vector<128x128xi1>, vector<128x128xf32>
      %add3A_446 = arith.addf %while3A_436, %select_n3A_445 : vector<128x128xf32>
      scf.yield %add3A_446 : vector<128x128xf32>
    }
    %while3A_343 = arith.constant 1 : i32
    %while3A_344 = scf.for %while3A_435 = %while3A_340 to %while3A_336 step %while3A_343 iter_args(%while3A_436 = %while3A_342) -> (vector<128x128xf32>)  : i32 {
      %get3A_437 = arith.index_cast %while3A_435 : i32 to index
      %get3A_438 = arith.constant 0 : index
      %get3A_439 = vector.load %arg2[%get3A_437, %get3A_438] : memref<80x128xf32, #tpu.memory_space<vmem>>, vector<1x128xf32>
      %ge3A = vector.broadcast %get3A_439 : vector<1x128xf32> to vector<128x128xf32>
      %ge3A_440 = arith.cmpf oge, %ge3A, %get3A_327 : vector<128x128xf32>
      %jit3A_441 = arith.constant 1.000000e+00 : f32
      %jit3A_442 = arith.constant 0.000000e+00 : f32
      %broadcast_in_dim3A_443 = vector.broadcast %jit3A_441 : f32 to vector<128x128xf32>
      %broadcast_in_dim3A_444 = vector.broadcast %jit3A_442 : f32 to vector<128x128xf32>
      %select_n3A_445 = arith.select %ge3A_440, %broadcast_in_dim3A_443, %broadcast_in_dim3A_444 : vector<128x128xi1>, vector<128x128xf32>
      %add3A_446 = arith.addf %while3A_436, %select_n3A_445 : vector<128x128xf32>
      scf.yield %add3A_446 : vector<128x128xf32>
    }
    %get3A_345 = arith.index_cast %add3A_331 : i32 to index
    %get3A_346 = arith.constant 0 : index
    %get3A_347 = vector.load %arg2[%get3A_345, %get3A_346] : memref<80x128xf32, #tpu.memory_space<vmem>>, vector<1x128xf32>
    %gt3A_348 = vector.broadcast %get3A_347 : vector<1x128xf32> to vector<128x128xf32>
    %gt3A_349 = arith.cmpf ogt, %gt3A_348, %get3A_327 : vector<128x128xf32>
    %eq3A_350 = vector.broadcast %get3A_347 : vector<1x128xf32> to vector<128x128xf32>
    %eq3A_351 = arith.cmpf oeq, %eq3A_350, %get3A_327 : vector<128x128xf32>
    %and3A_352 = arith.andi %eq3A_351, %lt3A : vector<128x128xi1>
    %or3A_353 = arith.ori %gt3A_349, %and3A_352 : vector<128x128xi1>
    %jit3A_354 = arith.constant 1.000000e+00 : f32
    %jit3A_355 = arith.constant 0.000000e+00 : f32
    %broadcast_in_dim3A_356 = vector.broadcast %jit3A_354 : f32 to vector<128x128xf32>
    %broadcast_in_dim3A_357 = vector.broadcast %jit3A_355 : f32 to vector<128x128xf32>
    %select_n3A_358 = arith.select %or3A_353, %broadcast_in_dim3A_356, %broadcast_in_dim3A_357 : vector<128x128xi1>, vector<128x128xf32>
    %add3A_359 = arith.addf %while3A_344, %select_n3A_358 : vector<128x128xf32>
    %add3A_360 = arith.constant 1 : i32
    %add3A_361 = arith.addi %add3A_331, %add3A_360 : i32
    %while3A_362 = arith.constant 80 : i32
    %while3A_363 = arith.subi %while3A_362, %add3A_361 : i32
    %while3A_364 = arith.addi %add3A_361, %while3A_363 : i32
    %while3A_365 = arith.constant 1 : i32
    %while3A_366 = arith.divsi %while3A_363, %while3A_365 : i32
    %while3A_367 = arith.muli %while3A_366, %while3A_365 : i32
    %while3A_368 = arith.addi %add3A_361, %while3A_367 : i32
    %while3A_369 = arith.constant 1 : i32
    %while3A_370 = scf.for %while3A_435 = %add3A_361 to %while3A_368 step %while3A_369 iter_args(%while3A_436 = %add3A_359) -> (vector<128x128xf32>)  : i32 {
      %get3A_437 = arith.index_cast %while3A_435 : i32 to index
      %get3A_438 = arith.constant 0 : index
      %get3A_439 = vector.load %arg2[%get3A_437, %get3A_438] : memref<80x128xf32, #tpu.memory_space<vmem>>, vector<1x128xf32>
      %gt3A_440 = vector.broadcast %get3A_439 : vector<1x128xf32> to vector<128x128xf32>
      %gt3A_441 = arith.cmpf ogt, %gt3A_440, %get3A_327 : vector<128x128xf32>
      %jit3A_442 = arith.constant 1.000000e+00 : f32
      %jit3A_443 = arith.constant 0.000000e+00 : f32
      %broadcast_in_dim3A_444 = vector.broadcast %jit3A_442 : f32 to vector<128x128xf32>
      %broadcast_in_dim3A_445 = vector.broadcast %jit3A_443 : f32 to vector<128x128xf32>
      %select_n3A_446 = arith.select %gt3A_441, %broadcast_in_dim3A_444, %broadcast_in_dim3A_445 : vector<128x128xi1>, vector<128x128xf32>
      %add3A_447 = arith.addf %while3A_436, %select_n3A_446 : vector<128x128xf32>
      scf.yield %add3A_447 : vector<128x128xf32>
    }
    %while3A_371 = arith.constant 1 : i32
    %while3A_372 = scf.for %while3A_435 = %while3A_368 to %while3A_364 step %while3A_371 iter_args(%while3A_436 = %while3A_370) -> (vector<128x128xf32>)  : i32 {
      %get3A_437 = arith.index_cast %while3A_435 : i32 to index
      %get3A_438 = arith.constant 0 : index
      %get3A_439 = vector.load %arg2[%get3A_437, %get3A_438] : memref<80x128xf32, #tpu.memory_space<vmem>>, vector<1x128xf32>
      %gt3A_440 = vector.broadcast %get3A_439 : vector<1x128xf32> to vector<128x128xf32>
      %gt3A_441 = arith.cmpf ogt, %gt3A_440, %get3A_327 : vector<128x128xf32>
      %jit3A_442 = arith.constant 1.000000e+00 : f32
      %jit3A_443 = arith.constant 0.000000e+00 : f32
      %broadcast_in_dim3A_444 = vector.broadcast %jit3A_442 : f32 to vector<128x128xf32>
      %broadcast_in_dim3A_445 = vector.broadcast %jit3A_443 : f32 to vector<128x128xf32>
      %select_n3A_446 = arith.select %gt3A_441, %broadcast_in_dim3A_444, %broadcast_in_dim3A_445 : vector<128x128xi1>, vector<128x128xf32>
      %add3A_447 = arith.addf %while3A_436, %select_n3A_446 : vector<128x128xf32>
      scf.yield %add3A_447 : vector<128x128xf32>
    }
    %reduce_sum3A_373 = arith.constant dense<0.000000e+00> : vector<128xf32>
    %reduce_sum3A_374 = vector.multi_reduction <add>, %while3A_372, %reduce_sum3A_373 [1] : vector<128x128xf32> to vector<128xf32>
    %broadcast_in_dim3A_375 = vector.shape_cast %reduce_sum3A_374 : vector<128xf32> to vector<128x1xf32>
    %convert_element_type3A_376 = arith.fptosi %broadcast_in_dim3A_375 : vector<128x1xf32> to vector<128x1xi32>
    %swap3A_377 = arith.constant 768 : index
    %swap3A_378 = arith.constant 0 : index
    %swap3A_379 = vector.load %arg3[%swap3A_377, %swap3A_378] : memref<1024x1xi32, #tpu.memory_space<vmem>>, vector<128x1xi32>
    tpu.vector_store %arg3[%swap3A_377, %swap3A_378], %convert_element_type3A_376 {strides = array<i32>} : memref<1024x1xi32, #tpu.memory_space<vmem>>, vector<128x1xi32>,
    %get3A_380 = arith.constant 896 : index
    %get3A_381 = arith.constant 0 : index
    %get3A_382 = vector.load %arg4[%get3A_380, %get3A_381] : memref<1024x128xf32, #tpu.memory_space<vmem>>, vector<128x128xf32>
    %mul3A_383 = arith.constant 8 : i32
    %mul3A_384 = arith.muli %arg0, %mul3A_383 : i32
    %add3A_385 = arith.constant 7 : i32
    %add3A_386 = arith.addi %mul3A_384, %add3A_385 : i32
    %broadcast_in_dim3A_387 = arith.constant 0.000000e+00 : f32
    %broadcast_in_dim3A_388 = vector.broadcast %broadcast_in_dim3A_387 : f32 to vector<128x128xf32>
    %while3A_389 = arith.constant 0 : i32
    %while3A_390 = arith.subi %add3A_386, %while3A_389 : i32
    %while3A_391 = arith.addi %while3A_389, %while3A_390 : i32
    %while3A_392 = arith.constant 1 : i32
    %while3A_393 = arith.divsi %while3A_390, %while3A_392 : i32
    %while3A_394 = arith.muli %while3A_393, %while3A_392 : i32
    %while3A_395 = arith.addi %while3A_389, %while3A_394 : i32
    %while3A_396 = arith.constant 1 : i32
    %while3A_397 = scf.for %while3A_435 = %while3A_389 to %while3A_395 step %while3A_396 iter_args(%while3A_436 = %broadcast_in_dim3A_388) -> (vector<128x128xf32>)  : i32 {
      %get3A_437 = arith.index_cast %while3A_435 : i32 to index
      %get3A_438 = arith.constant 0 : index
      %get3A_439 = vector.load %arg2[%get3A_437, %get3A_438] : memref<80x128xf32, #tpu.memory_space<vmem>>, vector<1x128xf32>
      %ge3A = vector.broadcast %get3A_439 : vector<1x128xf32> to vector<128x128xf32>
      %ge3A_440 = arith.cmpf oge, %ge3A, %get3A_382 : vector<128x128xf32>
      %jit3A_441 = arith.constant 1.000000e+00 : f32
      %jit3A_442 = arith.constant 0.000000e+00 : f32
      %broadcast_in_dim3A_443 = vector.broadcast %jit3A_441 : f32 to vector<128x128xf32>
      %broadcast_in_dim3A_444 = vector.broadcast %jit3A_442 : f32 to vector<128x128xf32>
      %select_n3A_445 = arith.select %ge3A_440, %broadcast_in_dim3A_443, %broadcast_in_dim3A_444 : vector<128x128xi1>, vector<128x128xf32>
      %add3A_446 = arith.addf %while3A_436, %select_n3A_445 : vector<128x128xf32>
      scf.yield %add3A_446 : vector<128x128xf32>
    }
    %while3A_398 = arith.constant 1 : i32
    %while3A_399 = scf.for %while3A_435 = %while3A_395 to %while3A_391 step %while3A_398 iter_args(%while3A_436 = %while3A_397) -> (vector<128x128xf32>)  : i32 {
      %get3A_437 = arith.index_cast %while3A_435 : i32 to index
      %get3A_438 = arith.constant 0 : index
      %get3A_439 = vector.load %arg2[%get3A_437, %get3A_438] : memref<80x128xf32, #tpu.memory_space<vmem>>, vector<1x128xf32>
      %ge3A = vector.broadcast %get3A_439 : vector<1x128xf32> to vector<128x128xf32>
      %ge3A_440 = arith.cmpf oge, %ge3A, %get3A_382 : vector<128x128xf32>
      %jit3A_441 = arith.constant 1.000000e+00 : f32
      %jit3A_442 = arith.constant 0.000000e+00 : f32
      %broadcast_in_dim3A_443 = vector.broadcast %jit3A_441 : f32 to vector<128x128xf32>
      %broadcast_in_dim3A_444 = vector.broadcast %jit3A_442 : f32 to vector<128x128xf32>
      %select_n3A_445 = arith.select %ge3A_440, %broadcast_in_dim3A_443, %broadcast_in_dim3A_444 : vector<128x128xi1>, vector<128x128xf32>
      %add3A_446 = arith.addf %while3A_436, %select_n3A_445 : vector<128x128xf32>
      scf.yield %add3A_446 : vector<128x128xf32>
    }
    %get3A_400 = arith.index_cast %add3A_386 : i32 to index
    %get3A_401 = arith.constant 0 : index
    %get3A_402 = vector.load %arg2[%get3A_400, %get3A_401] : memref<80x128xf32, #tpu.memory_space<vmem>>, vector<1x128xf32>
    %gt3A_403 = vector.broadcast %get3A_402 : vector<1x128xf32> to vector<128x128xf32>
    %gt3A_404 = arith.cmpf ogt, %gt3A_403, %get3A_382 : vector<128x128xf32>
    %eq3A_405 = vector.broadcast %get3A_402 : vector<1x128xf32> to vector<128x128xf32>
    %eq3A_406 = arith.cmpf oeq, %eq3A_405, %get3A_382 : vector<128x128xf32>
    %and3A_407 = arith.andi %eq3A_406, %lt3A : vector<128x128xi1>
    %or3A_408 = arith.ori %gt3A_404, %and3A_407 : vector<128x128xi1>
    %jit3A_409 = arith.constant 1.000000e+00 : f32
    %jit3A_410 = arith.constant 0.000000e+00 : f32
    %broadcast_in_dim3A_411 = vector.broadcast %jit3A_409 : f32 to vector<128x128xf32>
    %broadcast_in_dim3A_412 = vector.broadcast %jit3A_410 : f32 to vector<128x128xf32>
    %select_n3A_413 = arith.select %or3A_408, %broadcast_in_dim3A_411, %broadcast_in_dim3A_412 : vector<128x128xi1>, vector<128x128xf32>
    %add3A_414 = arith.addf %while3A_399, %select_n3A_413 : vector<128x128xf32>
    %add3A_415 = arith.constant 1 : i32
    %add3A_416 = arith.addi %add3A_386, %add3A_415 : i32
    %while3A_417 = arith.constant 80 : i32
    %while3A_418 = arith.subi %while3A_417, %add3A_416 : i32
    %while3A_419 = arith.addi %add3A_416, %while3A_418 : i32
    %while3A_420 = arith.constant 1 : i32
    %while3A_421 = arith.divsi %while3A_418, %while3A_420 : i32
    %while3A_422 = arith.muli %while3A_421, %while3A_420 : i32
    %while3A_423 = arith.addi %add3A_416, %while3A_422 : i32
    %while3A_424 = arith.constant 1 : i32
    %while3A_425 = scf.for %while3A_435 = %add3A_416 to %while3A_423 step %while3A_424 iter_args(%while3A_436 = %add3A_414) -> (vector<128x128xf32>)  : i32 {
      %get3A_437 = arith.index_cast %while3A_435 : i32 to index
      %get3A_438 = arith.constant 0 : index
      %get3A_439 = vector.load %arg2[%get3A_437, %get3A_438] : memref<80x128xf32, #tpu.memory_space<vmem>>, vector<1x128xf32>
      %gt3A_440 = vector.broadcast %get3A_439 : vector<1x128xf32> to vector<128x128xf32>
      %gt3A_441 = arith.cmpf ogt, %gt3A_440, %get3A_382 : vector<128x128xf32>
      %jit3A_442 = arith.constant 1.000000e+00 : f32
      %jit3A_443 = arith.constant 0.000000e+00 : f32
      %broadcast_in_dim3A_444 = vector.broadcast %jit3A_442 : f32 to vector<128x128xf32>
      %broadcast_in_dim3A_445 = vector.broadcast %jit3A_443 : f32 to vector<128x128xf32>
      %select_n3A_446 = arith.select %gt3A_441, %broadcast_in_dim3A_444, %broadcast_in_dim3A_445 : vector<128x128xi1>, vector<128x128xf32>
      %add3A_447 = arith.addf %while3A_436, %select_n3A_446 : vector<128x128xf32>
      scf.yield %add3A_447 : vector<128x128xf32>
    }
    %while3A_426 = arith.constant 1 : i32
    %while3A_427 = scf.for %while3A_435 = %while3A_423 to %while3A_419 step %while3A_426 iter_args(%while3A_436 = %while3A_425) -> (vector<128x128xf32>)  : i32 {
      %get3A_437 = arith.index_cast %while3A_435 : i32 to index
      %get3A_438 = arith.constant 0 : index
      %get3A_439 = vector.load %arg2[%get3A_437, %get3A_438] : memref<80x128xf32, #tpu.memory_space<vmem>>, vector<1x128xf32>
      %gt3A_440 = vector.broadcast %get3A_439 : vector<1x128xf32> to vector<128x128xf32>
      %gt3A_441 = arith.cmpf ogt, %gt3A_440, %get3A_382 : vector<128x128xf32>
      %jit3A_442 = arith.constant 1.000000e+00 : f32
      %jit3A_443 = arith.constant 0.000000e+00 : f32
      %broadcast_in_dim3A_444 = vector.broadcast %jit3A_442 : f32 to vector<128x128xf32>
      %broadcast_in_dim3A_445 = vector.broadcast %jit3A_443 : f32 to vector<128x128xf32>
      %select_n3A_446 = arith.select %gt3A_441, %broadcast_in_dim3A_444, %broadcast_in_dim3A_445 : vector<128x128xi1>, vector<128x128xf32>
      %add3A_447 = arith.addf %while3A_436, %select_n3A_446 : vector<128x128xf32>
      scf.yield %add3A_447 : vector<128x128xf32>
    }
    %reduce_sum3A_428 = arith.constant dense<0.000000e+00> : vector<128xf32>
    %reduce_sum3A_429 = vector.multi_reduction <add>, %while3A_427, %reduce_sum3A_428 [1] : vector<128x128xf32> to vector<128xf32>
    %broadcast_in_dim3A_430 = vector.shape_cast %reduce_sum3A_429 : vector<128xf32> to vector<128x1xf32>
    %convert_element_type3A_431 = arith.fptosi %broadcast_in_dim3A_430 : vector<128x1xf32> to vector<128x1xi32>
    %swap3A_432 = arith.constant 896 : index
    %swap3A_433 = arith.constant 0 : index
    %swap3A_434 = vector.load %arg3[%swap3A_432, %swap3A_433] : memref<1024x1xi32, #tpu.memory_space<vmem>>, vector<128x1xi32>
    tpu.vector_store %arg3[%swap3A_432, %swap3A_433], %convert_element_type3A_431 {strides = array<i32>} : memref<1024x1xi32, #tpu.memory_space<vmem>>, vector<128x1xi32>,
    return
  }
  func.func @transform_0(%arg0: i32) -> (i32, i32) {
    %c0_i32 = arith.constant 0 : i32
    %c0_i32_0 = arith.constant 0 : i32
    return %arg0, %c0_i32 : i32, i32
  }
  func.func @transform_1(%arg0: i32) -> (i32, i32) {
    %c0_i32 = arith.constant 0 : i32
    %c0_i32_0 = arith.constant 0 : i32
    %c0_i32_1 = arith.constant 0 : i32
    return %c0_i32, %c0_i32_0 : i32, i32
  }
  func.func @transform_2(%arg0: i32) -> (i32, i32) {
    %c0_i32 = arith.constant 0 : i32
    %c0_i32_0 = arith.constant 0 : i32
    return %arg0, %c0_i32 : i32, i32
  }
}

</mosaic_0001>

<sc_bundles>
// kernel: kernel.10.cloned.1.call-start
scs
__scs_entry_jumppad:
0x0: {  	(pc) =	sbr.rel $0x88, $3  }
0x1: {  	(tag) =	ssettag $0x0;
	lr =	simm.s32 $0x1  }
0x2: {  	[smem:$0x3F9E] =	sst lr;
	_ =	strace $0xD0000000  }
0x3: {  	_ = 	snop  }
0x4: {  	_ = 	snop  }
0x5: {  	_ = 	snop  }
0x6: {  	_ = 	snop  }
0x7: {  	_ = 	snop  }
__scs_overlays_trampoline_lowered:
0x8: {  	[smem:$0x3FAD] =	sst s0  }
0x9: {  	[smem:$0x3FAE] =	sst s1  }
0xa: {  	[smem:$0x3FAF] =	sst s2  }
0xb: {  	[smem:$0x3FB0] =	sst s3  }
0xc: {  	[smem:$0x3FB1] =	sst s4  }
0xd: {  	[smem:$0x3FB2] =	sst s5  }
0xe: {  	[smem:$0x3FB3] =	sst s6  }
0xf: {  	[smem:$0x3FB4] =	sst s7  }
0x10: {  	[smem:$0x3FB5] =	sst s8  }
0x11: {  	[smem:$0x3FB6] =	sst s9;
	s0 =	simm.s32 @!p0 $0x0  }
0x12: {  	s1 =	sld [smem:$0x3F9C];
	s0 =	simm.s32 @p0 $0x1  }
0x13: {  	[smem:$0x3FB7] =	sst s0;
	s0 =	simm.s32 @!p1 $0x0  }
0x14: {  	s2 =	sld [smem:$0x3F9B];
	s0 =	simm.s32 @p1 $0x1  }
0x15: {  	[smem:$0x3FB8] =	sst s0;
	s0 =	simm.s32 @!p2 $0x0  }
0x16: {  	s3 =	sld [smem:$0x3FDB];
	s0 =	simm.s32 @p2 $0x1  }
0x17: {  	s4 =	simm.s32 $0x1BF5;
	[smem:$0x3FBA] =	sst s0  }
0x18: {  	s0 =	sld [smem:$0x3F9D];
	_ =	swait.ge [sflag:s4], $0x0  }
0x19: {  	s7 =	sld [smem:$0x3F9E]  }
0x1a: {  	s8 =	sadd.s32 $0xFFFFE003, lr  }
0x1b: {  	s9 =	sadd.s32 $0xFFFFFEF7, lr;
	s5 =	simm.s32 $0xFFFFFFFF;
	p2 =	slt.u32 s8, $0xFFFFF086  }
0x1c: {  	p1 =	slt.u32 s9, $0xF7A;
	s5 =	simm.s32 @!p2 $0x0  }
0x1d: {  	s5 =	simm.s32 @p1 $0x1;
	p0 =	seq.s32 s7, s2  }
0x1e: {  	s7 =	smul.u32 @!p0 $0xF7A, s2;
	p2 =	seq.s32 @!p0 s5, $0x0  }
0x1f: {  	s9 =	smul.u32 $0xF7A, s1;
	s8 =	simm.s32 @!p0 $0x1BF5;
	p2 =	por !p2, p0  }
0x20: {  	[sflag:s8] =	ssyncset.s32 @!p0 $0xFFFFF086;
	s6 =	sadd.s32 @!p0 s3, s7;
	s7 =	simm.s32 @!p0 $0x108  }
0x21: {  	s3 =	sadd.s32 s3, s9;
	s6 =	sadd.s32 @!p0 $0x88, s6;
	s7 =	simm.s32 @p2 $0x1082  }
0x22: {  	[simem:s7], [sflag:s8] =	dma.local @!p0 [hbm:s6], $0xF7A  }
0x23: {  	s9 =	sor.u32 $0xD0000000, s2;
	s6 =	simm.s32 $0x108;
	_ =	swait.ge @!p0 [sflag:s8], $0x0  }
0x24: {  	s3 =	sadd.s32 $0x88, s3;
	s6 =	simm.s32 @!p1 $0x1082;
	[sflag:s4] =	ssyncset.s32 $0xFFFFF086  }
0x25: {  	[simem:s6], [sflag:s4] =	dma.local [hbm:s3], $0xF7A  }
0x26: {  	[smem:$0x3F9E] =	sst s1;
	(tag) =	ssettag s2;
	_ =	strace s9  }
0x27: {  	s1 =	sld [smem:$0x3FAE]  }
0x28: {  	s2 =	sld [smem:$0x3FAF]  }
0x29: {  	s4 =	sld [smem:$0x3FB1]  }
0x2a: {  	p0 =	seq.s32 s5, $0x0;
	s5 =	sld [smem:$0x3FB2]  }
0x2b: {  	s6 =	sld [smem:$0x3FB3]  }
0x2c: {  	s7 =	sld [smem:$0x3FB4]  }
0x2d: {  	s3 =	simm.s32 $0x108;
	s8 =	sld [smem:$0x3FB5]  }
0x2e: {  	s3 =	simm.s32 @!p0 $0x1082;
	s9 =	sld [smem:$0x3FB6]  }
0x2f: {  	lr =	sadd.s32 s0, s3;
	s0 =	sld [smem:$0x3FAD]  }
0x30: {  	s3 =	sld [smem:$0x3FB0]  }
0x31: {  	[smem:$0x3FB9] =	sst s10  }
0x32: {  	s10 =	sld [smem:$0x3FB7];
	_ =	sdelay $0x3  }
0x33: {  	p0 =	seq.s32 s10, $0x1;
	s10 =	sld [smem:$0x3FB9];
	_ =	sdelay $0x3  }
0x34: {  	[smem:$0x3FB9] =	sst s10  }
0x35: {  	s10 =	sld [smem:$0x3FB8];
	_ =	sdelay $0x3  }
0x36: {  	p1 =	seq.s32 s10, $0x1;
	s10 =	sld [smem:$0x3FB9];
	_ =	sdelay $0x3  }
0x37: {  	[smem:$0x3FB9] =	sst s10  }
0x38: {  	s10 =	sld [smem:$0x3FBA]  }
0x39: {  	_ = 	snop;
	(pc) =	sbr.ind lr, $3  }
0x3a: {  	_ = 	snop  }
0x3b: {  	_ = 	snop  }
0x3c: {  	p2 =	seq.s32 s10, $0x1;
	s10 =	sld [smem:$0x3FB9]  }
0x3d: {  	_ =	shalt  }
0x3e: {  	_ =	shalt  }
0x3f: {  	_ =	shalt  }
0x40: {  	_ =	shalt  }
0x41: {  	_ =	shalt  }
0x42: {  	_ =	shalt  }
0x43: {  	_ =	shalt  }
0x44: {  	_ =	shalt  }
0x45: {  	_ =	shalt  }
0x46: {  	_ =	shalt  }
0x47: {  	_ =	shalt  }
0x48: {  	_ =	shalt  }
0x49: {  	_ =	shalt  }
0x4a: {  	_ =	shalt  }
0x4b: {  	_ =	shalt  }
0x4c: {  	_ =	shalt  }
0x4d: {  	_ =	shalt  }
0x4e: {  	_ =	shalt  }
0x4f: {  	_ =	shalt  }
0x50: {  	_ =	shalt  }
0x51: {  	_ =	shalt  }
0x52: {  	_ =	shalt  }
0x53: {  	_ =	shalt  }
0x54: {  	_ =	shalt  }
0x55: {  	_ =	shalt  }
0x56: {  	_ =	shalt  }
0x57: {  	_ =	shalt  }
0x58: {  	_ =	shalt  }
0x59: {  	_ =	shalt  }
0x5a: {  	_ =	shalt  }
0x5b: {  	_ =	shalt  }
0x5c: {  	_ =	shalt  }
0x5d: {  	_ =	shalt  }
0x5e: {  	_ =	shalt  }
0x5f: {  	_ =	shalt  }
0x60: {  	_ =	shalt  }
0x61: {  	_ =	shalt  }
0x62: {  	_ =	shalt  }
0x63: {  	_ =	shalt  }
0x64: {  	_ =	shalt  }
0x65: {  	_ =	shalt  }
0x66: {  	_ =	shalt  }
0x67: {  	_ =	shalt  }
0x68: {  	_ =	shalt  }
0x69: {  	_ =	shalt  }
0x6a: {  	_ =	shalt  }
0x6b: {  	_ =	shalt  }
0x6c: {  	_ =	shalt  }
0x6d: {  	_ =	shalt  }
0x6e: {  	_ =	shalt  }
0x6f: {  	_ =	shalt  }
0x70: {  	_ =	shalt  }
0x71: {  	_ =	shalt  }
0x72: {  	_ =	shalt  }
0x73: {  	_ =	shalt  }
0x74: {  	_ =	shalt  }
0x75: {  	_ =	shalt  }
0x76: {  	_ =	shalt  }
0x77: {  	_ =	shalt  }
0x78: {  	_ =	shalt  }
0x79: {  	_ =	shalt  }
0x7a: {  	_ =	shalt  }
0x7b: {  	_ =	shalt  }
0x7c: {  	_ =	shalt  }
0x7d: {  	_ =	shalt  }
0x7e: {  	_ =	shalt  }
0x7f: {  	_ =	shalt  }
0x80: {  	_ =	shalt  }
0x81: {  	_ =	shalt  }
0x82: {  	_ =	shalt  }
0x83: {  	_ =	shalt  }
0x84: {  	_ =	shalt  }
0x85: {  	_ =	shalt  }
0x86: {  	_ =	shalt  }
0x87: {  	_ =	shalt  }
.Lfunc_end0:
.L_simem_size_0:
called_computation.1_lowered:
.L_overlay_start_0:
0x88: {  	s2 =	sld [smem:$0x3FD9]  }
0x89: {  	s3 =	sld [smem:$0x3FFE];
	_ =	sdelay $0x1  }
0x8a: {  	s1 =	srdreg.scid  }
0x8b: {  	s0 =	sand.u32 $0x1, s1  }
0x8c: {  	s14 =	sshll.u32 s0, $0xA;
	s2 =	sadd.s32 s3, s2  }
0x8d: {  	s2 =	sadd.s32 s2, s14  }
0x8e: {  	[smem:$0x3FC5] =	sst s2  }
0x8f: {  	_ = 	snop  }
0x90: {  	s2 =	sld [smem:$0x3FD0];
	_ =	sdelay $0x2  }
0x91: {  	s15 =	simm.s32 $0xB;
	s4 =	simm.s32 $0x10  }
0x92: {  	[smem:s4], [sflag:s15] =	dma.local [hbm:s2], $0x1  }
0x93: {  	_ =	swait.eq [sflag:s15], $0x1  }
0x94: {  	[sflag:s15] =	ssyncset.done $0x0  }
0x95: {  	[sflag:s15] =	ssyncadd.s32 $0xFFFFFFFF  }
0x96: {  	s16 =	sld [smem:$0x10];
	(tm) =	ssettm $0x1  }
0x97: {  	s17 =	sld [smem:$0x3FFB];
	_ =	sdelay $0x3  }
0x98: {  	_ =	strace s17  }
0x99: {  	s3 =	sld [smem:$0x3FFC];
	_ =	sdelay $0x3  }
0x9a: {  	_ =	strace s3  }
0x9b: {  	s3 =	sld [smem:$0x3FFD];
	_ =	sdelay $0x3  }
0x9c: {  	_ =	strace s3  }
0x9d: {  	_ =	strace $0x8FFFFFFF  }
0x9e: {  	s18 =	sld [smem:$0x3FDB];
	_ =	sdelay $0x1  }
0x9f: {  	s19 =	simm.s32 $_scs_section_size  }
0xa0: {  	s5 =	simm.s32 $_size__tile_overlayer_lowered;
	s6 =	simm.s32 $_tile_overlayer_lowered  }
0xa1: {  	s22 =	simm.s32 $0x1BFF;
	s21 =	sshll.u32 s6, $0x1;
	s3 =	sadd.s32 s19, s18  }
0xa2: {  	s7 =	simm.s32 $0x0;
	s20 =	sshll.u32 s5, $0x1;
	s5 =	sadd.s32 s21, s3  }
0xa3: {  	[timem:s7], [sflag:s22] =	dma.local [hbm:s5], s20  }
0xa4: {  	_ =	swait.ge [sflag:s22], s20  }
0xa5: {  	s4 =	ssub.s32 $0x0, s20;
	[sflag:s22] =	ssyncset.done $0x0  }
0xa6: {  	[sflag:s22] =	ssyncadd.s32 s4;
	_ =	sdelay $0x1  }
0xa7: {  	s23 =	simm.s32 $0x1B8B  }
0xa8: {  	_ =	swait.ge [sflag:s23], $0x1  }
0xa9: {  	[sflag:s23] =	ssyncset.done $0x0  }
0xaa: {  	s25 =	simm.s32 $0x1B8E;
	s24 =	sld [smem:$0x3FFE];
	[sflag:s23] =	ssyncadd.s32 $0xFFFFFFFF  }
0xab: {  	s26 =	simm.s32 $execute0_lowered;
	[smem:$0x3FD2] =	sst s25  }
0xac: {  	s5 =	sshll.u32 s26, $0x1;
	_ =	strace $0x80000049;
	[dreg:$0x1] =	wrdreg $0xFFFFFFFF  }
0xad: {  	s28 =	simm.s32 $_size_execute0_lowered;
	s3 =	sadd.s32 s3, s5;
	[dreg:$0x0] =	wrdreg $0x0  }
0xae: {  	s5 =	sshll.u32 s28, $0x1;
	[dreg:$0x2] =	wrdreg s3  }
0xaf: {  	[dreg:$0x3] =	wrdreg s5  }
0xb0: {  	[dreg:$0x4] =	wrdreg $0xC0  }
0xb1: {  	_ =	task [dreg:s7], $0x5FFFF  }
0xb2: {  	[dreg:$0x1] =	wrdreg $0xFFFFFFFF  }
0xb3: {  	[dreg:$0x0] =	wrdreg $0x60  }
0xb4: {  	[dreg:$0x2] =	wrdreg s24  }
0xb5: {  	[dreg:$0x3] =	wrdreg s16  }
0xb6: {  	[dreg:$0x4] =	wrdreg $0x9  }
0xb7: {  	_ =	task.clear_ibuf [dreg:s7], $0x5FFFF;
	_ =	strace $0x90000049  }
0xb8: {  	s29 =	simm.s32 $0x9;
	_ =	strace $0x8000004B  }
0xb9: {  	_ =	swait.ge [sflag:s29], $0x1  }
0xba: {  	[sflag:s29] =	ssyncadd.s32 $0xFFFFFFFF  }
0xbb: {  	_ =	strace $0x9000004B  }
0xbc: {  	_ =	sfence  }
0xbd: {  	s30 =	sld [smem:$0x0];
	_ =	sdelay $0x2  }
0xbe: {  	s31 =	sshll.u32 s1, $0xD;
	s1 =	sshrl.u32 s1, $0x2  }
0xbf: {  	s3 =	sand.u32 $0x4000, s31;
	s1 =	sadd.s32 s1, s30  }
0xc0: {  	s0 =	sor.u32 s3, s0;
	s1 =	sshll.u32 s1, $0x11  }
0xc1: {  	s0 =	sor.u32 s1, s0  }
0xc2: {  	s0 =	sadd.s32 $0x8F2B, s0  }
0xc3: {  	[sflag:s0] =	ssyncadd.remote.s32 $0x1  }
0xc4: {  	_ =	sfence.sel $0xFFFF  }
0xc5: {  	[dreg:$0x0] =	wrdreg $0xFFFFFFFF;
	(pc) =	sbr.abs _section_cstart, $3  }
0xc6: {  	[dreg:$0x1] =	wrdreg $0xFFFFFFFF  }
0xc7: {  	_ =	task.clear_ibuf [dreg:s7], $0x2FFFF;
	_ =	strace $0x9FFFFFFF  }
0xc8: {  	(tm) =	ssettm $0x7FFFFFFF  }
0xc9: {  	_ =	shalt  }
tec
execute0_lowered:
.L_overlay_start_1:
0x0: {  	(tag) =	ssettag $0x1  }
0x1: {  	s0 =	rddreg [dreg:$0x0]  }
0x2: {  	s1 =	rddreg [dreg:$0x1]  }
0x3: {  	s2 =	simm.s32 $0x0;
	s3 =	srdreg.scid;
	s5 =	stileid.u32  }
0x4: {  	s9 =	simm.s32 $0x5;
	s11 =	simm.s32 $0x1680;
	s15 =	simm.s32 $0xB2C0  }
0x5: {  	s16 =	simm.s32 $0xD9D0;
	s17 =	simm.s32 $0x100E0;
	s18 =	simm.s32 $0x127F0  }
0x6: {  	s19 =	simm.s32 $0x1;
	s20 =	simm.s32 $0x14F00;
	s21 =	simm.s32 $0x16290  }
0x7: {  	s22 =	simm.s32 $0x17620;
	s23 =	simm.s32 $0x189B0;
	s28 =	simm.s32 $0x1C460  }
0x8: {  	s29 =	simm.s32 $0x1D7F0;
	s30 =	simm.s32 $0x3;
	s31 =	simm.s32 $0x4  }
0x9: {  	[smem:$0x7FF] =	sst s2;
	s4 =	sand.u32 $0x1, s3;
	s3 =	sadd.s32 $0x600, s0  }
0xa: {  	s24 =	sshll.u32 s5, $0x1;
	s25 =	sadd.s32 $0xBEC400, s0;
	s5 =	sadd.s32 $0xBEC800, s0  }
.Ltmp0:
0xb: {  	_ =	strace $0x8000004A;
	s6 =	sor.u32 s4, s24;
	(pc) =	sbr.rel .LBB2_1-.Ltmp0, $4  }
0xc: {  	s4 =	ssub.s32 $0x2, s4;
	[dreg:$0x3] =	wrdreg s25;
	s24 =	simm.s32 $0x2  }
0xd: {  	s25 =	simm.s32 $0x19D40;
	s7 =	smul.u32 $0x50, s6;
	s26 =	sshrl.u32 s4, $0x1  }
0xe: {  	vm0 =	vmmov $0x1;
	s6 =	smul.u32 $0x28, s6;
	s0 =	ssub.s32 s4, s26;
	s26 =	simm.s32 $0x1B0D0  }
0xf: {  	vm1 =	vcmask $0x308;
	vm2 =	vcmask $0x70C;
	vm3 =	vcmask $0xB10;
	s7 =	sadd.s32 s1, s7;
	s8 =	smax.u32 s0, $0x1;
	s0 =	simm.s32 $0x0  }
.LBB2_11:
0x10: {  	_ =	swait.ge [sflag:s30], $0x1388  }
0x11: {  	[sflag:s30] =	ssyncset.done $0x0  }
0x12: {  	[sflag:s30] =	ssyncadd.s32 $0xFFFFEC78  }
0x13: {  	_ =	swait.ge [sflag:s30], $0x1388  }
0x14: {  	[sflag:s30] =	ssyncset.done $0x0  }
0x15: {  	[sflag:s30] =	ssyncadd.s32 $0xFFFFEC78  }
0x16: {  	_ =	swait.ge [sflag:s30], $0x1388  }
0x17: {  	[sflag:s30] =	ssyncset.done $0x0  }
0x18: {  	[sflag:s30] =	ssyncadd.s32 $0xFFFFEC78  }
0x19: {  	_ =	swait.ge [sflag:s30], $0x1388  }
0x1a: {  	[sflag:s30] =	ssyncset.done $0x0  }
0x1b: {  	[sflag:s30] =	ssyncadd.s32 $0xFFFFEC78  }
0x1c: {  	_ =	swait.ge [sflag:s31], $0x1388  }
0x1d: {  	[sflag:s31] =	ssyncset.done $0x0  }
0x1e: {  	[sflag:s31] =	ssyncadd.s32 $0xFFFFEC78  }
0x1f: {  	_ =	swait.ge [sflag:s31], $0x1388  }
0x20: {  	[sflag:s31] =	ssyncset.done $0x0  }
0x21: {  	s0 =	sadd.s32 $0x1, s0;
	[sflag:s31] =	ssyncadd.s32 $0xFFFFEC78  }
0x22: {  	p0 =	sne.s32 s0, s8;
	_ =	swait.ge [sflag:s31], $0x1388  }
.Ltmp1:
0x23: {  	[sflag:s31] =	ssyncset.done $0x0;
	(pc) =	sbr.rel @!p0 .LBB2_12-.Ltmp1, $4  }
0x24: {  	[sflag:s31] =	ssyncadd.s32 $0xFFFFEC78  }
0x25: {  	_ =	swait.ge [sflag:s31], $0x1388  }
0x26: {  	[sflag:s31] =	ssyncset.done $0x0  }
0x27: {  	[sflag:s31] =	ssyncadd.s32 $0xFFFFEC78  }
.LBB2_1:
0x28: {  	s1 =	rddreg [dreg:$0x3]  }
0x29: {  	[tilespmem:s2], [sflag:$0x5] =	stream.linear.gather [hbm4b:s1+s2], $0x1400, $0x38;
	[tilespmem:$0x1EB80] =	vst v63  }
0x2a: {  	_ =	swait.ge [sflag:s9], $0x1400  }
0x2b: {  	[sflag:s9] =	ssyncset.done $0x0  }
0x2c: {  	s12 =	simm.s32 $0x1400;
	[sflag:s9] =	ssyncadd.s32 $0xFFFFEC00  }
0x2d: {  	[tilespmem:s12], [sflag:$0x5] =	stream.linear.gather [hbm4b:s7+s2], $0x280, $0x38;
	[tilespmem:$0x1EB80] =	vst v63  }
0x2e: {  	_ =	swait.ge [sflag:s9], $0x280  }
0x2f: {  	[sflag:s9] =	ssyncset.done $0x0  }
0x30: {  	[sflag:s9] =	ssyncadd.s32 $0xFFFFFD80  }
0x31: {  	v0 =	vld [tilespmem:$0x1400];
	_ =	sdelay $0x4  }
0x32: {  	v1 =	vnsel vm0, $0x80000000, v0  }
0x33: {  	v59 =	vsel vm1, $0x80000000, v0;
	v1 =	vxor.u32 $0x80000000, v1  }
0x34: {  	(xrf0) =	vmax.scan.msk.u32 $0xffff, v1;
	v1 =	vxor.u32 $0x80000000, v59  }
0x35: {  	(xrf0) =	vmax.scan.msk.u32 $0xffff, v1;
	_ =	sdelay $0x2  }
0x36: {  	v60 =	vsel vm2, $0x80000000, v0  }
0x37: {  	v1 =	vxor.u32 $0x80000000, v60  }
0x38: {  	v0 =	vsel vm3, $0x80000000, v0;
	v2, _, _ =	vpop (xrf0);
	(xrf0) =	vmax.scan.msk.u32 $0xffff, v1  }
0x39: {  	v0 =	vxor.u32 $0x80000000, v0;
	(v2sf) =	vpush v2, $0xF;
	v61, _, _ =	vpop (xrf0)  }
0x3a: {  	(xrf0) =	vmax.scan.msk.u32 $0xffff, v0;
	(v2sf) =	vpush v61, $0xF;
	_ =	sdelay $0x3  }
0x3b: {  	v62, _, _ =	vpop (xrf0)  }
0x3c: {  	(v2sf) =	vpush v62, $0xF  }
0x3d: {  	v63, _, _ =	vpop (xrf0)  }
0x3e: {  	(v2sf) =	vpush v63, $0xF;
	_ =	sdelay $0x6  }
0x3f: {  	s13 =	spop (v2sf)  }
0x40: {  	s1 =	smul.u32 $0x2710, s13;
	s4 =	spop (v2sf)  }
0x41: {  	s4 =	smul.u32 $0x2710, s4  }
0x42: {  	s1 =	sshrl.u32 s1, $0x3  }
0x43: {  	s1 =	sadd.s32 s3, s1;
	s4 =	sshrl.u32 s4, $0x3  }
0x44: {  	[tilespmem:s11], [sflag:$0x1] =	stream.linear.gather [hbm4b:s1+s2], $0x2710, $0x38;
	[tilespmem:$0x1EB80] =	vst v63  }
0x45: {  	s10 =	simm.s32 $0x3D90;
	s4 =	sadd.s32 s3, s4;
	s14 =	spop (v2sf)  }
0x46: {  	[tilespmem:s10], [sflag:$0x1] =	stream.linear.gather [hbm4b:s4+s2], $0x2710, $0x38;
	[tilespmem:$0x1EB80] =	vst v63  }
0x47: {  	s1 =	smul.u32 $0x2710, s14;
	s10 =	spop (v2sf)  }
0x48: {  	s4 =	smul.u32 $0x2710, s10  }
0x49: {  	s12 =	simm.s32 $0x64A0;
	s1 =	sshrl.u32 s1, $0x3  }
.Ltmp2:
0x4a: {  	s1 =	sadd.s32 s3, s1;
	s13 =	sshrl.u32 s4, $0x3;
	(pc) =	sbr.rel .LBB2_2-.Ltmp2, $4  }
0x4b: {  	[tilespmem:s12], [sflag:$0x1] =	stream.linear.gather [hbm4b:s1+s2], $0x2710, $0x38;
	[tilespmem:$0x1EB80] =	vst v63  }
0x4c: {  	s14 =	simm.s32 $0x8BB0;
	s1 =	sadd.s32 s3, s13  }
0x4d: {  	[tilespmem:s14], [sflag:$0x1] =	stream.linear.gather [hbm4b:s1+s2], $0x2710, $0x38;
	[tilespmem:$0x1EB80] =	vst v63  }
0x4e: {  	s1 =	simm.s32 $0x0  }
.LBB2_10:
0x4f: {  	s1 =	sadd.s32 $0x1, s1  }
0x50: {  	p0 =	sne.s32 s1, $0x14  }
.Ltmp3:
0x51: {  	_ = 	snop;
	(pc) =	sbr.rel @!p0 .LBB2_11-.Ltmp3, $1  }
0x52: {  	_ =	sdelay $0x3  }
.LBB2_2:
0x53: {  	s10 =	sshll.u32 s1, $0x1  }
0x54: {  	s12 =	sadd.s32 s6, s10  }
0x55: {  	p0 =	sgt.u32 s12, $0x4E1  }
.Ltmp4:
0x56: {  	_ = 	snop;
	(pc) =	sbr.rel @p0 .LBB2_6-.Ltmp4, $1  }
0x57: {  	_ =	sdelay $0x3  }
0x58: {  	s4 =	sshll.u32 s1, $0x5  }
0x59: {  	s4 =	sand.u32 $0x3FFFFFE0, s4  }
0x5a: {  	v0 =	vld [tilespmem:s4+$0x1410];
	_ =	sdelay $0x4  }
0x5b: {  	v1 =	vnsel vm0, $0x80000000, v0  }
0x5c: {  	v1 =	vxor.u32 $0x80000000, v1  }
0x5d: {  	(xrf0) =	vmax.scan.msk.u32 $0xffff, v1  }
0x5e: {  	v1 =	vsel vm1, $0x80000000, v0  }
0x5f: {  	v1 =	vxor.u32 $0x80000000, v1  }
0x60: {  	(xrf0) =	vmax.scan.msk.u32 $0xffff, v1  }
0x61: {  	v1 =	vsel vm2, $0x80000000, v0  }
0x62: {  	v1 =	vxor.u32 $0x80000000, v1  }
0x63: {  	v2, _, _ =	vpop (xrf0);
	(xrf0) =	vmax.scan.msk.u32 $0xffff, v1  }
0x64: {  	v0 =	vsel vm3, $0x80000000, v0;
	(v2sf) =	vpush v2, $0xF  }
0x65: {  	v0 =	vxor.u32 $0x80000000, v0  }
0x66: {  	v1, _, _ =	vpop (xrf0);
	(xrf0) =	vmax.scan.msk.u32 $0xffff, v0  }
0x67: {  	(v2sf) =	vpush v1, $0xF;
	_ =	sdelay $0x1  }
0x68: {  	v0, _, _ =	vpop (xrf0)  }
0x69: {  	(v2sf) =	vpush v0, $0xF;
	_ =	sdelay $0x1  }
0x6a: {  	v0, _, _ =	vpop (xrf0)  }
0x6b: {  	(v2sf) =	vpush v0, $0xF;
	_ =	sdelay $0x5  }
0x6c: {  	s13 =	spop (v2sf)  }
0x6d: {  	s4 =	smul.u32 $0x2710, s13;
	_ =	sdelay $0x1  }
0x6e: {  	s13 =	spop (v2sf);
	s4 =	sshrl.u32 s4, $0x3  }
0x6f: {  	s13 =	smul.u32 $0x2710, s13;
	s4 =	sadd.s32 s3, s4  }
0x70: {  	[tilespmem:s15], [sflag:$0x2] =	stream.linear.gather [hbm4b:s4+s2], $0x2710, $0x38;
	[tilespmem:$0x1EB80] =	vst v63  }
0x71: {  	s13 =	sshrl.u32 s13, $0x3;
	s14 =	spop (v2sf)  }
0x72: {  	s13 =	sadd.s32 s3, s13;
	s4 =	smul.u32 $0x2710, s14  }
0x73: {  	[tilespmem:s16], [sflag:$0x2] =	stream.linear.gather [hbm4b:s13+s2], $0x2710, $0x38;
	[tilespmem:$0x1EB80] =	vst v63  }
0x74: {  	s14 =	spop (v2sf);
	s4 =	sshrl.u32 s4, $0x3  }
0x75: {  	s13 =	smul.u32 $0x2710, s14;
	s4 =	sadd.s32 s3, s4  }
0x76: {  	[tilespmem:s17], [sflag:$0x2] =	stream.linear.gather [hbm4b:s4+s2], $0x2710, $0x38;
	[tilespmem:$0x1EB80] =	vst v63  }
0x77: {  	s14 =	sshrl.u32 s13, $0x3  }
0x78: {  	s4 =	sadd.s32 s3, s14  }
0x79: {  	[tilespmem:s18], [sflag:$0x2] =	stream.linear.gather [hbm4b:s4+s2], $0x2710, $0x38;
	[tilespmem:$0x1EB80] =	vst v63  }
0x7a: {  	_ =	swait.ge [sflag:s19], $0x2710  }
0x7b: {  	[sflag:s19] =	ssyncset.done $0x0  }
0x7c: {  	[sflag:s19] =	ssyncadd.s32 $0xFFFFD8F0  }
0x7d: {  	_ =	swait.ge [sflag:s19], $0x2710  }
0x7e: {  	[sflag:s19] =	ssyncset.done $0x0  }
0x7f: {  	[sflag:s19] =	ssyncadd.s32 $0xFFFFD8F0  }
0x80: {  	_ =	swait.ge [sflag:s19], $0x2710  }
0x81: {  	[sflag:s19] =	ssyncset.done $0x0  }
0x82: {  	[sflag:s19] =	ssyncadd.s32 $0xFFFFD8F0  }
0x83: {  	_ =	swait.ge [sflag:s19], $0x2710  }
0x84: {  	p0 =	seq.s32 s1, $0x0;
	[sflag:s19] =	ssyncset.done $0x0  }
0x85: {  	s4 =	simm.s32 @!p0 $0x3;
	[sflag:s19] =	ssyncadd.s32 $0xFFFFD8F0  }
0x86: {  	_ =	swait.ge @!p0 [sflag:s4], $0x1388  }
0x87: {  	[sflag:s4] =	ssyncset.done @!p0 $0x0  }
0x88: {  	[sflag:s4] =	ssyncadd.s32 @!p0 $0xFFFFEC78  }
0x89: {  	_ =	swait.ge @!p0 [sflag:s4], $0x1388  }
0x8a: {  	[sflag:s4] =	ssyncset.done @!p0 $0x0  }
0x8b: {  	[sflag:s4] =	ssyncadd.s32 @!p0 $0xFFFFEC78  }
0x8c: {  	_ =	swait.ge @!p0 [sflag:s4], $0x1388  }
0x8d: {  	[sflag:s4] =	ssyncset.done @!p0 $0x0  }
0x8e: {  	[sflag:s4] =	ssyncadd.s32 @!p0 $0xFFFFEC78  }
0x8f: {  	_ =	swait.ge @!p0 [sflag:s4], $0x1388  }
0x90: {  	[sflag:s4] =	ssyncset.done @!p0 $0x0  }
0x91: {  	s13 =	simm.s32 $0x0;
	[sflag:s4] =	ssyncadd.s32 @!p0 $0xFFFFEC78  }
0x92: {  	v1 =	vld [tilespmem:s13+$0x0];
	_ =	sdelay $0x7  }
0x93: {  	v0 =	vld.idx.msk [tilespmem:v1+s11+$0x0], $0xffff  }
0x94: {  	v2 =	vadd.s32 $0x2710, v1;
	_ =	sdelay $0x3  }
0x95: {  	[tilespmem:s13+$0x14F00] =	vst v0  }
0x96: {  	v0 =	vld.idx.msk [tilespmem:v2+s11+$0x0], $0xffff  }
0x97: {  	v2 =	vadd.s32 $0x4E20, v1;
	_ =	sdelay $0x3  }
0x98: {  	[tilespmem:s13+$0x16290] =	vst v0  }
0x99: {  	v0 =	vld.idx.msk [tilespmem:v2+s11+$0x0], $0xffff  }
0x9a: {  	v1 =	vadd.s32 $0x7530, v1;
	_ =	sdelay $0x2  }
0x9b: {  	s14 =	simm.s32 $0x80;
	s4 =	simm.s32 $0x10  }
.LBB2_4:
0x9c: {  	p0 =	sne.s32 s14, $0x4E00;
	v2 =	vld [tilespmem:s4+$0x0];
	[tilespmem:s13+$0x17620] =	vst v0  }
0x9d: {  	v0 =	vld.idx.msk [tilespmem:v1+s11+$0x0], $0xffff;
	_ =	sdelay $0x5  }
0x9e: {  	[tilespmem:s13+$0x189B0] =	vst v0;
	s13 =	smov.u32 s4  }
0x9f: {  	v0 =	vld.idx.msk [tilespmem:v2+s11+$0x0], $0xffff;
	_ =	sdelay $0x1  }
0xa0: {  	v1 =	vadd.s32 $0x2710, v2;
	_ =	sdelay $0x3  }
0xa1: {  	[tilespmem:s13+$0x14F00] =	vst v0  }
0xa2: {  	v0 =	vld.idx.msk [tilespmem:v1+s11+$0x0], $0xffff;
	_ =	sdelay $0x1  }
0xa3: {  	v1 =	vadd.s32 $0x4E20, v2;
	_ =	sdelay $0x3  }
0xa4: {  	[tilespmem:s13+$0x16290] =	vst v0  }
0xa5: {  	v0 =	vld.idx.msk [tilespmem:v1+s11+$0x0], $0xffff  }
.Ltmp5:
0xa6: {  	(pc) =	sbr.rel @p0 .LBB2_4-.Ltmp5, $2  }
0xa7: {  	v1 =	vadd.s32 $0x7530, v2;
	_ =	sdelay $0x2  }
0xa8: {  	s4 =	sshra.s32 s14, $0x2;
	s14 =	sadd.s32 $0x40, s14  }
0xa9: {  	_ =	sdelay $0x1  }
0xaa: {  	v2 =	vld [tilespmem:s4+$0x0]  }
0xab: {  	[tilespmem:s13+$0x17620] =	vst v0  }
0xac: {  	v0 =	vld.idx.msk [tilespmem:v1+s11+$0x0], $0xffff;
	_ =	sdelay $0x4  }
0xad: {  	[tilespmem:s13+$0x189B0] =	vst v0  }
0xae: {  	v0 =	vld.idx.msk [tilespmem:v2+s11+$0x0], $0xffff  }
0xaf: {  	v61 =	vadd.s32 $0x2710, v2;
	_ =	sdelay $0x3  }
0xb0: {  	[tilespmem:s4+$0x14F00] =	vst v0  }
0xb1: {  	v0 =	vld.idx.msk [tilespmem:v61+s11+$0x0], $0xffff  }
0xb2: {  	v62 =	vadd.s32 $0x4E20, v2;
	_ =	sdelay $0x3  }
0xb3: {  	[tilespmem:s4+$0x16290] =	vst v0  }
0xb4: {  	v0 =	vld.idx.msk [tilespmem:v62+s11+$0x0], $0xffff  }
0xb5: {  	v63 =	vadd.s32 $0x7530, v2;
	_ =	sdelay $0x3  }
0xb6: {  	[tilespmem:s4+$0x17620] =	vst v0  }
0xb7: {  	v0 =	vld.idx.msk [tilespmem:v63+s11+$0x0], $0xffff  }
0xb8: {  	s14 =	smul.u32 $0x9C4, s12  }
0xb9: {  	s12 =	smul.u32 $0x4E20, s12;
	_ =	sdelay $0x1  }
0xba: {  	s13 =	sadd.s32 s5, s14;
	s14 =	sadd.s32 $0x1388, s12  }
0xbb: {  	[tilespmem:s4+$0x189B0] =	vst v0;
	s4 =	sshrl.u32 s14, $0x3  }
0xbc: {  	[hbm4b:s13+s2] =	stream.linear.scatter [tilespmem:s20], [sflag:$0x3], $0x1388, $0x38;
	[tilespmem:$0x1EB80] =	vst v63  }
0xbd: {  	s4 =	sadd.s32 s5, s4;
	s13 =	sshrl.u32 s12, $0x3  }
0xbe: {  	[hbm4b:s4+s2] =	stream.linear.scatter [tilespmem:s21], [sflag:$0x3], $0x1388, $0x38;
	[tilespmem:$0x1EB80] =	vst v63  }
0xbf: {  	s4 =	sadd.s32 s5, s13  }
0xc0: {  	s14 =	sadd.s32 $0x3A98, s12;
	s4 =	sadd.s32 $0x4E2, s4  }
0xc1: {  	[hbm4b:s4+s2] =	stream.linear.scatter [tilespmem:s22], [sflag:$0x3], $0x1388, $0x38;
	[tilespmem:$0x1EB80] =	vst v63  }
0xc2: {  	s4 =	sshrl.u32 s14, $0x3  }
0xc3: {  	s4 =	sadd.s32 s5, s4  }
0xc4: {  	[hbm4b:s4+s2] =	stream.linear.scatter [tilespmem:s23], [sflag:$0x3], $0x1388, $0x38;
	[tilespmem:$0x1EB80] =	vst v63  }
.LBB2_6:
0xc5: {  	s4 =	sadd.s32 s10, s6  }
0xc6: {  	s10 =	sadd.s32 $0x1, s4  }
0xc7: {  	p0 =	sgt.u32 s10, $0x4E1  }
.Ltmp6:
0xc8: {  	_ = 	snop;
	(pc) =	sbr.rel @p0 .LBB2_10-.Ltmp6, $1  }
0xc9: {  	_ =	sdelay $0x3  }
0xca: {  	p0 =	seq.s32 s1, $0x13  }
0xcb: {  	p1 =	seq.s32 @!p0 s10, $0x4E1  }
0xcc: {  	p0 =	por p1, p0  }
0xcd: {  	s4 =	sshll.u32 @!p0 s1, $0x5  }
0xce: {  	s4 =	sand.u32 @!p0 $0x3FFFFFE0, s4  }
0xcf: {  	v0 =	vld @!p0 [tilespmem:s4+$0x1420];
	_ =	sdelay $0x3  }
0xd0: {  	vm4 =	vmmov @!p0 $0x1  }
0xd1: {  	v1 =	vnsel @!p0 vm4, $0x80000000, v0  }
0xd2: {  	v1 =	vxor.u32 @!p0 $0x80000000, v1  }
0xd3: {  	vm4 =	vcmask @!p0 $0x308;
	(xrf0) =	vmax.scan.msk.u32 @!p0 $0xffff, v1  }
0xd4: {  	v1 =	vsel @!p0 vm4, $0x80000000, v0  }
0xd5: {  	v1 =	vxor.u32 @!p0 $0x80000000, v1  }
0xd6: {  	vm4 =	vcmask @!p0 $0x70C;
	(xrf0) =	vmax.scan.msk.u32 @!p0 $0xffff, v1  }
0xd7: {  	v1 =	vsel @!p0 vm4, $0x80000000, v0  }
0xd8: {  	v1 =	vxor.u32 @!p0 $0x80000000, v1  }
0xd9: {  	vm4 =	vcmask @!p0 $0xB10;
	v2, _, _ =	vpop @!p0 (xrf0);
	(xrf0) =	vmax.scan.msk.u32 @!p0 $0xffff, v1  }
0xda: {  	v0 =	vsel @!p0 vm4, $0x80000000, v0;
	(v2sf) =	vpush @!p0 v2, $0xF  }
0xdb: {  	v0 =	vxor.u32 @!p0 $0x80000000, v0  }
0xdc: {  	v1, _, _ =	vpop @!p0 (xrf0);
	(xrf0) =	vmax.scan.msk.u32 @!p0 $0xffff, v0  }
0xdd: {  	(v2sf) =	vpush @!p0 v1, $0xF;
	_ =	sdelay $0x1  }
0xde: {  	v0, _, _ =	vpop @!p0 (xrf0)  }
0xdf: {  	(v2sf) =	vpush @!p0 v0, $0xF;
	_ =	sdelay $0x1  }
0xe0: {  	v0, _, _ =	vpop @!p0 (xrf0)  }
0xe1: {  	(v2sf) =	vpush @!p0 v0, $0xF;
	_ =	sdelay $0x5  }
0xe2: {  	s4 =	spop @!p0 (v2sf)  }
0xe3: {  	s4 =	smul.u32 @!p0 $0x2710, s4;
	_ =	sdelay $0x1  }
0xe4: {  	s13 =	simm.s32 @!p0 $0x0;
	s12 =	spop @!p0 (v2sf);
	s4 =	sshrl.u32 @!p0 s4, $0x3  }
0xe5: {  	s14 =	simm.s32 @!p0 $0x1680;
	s12 =	smul.u32 @!p0 $0x2710, s12;
	s4 =	sadd.s32 @!p0 s3, s4  }
0xe6: {  	[tilespmem:s14], [sflag:$0x1] =	stream.linear.gather @!p0 [hbm4b:s4+s13], $0x2710, $0x38;
	[tilespmem:$0x1EB80] =	vst v63  }
0xe7: {  	s12 =	sshrl.u32 @!p0 s12, $0x3;
	s4 =	spop @!p0 (v2sf)  }
0xe8: {  	s14 =	simm.s32 @!p0 $0x3D90;
	s12 =	sadd.s32 @!p0 s3, s12;
	s4 =	smul.u32 @!p0 $0x2710, s4  }
0xe9: {  	[tilespmem:s14], [sflag:$0x1] =	stream.linear.gather @!p0 [hbm4b:s12+s13], $0x2710, $0x38;
	[tilespmem:$0x1EB80] =	vst v63  }
0xea: {  	s12 =	spop @!p0 (v2sf);
	s4 =	sshrl.u32 @!p0 s4, $0x3  }
0xeb: {  	s14 =	simm.s32 @!p0 $0x64A0;
	s12 =	smul.u32 @!p0 $0x2710, s12;
	s4 =	sadd.s32 @!p0 s3, s4  }
0xec: {  	[tilespmem:s14], [sflag:$0x1] =	stream.linear.gather @!p0 [hbm4b:s4+s13], $0x2710, $0x38;
	[tilespmem:$0x1EB80] =	vst v63  }
0xed: {  	s4 =	sshrl.u32 @!p0 s12, $0x3  }
0xee: {  	s12 =	simm.s32 @!p0 $0x8BB0;
	s4 =	sadd.s32 @!p0 s3, s4  }
0xef: {  	[tilespmem:s12], [sflag:$0x1] =	stream.linear.gather @!p0 [hbm4b:s4+s13], $0x2710, $0x38;
	[tilespmem:$0x1EB80] =	vst v63  }
0xf0: {  	_ =	swait.ge [sflag:s24], $0x2710  }
0xf1: {  	[sflag:s24] =	ssyncset.done $0x0  }
0xf2: {  	[sflag:s24] =	ssyncadd.s32 $0xFFFFD8F0  }
0xf3: {  	_ =	swait.ge [sflag:s24], $0x2710  }
0xf4: {  	[sflag:s24] =	ssyncset.done $0x0  }
0xf5: {  	[sflag:s24] =	ssyncadd.s32 $0xFFFFD8F0  }
0xf6: {  	_ =	swait.ge [sflag:s24], $0x2710  }
0xf7: {  	[sflag:s24] =	ssyncset.done $0x0  }
0xf8: {  	[sflag:s24] =	ssyncadd.s32 $0xFFFFD8F0  }
0xf9: {  	_ =	swait.ge [sflag:s24], $0x2710  }
0xfa: {  	p0 =	seq.s32 s1, $0x0;
	[sflag:s24] =	ssyncset.done $0x0  }
0xfb: {  	s4 =	simm.s32 @!p0 $0x4;
	[sflag:s24] =	ssyncadd.s32 $0xFFFFD8F0  }
0xfc: {  	_ =	swait.ge @!p0 [sflag:s4], $0x1388  }
0xfd: {  	[sflag:s4] =	ssyncset.done @!p0 $0x0  }
0xfe: {  	[sflag:s4] =	ssyncadd.s32 @!p0 $0xFFFFEC78  }
0xff: {  	_ =	swait.ge @!p0 [sflag:s4], $0x1388  }
0x100: {  	[sflag:s4] =	ssyncset.done @!p0 $0x0  }
0x101: {  	[sflag:s4] =	ssyncadd.s32 @!p0 $0xFFFFEC78  }
0x102: {  	_ =	swait.ge @!p0 [sflag:s4], $0x1388  }
0x103: {  	[sflag:s4] =	ssyncset.done @!p0 $0x0  }
0x104: {  	[sflag:s4] =	ssyncadd.s32 @!p0 $0xFFFFEC78  }
0x105: {  	_ =	swait.ge @!p0 [sflag:s4], $0x1388  }
0x106: {  	[sflag:s4] =	ssyncset.done @!p0 $0x0  }
0x107: {  	s12 =	simm.s32 $0x0;
	[sflag:s4] =	ssyncadd.s32 @!p0 $0xFFFFEC78  }
0x108: {  	v1 =	vld [tilespmem:s12+$0x0];
	_ =	sdelay $0x4  }
0x109: {  	v0 =	vadd.s32 $0x9C40, v1;
	_ =	sdelay $0x4  }
0x10a: {  	v0 =	vld.idx.msk [tilespmem:v0+s11+$0x0], $0xffff  }
0x10b: {  	v2 =	vadd.s32 $0xC350, v1;
	_ =	sdelay $0x3  }
0x10c: {  	[tilespmem:s12+$0x19D40] =	vst v0  }
0x10d: {  	v0 =	vld.idx.msk [tilespmem:v2+s11+$0x0], $0xffff  }
0x10e: {  	v2 =	vadd.s32 $0xEA60, v1;
	_ =	sdelay $0x3  }
0x10f: {  	[tilespmem:s12+$0x1B0D0] =	vst v0  }
0x110: {  	v0 =	vld.idx.msk [tilespmem:v2+s11+$0x0], $0xffff  }
0x111: {  	v1 =	vadd.s32 $0x11170, v1  }
0x112: {  	s14 =	simm.s32 $0x10;
	s13 =	simm.s32 $0x80  }
.LBB2_8:
0x113: {  	p0 =	sne.s32 s13, $0x4E00;
	v2 =	vld [tilespmem:s14+$0x0];
	_ =	sdelay $0x1  }
0x114: {  	[tilespmem:s12+$0x1C460] =	vst v0  }
0x115: {  	v0 =	vld.idx.msk [tilespmem:v1+s11+$0x0], $0xffff;
	_ =	sdelay $0x1  }
0x116: {  	v1 =	vadd.s32 $0x9C40, v2;
	_ =	sdelay $0x3  }
0x117: {  	[tilespmem:s12+$0x1D7F0] =	vst v0;
	s12 =	smov.u32 s14  }
0x118: {  	v0 =	vld.idx.msk [tilespmem:v1+s11+$0x0], $0xffff;
	_ =	sdelay $0x1  }
0x119: {  	v1 =	vadd.s32 $0xC350, v2;
	_ =	sdelay $0x3  }
0x11a: {  	[tilespmem:s12+$0x19D40] =	vst v0  }
0x11b: {  	v0 =	vld.idx.msk [tilespmem:v1+s11+$0x0], $0xffff;
	_ =	sdelay $0x1  }
0x11c: {  	v1 =	vadd.s32 $0xEA60, v2;
	_ =	sdelay $0x3  }
.Ltmp7:
0x11d: {  	[tilespmem:s12+$0x1B0D0] =	vst v0;
	(pc) =	sbr.rel @p0 .LBB2_8-.Ltmp7, $3  }
0x11e: {  	v0 =	vld.idx.msk [tilespmem:v1+s11+$0x0], $0xffff;
	_ =	sdelay $0x1  }
0x11f: {  	v1 =	vadd.s32 $0x11170, v2  }
0x120: {  	s14 =	sshra.s32 s13, $0x2;
	s13 =	sadd.s32 $0x40, s13  }
0x121: {  	v2 =	vld [tilespmem:s14+$0x0];
	_ =	sdelay $0x2  }
0x122: {  	[tilespmem:s12+$0x1C460] =	vst v0  }
0x123: {  	v0 =	vld.idx.msk [tilespmem:v1+s11+$0x0], $0xffff  }
0x124: {  	v60 =	vadd.s32 $0x9C40, v2;
	_ =	sdelay $0x3  }
0x125: {  	[tilespmem:s12+$0x1D7F0] =	vst v0  }
0x126: {  	v0 =	vld.idx.msk [tilespmem:v60+s11+$0x0], $0xffff  }
0x127: {  	v61 =	vadd.s32 $0xC350, v2;
	_ =	sdelay $0x3  }
0x128: {  	[tilespmem:s14+$0x19D40] =	vst v0  }
0x129: {  	v0 =	vld.idx.msk [tilespmem:v61+s11+$0x0], $0xffff  }
0x12a: {  	v62 =	vadd.s32 $0xEA60, v2;
	_ =	sdelay $0x3  }
0x12b: {  	[tilespmem:s14+$0x1B0D0] =	vst v0  }
0x12c: {  	v0 =	vld.idx.msk [tilespmem:v62+s11+$0x0], $0xffff  }
0x12d: {  	v63 =	vadd.s32 $0x11170, v2;
	_ =	sdelay $0x3  }
0x12e: {  	[tilespmem:s14+$0x1C460] =	vst v0  }
0x12f: {  	v0 =	vld.idx.msk [tilespmem:v63+s11+$0x0], $0xffff;
	_ =	sdelay $0x2  }
0x130: {  	s4 =	smul.u32 $0x9C4, s10;
	_ =	sdelay $0x1  }
0x131: {  	s4 =	sadd.s32 s5, s4;
	[tilespmem:s14+$0x1D7F0] =	vst v0;
	s14 =	smul.u32 $0x4E20, s10  }
0x132: {  	[hbm4b:s4+s2] =	stream.linear.scatter [tilespmem:s25], [sflag:$0x4], $0x1388, $0x38;
	[tilespmem:$0x1EB80] =	vst v63  }
0x133: {  	s12 =	sadd.s32 $0x1388, s14  }
0x134: {  	s4 =	sshrl.u32 s12, $0x3  }
0x135: {  	s13 =	sshrl.u32 s14, $0x3;
	s4 =	sadd.s32 s5, s4  }
0x136: {  	[hbm4b:s4+s2] =	stream.linear.scatter [tilespmem:s26], [sflag:$0x4], $0x1388, $0x38;
	[tilespmem:$0x1EB80] =	vst v63  }
0x137: {  	s4 =	sadd.s32 s5, s13  }
.Ltmp8:
0x138: {  	s14 =	sadd.s32 $0x3A98, s14;
	s4 =	sadd.s32 $0x4E2, s4;
	(pc) =	sbr.rel .LBB2_10-.Ltmp8, $4  }
0x139: {  	[hbm4b:s4+s2] =	stream.linear.scatter [tilespmem:s28], [sflag:$0x4], $0x1388, $0x38;
	[tilespmem:$0x1EB80] =	vst v63  }
0x13a: {  	s4 =	sshrl.u32 s14, $0x3  }
0x13b: {  	s4 =	sadd.s32 s5, s4  }
0x13c: {  	[hbm4b:s4+s2] =	stream.linear.scatter [tilespmem:s29], [sflag:$0x4], $0x1388, $0x38;
	[tilespmem:$0x1EB80] =	vst v63  }
.LBB2_12:
0x13d: {  	_ =	sfence.sel $0x180000  }
0x13e: {  	[bflag:$0x0] =	sbarrier.arrive $0xFFFF  }
0x13f: {  	_ =	strace $0x9000004A  }
0x140: {  	s0 =	stileid.u32;
	[bflag:$0x2] =	sbarrier.arrive $0xFFFF  }
0x141: {  	p0 =	sne.s32 s0, $0x0;
	s0 =	rddreg [dreg:$0x2]  }
0x142: {  	s0 =	sadd.s32 @!p0 $0x100000, s0  }
0x143: {  	[sflag:s0] =	ssyncadd.tile.s32 @!p0 $0x1;
	_ =	shalt  }
.Lfunc_end2:
_tile_overlayer_lowered:
.L_overlay_start_2:
0x144: {  	(tag) =	ssettag $0x2  }
0x145: {  	s0 =	rddreg [dreg:$0x0];
	s2 =	stileid.u32  }
0x146: {  	s1 =	rddreg [dreg:$0x1];
	p0 =	sne.s32 s2, $0x0  }
0x147: {  	s3 =	rddreg [dreg:$0x2];
	[bflag:$0x3] =	sbarrier.arrive $0xFFFF;
	s2 =	simm.s32 @!p0 $0x1C05  }
0x148: {  	[timem:s3], [sflag:s2] =	dma.local @!p0 [hbm:s0], s1  }
0x149: {  	s0 =	simm.s32 @!p0 $0x5  }
0x14a: {  	_ =	swait.ge @!p0 [sflag:s0], s1  }
0x14b: {  	s1 =	ssub.s32 @!p0 $0x0, s1;
	[sflag:s0] =	ssyncset.done @!p0 $0x0  }
0x14c: {  	[sflag:s0] =	ssyncadd.s32 @!p0 s1  }
0x14d: {  	[bflag:$0x3] =	sbarrier.arrive $0xFFFF  }
0x14e: {  	_ =	shalt  }

// kernel: kernel.13.cloned.1.call-start
scs
__scs_entry_jumppad:
0x0: {  	(pc) =	sbr.rel $0x88, $3  }
0x1: {  	(tag) =	ssettag $0x0;
	lr =	simm.s32 $0x1  }
0x2: {  	[smem:$0x3F9E] =	sst lr;
	_ =	strace $0xD0000000  }
0x3: {  	_ = 	snop  }
0x4: {  	_ = 	snop  }
0x5: {  	_ = 	snop  }
0x6: {  	_ = 	snop  }
0x7: {  	_ = 	snop  }
__scs_overlays_trampoline_lowered:
0x8: {  	[smem:$0x3FAD] =	sst s0  }
0x9: {  	[smem:$0x3FAE] =	sst s1  }
0xa: {  	[smem:$0x3FAF] =	sst s2  }
0xb: {  	[smem:$0x3FB0] =	sst s3  }
0xc: {  	[smem:$0x3FB1] =	sst s4  }
0xd: {  	[smem:$0x3FB2] =	sst s5  }
0xe: {  	[smem:$0x3FB3] =	sst s6  }
0xf: {  	[smem:$0x3FB4] =	sst s7  }
0x10: {  	[smem:$0x3FB5] =	sst s8  }
0x11: {  	[smem:$0x3FB6] =	sst s9;
	s0 =	simm.s32 @!p0 $0x0  }
0x12: {  	s1 =	sld [smem:$0x3F9C];
	s0 =	simm.s32 @p0 $0x1  }
0x13: {  	[smem:$0x3FB7] =	sst s0;
	s0 =	simm.s32 @!p1 $0x0  }
0x14: {  	s2 =	sld [smem:$0x3F9B];
	s0 =	simm.s32 @p1 $0x1  }
0x15: {  	[smem:$0x3FB8] =	sst s0;
	s0 =	simm.s32 @!p2 $0x0  }
0x16: {  	s3 =	sld [smem:$0x3FDB];
	s0 =	simm.s32 @p2 $0x1  }
0x17: {  	s4 =	simm.s32 $0x1BF5;
	[smem:$0x3FBA] =	sst s0  }
0x18: {  	s0 =	sld [smem:$0x3F9D];
	_ =	swait.ge [sflag:s4], $0x0  }
0x19: {  	s7 =	sld [smem:$0x3F9E]  }
0x1a: {  	s8 =	sadd.s32 $0xFFFFE003, lr  }
0x1b: {  	s9 =	sadd.s32 $0xFFFFFEF7, lr;
	s5 =	simm.s32 $0xFFFFFFFF;
	p2 =	slt.u32 s8, $0xFFFFF086  }
0x1c: {  	p1 =	slt.u32 s9, $0xF7A;
	s5 =	simm.s32 @!p2 $0x0  }
0x1d: {  	s5 =	simm.s32 @p1 $0x1;
	p0 =	seq.s32 s7, s2  }
0x1e: {  	s7 =	smul.u32 @!p0 $0xF7A, s2;
	p2 =	seq.s32 @!p0 s5, $0x0  }
0x1f: {  	s9 =	smul.u32 $0xF7A, s1;
	s8 =	simm.s32 @!p0 $0x1BF5;
	p2 =	por !p2, p0  }
0x20: {  	[sflag:s8] =	ssyncset.s32 @!p0 $0xFFFFF086;
	s6 =	sadd.s32 @!p0 s3, s7;
	s7 =	simm.s32 @!p0 $0x108  }
0x21: {  	s3 =	sadd.s32 s3, s9;
	s6 =	sadd.s32 @!p0 $0x88, s6;
	s7 =	simm.s32 @p2 $0x1082  }
0x22: {  	[simem:s7], [sflag:s8] =	dma.local @!p0 [hbm:s6], $0xF7A  }
0x23: {  	s9 =	sor.u32 $0xD0000000, s2;
	s6 =	simm.s32 $0x108;
	_ =	swait.ge @!p0 [sflag:s8], $0x0  }
0x24: {  	s3 =	sadd.s32 $0x88, s3;
	s6 =	simm.s32 @!p1 $0x1082;
	[sflag:s4] =	ssyncset.s32 $0xFFFFF086  }
0x25: {  	[simem:s6], [sflag:s4] =	dma.local [hbm:s3], $0xF7A  }
0x26: {  	[smem:$0x3F9E] =	sst s1;
	(tag) =	ssettag s2;
	_ =	strace s9  }
0x27: {  	s1 =	sld [smem:$0x3FAE]  }
0x28: {  	s2 =	sld [smem:$0x3FAF]  }
0x29: {  	s4 =	sld [smem:$0x3FB1]  }
0x2a: {  	p0 =	seq.s32 s5, $0x0;
	s5 =	sld [smem:$0x3FB2]  }
0x2b: {  	s6 =	sld [smem:$0x3FB3]  }
0x2c: {  	s7 =	sld [smem:$0x3FB4]  }
0x2d: {  	s3 =	simm.s32 $0x108;
	s8 =	sld [smem:$0x3FB5]  }
0x2e: {  	s3 =	simm.s32 @!p0 $0x1082;
	s9 =	sld [smem:$0x3FB6]  }
0x2f: {  	lr =	sadd.s32 s0, s3;
	s0 =	sld [smem:$0x3FAD]  }
0x30: {  	s3 =	sld [smem:$0x3FB0]  }
0x31: {  	[smem:$0x3FB9] =	sst s10  }
0x32: {  	s10 =	sld [smem:$0x3FB7];
	_ =	sdelay $0x3  }
0x33: {  	p0 =	seq.s32 s10, $0x1;
	s10 =	sld [smem:$0x3FB9];
	_ =	sdelay $0x3  }
0x34: {  	[smem:$0x3FB9] =	sst s10  }
0x35: {  	s10 =	sld [smem:$0x3FB8];
	_ =	sdelay $0x3  }
0x36: {  	p1 =	seq.s32 s10, $0x1;
	s10 =	sld [smem:$0x3FB9];
	_ =	sdelay $0x3  }
0x37: {  	[smem:$0x3FB9] =	sst s10  }
0x38: {  	s10 =	sld [smem:$0x3FBA]  }
0x39: {  	_ = 	snop;
	(pc) =	sbr.ind lr, $3  }
0x3a: {  	_ = 	snop  }
0x3b: {  	_ = 	snop  }
0x3c: {  	p2 =	seq.s32 s10, $0x1;
	s10 =	sld [smem:$0x3FB9]  }
0x3d: {  	_ =	shalt  }
0x3e: {  	_ =	shalt  }
0x3f: {  	_ =	shalt  }
0x40: {  	_ =	shalt  }
0x41: {  	_ =	shalt  }
0x42: {  	_ =	shalt  }
0x43: {  	_ =	shalt  }
0x44: {  	_ =	shalt  }
0x45: {  	_ =	shalt  }
0x46: {  	_ =	shalt  }
0x47: {  	_ =	shalt  }
0x48: {  	_ =	shalt  }
0x49: {  	_ =	shalt  }
0x4a: {  	_ =	shalt  }
0x4b: {  	_ =	shalt  }
0x4c: {  	_ =	shalt  }
0x4d: {  	_ =	shalt  }
0x4e: {  	_ =	shalt  }
0x4f: {  	_ =	shalt  }
0x50: {  	_ =	shalt  }
0x51: {  	_ =	shalt  }
0x52: {  	_ =	shalt  }
0x53: {  	_ =	shalt  }
0x54: {  	_ =	shalt  }
0x55: {  	_ =	shalt  }
0x56: {  	_ =	shalt  }
0x57: {  	_ =	shalt  }
0x58: {  	_ =	shalt  }
0x59: {  	_ =	shalt  }
0x5a: {  	_ =	shalt  }
0x5b: {  	_ =	shalt  }
0x5c: {  	_ =	shalt  }
0x5d: {  	_ =	shalt  }
0x5e: {  	_ =	shalt  }
0x5f: {  	_ =	shalt  }
0x60: {  	_ =	shalt  }
0x61: {  	_ =	shalt  }
0x62: {  	_ =	shalt  }
0x63: {  	_ =	shalt  }
0x64: {  	_ =	shalt  }
0x65: {  	_ =	shalt  }
0x66: {  	_ =	shalt  }
0x67: {  	_ =	shalt  }
0x68: {  	_ =	shalt  }
0x69: {  	_ =	shalt  }
0x6a: {  	_ =	shalt  }
0x6b: {  	_ =	shalt  }
0x6c: {  	_ =	shalt  }
0x6d: {  	_ =	shalt  }
0x6e: {  	_ =	shalt  }
0x6f: {  	_ =	shalt  }
0x70: {  	_ =	shalt  }
0x71: {  	_ =	shalt  }
0x72: {  	_ =	shalt  }
0x73: {  	_ =	shalt  }
0x74: {  	_ =	shalt  }
0x75: {  	_ =	shalt  }
0x76: {  	_ =	shalt  }
0x77: {  	_ =	shalt  }
0x78: {  	_ =	shalt  }
0x79: {  	_ =	shalt  }
0x7a: {  	_ =	shalt  }
0x7b: {  	_ =	shalt  }
0x7c: {  	_ =	shalt  }
0x7d: {  	_ =	shalt  }
0x7e: {  	_ =	shalt  }
0x7f: {  	_ =	shalt  }
0x80: {  	_ =	shalt  }
0x81: {  	_ =	shalt  }
0x82: {  	_ =	shalt  }
0x83: {  	_ =	shalt  }
0x84: {  	_ =	shalt  }
0x85: {  	_ =	shalt  }
0x86: {  	_ =	shalt  }
0x87: {  	_ =	shalt  }
.Lfunc_end0:
.L_simem_size_0:
called_computation.2_lowered:
.L_overlay_start_0:
0x88: {  	s2 =	sld [smem:$0x3FD9]  }
0x89: {  	s3 =	sld [smem:$0x3FFE];
	_ =	sdelay $0x1  }
0x8a: {  	s1 =	srdreg.scid  }
0x8b: {  	s0 =	sand.u32 $0x1, s1  }
0x8c: {  	s17 =	sshll.u32 s0, $0xA;
	s2 =	sadd.s32 s3, s2  }
0x8d: {  	s2 =	sadd.s32 s2, s17  }
0x8e: {  	[smem:$0x3FC5] =	sst s2  }
0x8f: {  	_ = 	snop  }
0x90: {  	s18 =	sld [smem:$0x3FC9];
	(tm) =	ssettm $0x1  }
0x91: {  	s19 =	sld [smem:$0x3FFB];
	_ =	sdelay $0x3  }
0x92: {  	_ =	strace s19  }
0x93: {  	s2 =	sld [smem:$0x3FFC];
	_ =	sdelay $0x3  }
0x94: {  	_ =	strace s2  }
0x95: {  	s2 =	sld [smem:$0x3FFD];
	_ =	sdelay $0x3  }
0x96: {  	_ =	strace s2  }
0x97: {  	_ =	strace $0x8FFFFFFF  }
0x98: {  	s20 =	sld [smem:$0x3FDB];
	_ =	sdelay $0x1  }
0x99: {  	s4 =	simm.s32 $_scs_section_size  }
0x9a: {  	s5 =	simm.s32 $_size__tile_overlayer_lowered;
	s6 =	simm.s32 $_tile_overlayer_lowered  }
0x9b: {  	s7 =	simm.s32 $0x1BFF;
	s21 =	sshll.u32 s6, $0x1;
	s4 =	sadd.s32 s4, s20  }
0x9c: {  	s22 =	simm.s32 $0x0;
	s5 =	sshll.u32 s5, $0x1;
	s6 =	sadd.s32 s21, s4  }
0x9d: {  	[timem:s22], [sflag:s7] =	dma.local [hbm:s6], s5  }
0x9e: {  	_ =	swait.ge [sflag:s7], s5  }
0x9f: {  	s5 =	ssub.s32 $0x0, s5;
	[sflag:s7] =	ssyncset.done $0x0  }
0xa0: {  	[sflag:s7] =	ssyncadd.s32 s5;
	_ =	sdelay $0x1  }
0xa1: {  	s23 =	simm.s32 $0x1B8B  }
0xa2: {  	_ =	swait.ge [sflag:s23], $0x1  }
0xa3: {  	[sflag:s23] =	ssyncset.done $0x0  }
0xa4: {  	[sflag:s23] =	ssyncadd.s32 $0xFFFFFFFF  }
0xa5: {  	s5 =	sld [smem:$0x0]  }
0xa6: {  	s6 =	sand.u32 $0xFFFFFFFE, s1  }
0xa7: {  	p0 =	sne.s32 s1, s6  }
0xa8: {  	s6 =	sshll.u32 @p0 s6, $0xE  }
0xa9: {  	s6 =	sadd.s32 @p0 $0x11B8D, s6;
	s7 =	sshll.u32 @p0 s5, $0x11  }
0xaa: {  	s6 =	sor.u32 @p0 s7, s6  }
0xab: {  	[sflag:s6] =	ssyncadd.remote.s32 @p0 $0x1;
	_ =	sdelay $0x1  }
0xac: {  	s6 =	simm.s32 @p0 $0x1B8D  }
0xad: {  	_ =	swait.eq @p0 [sflag:s6], $0x1  }
0xae: {  	[sflag:s6] =	ssyncadd.s32 @p0 $0xFFFFFFFF  }
0xaf: {  	s7 =	sshll.u32 @!p0 s1, $0xE  }
0xb0: {  	s7 =	sor.u32 @!p0 $0x4000, s7;
	s6 =	simm.s32 @!p0 $0x1B8D  }
0xb1: {  	s5 =	sshll.u32 @!p0 s5, $0x11;
	s7 =	sadd.s32 @!p0 $0x11B8D, s7;
	_ =	swait.eq @!p0 [sflag:s6], $0x1  }
0xb2: {  	s5 =	sor.u32 @!p0 s5, s7;
	[sflag:s6] =	ssyncadd.s32 @!p0 $0xFFFFFFFF  }
0xb3: {  	s25 =	simm.s32 $0x1B8E;
	s24 =	sld [smem:$0x3FFE];
	[sflag:s5] =	ssyncadd.remote.s32 @!p0 $0x1  }
0xb4: {  	s26 =	simm.s32 $execute0_lowered;
	[smem:$0x3FD2] =	sst s25  }
0xb5: {  	s6 =	sshll.u32 s26, $0x1;
	_ =	strace $0x8000004C;
	[dreg:$0x1] =	wrdreg $0xFFFFFFFF  }
0xb6: {  	s28 =	simm.s32 $_size_execute0_lowered;
	s4 =	sadd.s32 s4, s6;
	[dreg:$0x0] =	wrdreg $0x0  }
0xb7: {  	s6 =	sshll.u32 s28, $0x1;
	[dreg:$0x2] =	wrdreg s4  }
0xb8: {  	[dreg:$0x3] =	wrdreg s6  }
0xb9: {  	[dreg:$0x4] =	wrdreg $0xC0  }
0xba: {  	_ =	task [dreg:s22], $0x5FFFF  }
0xbb: {  	[dreg:$0x1] =	wrdreg $0xFFFFFFFF  }
0xbc: {  	[dreg:$0x0] =	wrdreg $0x60  }
0xbd: {  	[dreg:$0x2] =	wrdreg s18  }
0xbe: {  	[dreg:$0x3] =	wrdreg s24  }
0xbf: {  	[dreg:$0x4] =	wrdreg $0xA  }
0xc0: {  	_ =	task.clear_ibuf [dreg:s22], $0x5FFFF;
	_ =	strace $0x9000004C  }
0xc1: {  	s29 =	simm.s32 $0xA;
	_ =	strace $0x8000004E  }
0xc2: {  	_ =	swait.ge [sflag:s29], $0x1  }
0xc3: {  	[sflag:s29] =	ssyncadd.s32 $0xFFFFFFFF  }
0xc4: {  	_ =	strace $0x9000004E  }
0xc5: {  	_ =	sfence  }
0xc6: {  	s30 =	sld [smem:$0x0];
	_ =	sdelay $0x2  }
0xc7: {  	s31 =	sshll.u32 s1, $0xD;
	s1 =	sshrl.u32 s1, $0x2  }
0xc8: {  	s4 =	sand.u32 $0x4000, s31;
	s1 =	sadd.s32 s1, s30  }
0xc9: {  	s0 =	sor.u32 s4, s0;
	s1 =	sshll.u32 s1, $0x11  }
0xca: {  	s0 =	sor.u32 s1, s0  }
0xcb: {  	s0 =	sadd.s32 $0x8F2B, s0  }
0xcc: {  	[sflag:s0] =	ssyncadd.remote.s32 $0x1  }
0xcd: {  	_ =	sfence.sel $0xFFFF  }
0xce: {  	[dreg:$0x0] =	wrdreg $0xFFFFFFFF;
	(pc) =	sbr.abs _section_cstart, $3  }
0xcf: {  	[dreg:$0x1] =	wrdreg $0xFFFFFFFF  }
0xd0: {  	_ =	task.clear_ibuf [dreg:s22], $0x2FFFF;
	_ =	strace $0x9FFFFFFF  }
0xd1: {  	(tm) =	ssettm $0x7FFFFFFF  }
tec
execute0_lowered:
.L_overlay_start_1:
0x0: {  	(tag) =	ssettag $0x1  }
0x1: {  	s1 =	srdreg.scid;
	s0 =	stileid.u32  }
0x2: {  	s10 =	sand.u32 $0x1, s1;
	s29 =	sshll.u32 s0, $0x1  }
0x3: {  	s2 =	rddreg [dreg:$0x0];
	s11 =	sor.u32 s10, s29  }
0x4: {  	s12 =	rddreg [dreg:$0x1];
	s4 =	smul.u32 $0x14, s11  }
0x5: {  	s3 =	simm.s32 $0x0;
	s1 =	rddreg [dreg:$0x2]  }
0x6: {  	[smem:$0x7FF] =	sst s3;
	s4 =	sadd.s32 s4, s12  }
0x7: {  	_ =	strace $0x8000004D;
	s5 =	sadd.s32 $0xEE7800, s4;
	s4 =	simm.s32 $0x2  }
0x8: {  	[tilespmem:s3], [sflag:$0x2] =	stream.linear.gather [hbm4b:s5+s3], $0xA0, $0x38;
	[tilespmem:$0x5100] =	vst v63  }
0x9: {  	_ =	swait.ge [sflag:s4], $0xA0  }
0xa: {  	[sflag:s4] =	ssyncset.done $0x0  }
0xb: {  	s6 =	simm.s32 $0x50;
	s7 =	simm.s32 $0x100;
	[sflag:s4] =	ssyncadd.s32 $0xFFFFFF60  }
0xc: {  	[tilespmem:s7], [sflag:$0x1] =	stream.indirect.gather [hbm4b:s2+s6], $0x80, s3, s6, $0xb8;
	[tilespmem:$0x5100] =	vst v63  }
0xd: {  	s8 =	simm.s32 $0x2900;
	s9 =	simm.s32 $0x1;
	s10 =	ssub.s32 $0x2, s10  }
0xe: {  	[tilespmem:s8], [sflag:$0x1] =	stream.indirect.gather [hbm4b:s2+s6], $0x80, s6, s6, $0xb8;
	[tilespmem:$0x5100] =	vst v63  }
0xf: {  	s13 =	sshrl.u32 s10, $0x1;
	_ =	swait.ge [sflag:s9], $0x2800  }
0x10: {  	s30 =	ssub.s32 s10, s13;
	[sflag:s9] =	ssyncset.done $0x0  }
0x11: {  	s11 =	smul.u32 $0xA00, s11;
	s31 =	smax.u32 s30, $0x1;
	[sflag:s9] =	ssyncadd.s32 $0xFFFFD800  }
0x12: {  	p0 =	sne.s32 s31, $0x1;
	_ =	swait.ge [sflag:s9], $0x2800  }
.Ltmp0:
0x13: {  	s11 =	sadd.s32 s11, s12;
	[sflag:s9] =	ssyncset.done $0x0;
	(pc) =	sbr.rel @!p0 .LBB2_2-.Ltmp0, $4  }
0x14: {  	s10 =	sadd.s32 $0xEE7C00, s11;
	[sflag:s9] =	ssyncadd.s32 $0xFFFFD800  }
0x15: {  	[hbm4b:s10+s3] =	stream.linear.scatter [tilespmem:s7], [sflag:$0x2], $0x5000, $0x38;
	[tilespmem:$0x5100] =	vst v63  }
0x16: {  	_ =	swait.ge [sflag:s4], $0x5000  }
0x17: {  	s11 =	sadd.s32 $0xFFFFFFFF, s31;
	[sflag:s4] =	ssyncset.done $0x0  }
.LBB2_1:
0x18: {  	p0 =	sne.s32 s11, $0x1;
	s11 =	sadd.s32 $0xFFFFFFFF, s11;
	[sflag:s4] =	ssyncadd.s32 $0xFFFFB000  }
0x19: {  	[tilespmem:s3], [sflag:$0x2] =	stream.linear.gather [hbm4b:s5+s3], $0xA0, $0x38;
	[tilespmem:$0x5100] =	vst v63  }
0x1a: {  	_ =	swait.ge [sflag:s4], $0xA0  }
0x1b: {  	[sflag:s4] =	ssyncset.done $0x0  }
0x1c: {  	[sflag:s4] =	ssyncadd.s32 $0xFFFFFF60  }
0x1d: {  	[tilespmem:s7], [sflag:$0x1] =	stream.indirect.gather [hbm4b:s2+s6], $0x80, s3, s6, $0xb8;
	[tilespmem:$0x5100] =	vst v63  }
0x1e: {  	_ = 	snop  }
0x1f: {  	[tilespmem:s8], [sflag:$0x1] =	stream.indirect.gather [hbm4b:s2+s6], $0x80, s6, s6, $0xb8;
	[tilespmem:$0x5100] =	vst v63  }
0x20: {  	_ =	swait.ge [sflag:s9], $0x2800  }
0x21: {  	[sflag:s9] =	ssyncset.done $0x0  }
0x22: {  	[sflag:s9] =	ssyncadd.s32 $0xFFFFD800  }
0x23: {  	_ =	swait.ge [sflag:s9], $0x2800  }
.Ltmp1:
0x24: {  	[sflag:s9] =	ssyncset.done $0x0;
	(pc) =	sbr.rel @p0 .LBB2_1-.Ltmp1, $4  }
0x25: {  	[sflag:s9] =	ssyncadd.s32 $0xFFFFD800  }
0x26: {  	[hbm4b:s10+s3] =	stream.linear.scatter [tilespmem:s7], [sflag:$0x2], $0x5000, $0x38;
	[tilespmem:$0x5100] =	vst v63  }
0x27: {  	_ =	swait.ge [sflag:s4], $0x5000  }
0x28: {  	[sflag:s4] =	ssyncset.done $0x0  }
.LBB2_2:
0x29: {  	[sflag:s4] =	ssyncadd.s32 $0xFFFFB000  }
0x2a: {  	_ =	sfence.sel $0x180000  }
0x2b: {  	[bflag:$0x0] =	sbarrier.arrive $0xFFFF  }
0x2c: {  	p0 =	sne.s32 s0, $0x0;
	_ =	strace $0x9000004D  }
0x2d: {  	s0 =	sadd.s32 @!p0 $0x100000, s1;
	[bflag:$0x2] =	sbarrier.arrive $0xFFFF  }
0x2e: {  	[sflag:s0] =	ssyncadd.tile.s32 @!p0 $0x1;
	_ =	shalt  }
.Lfunc_end2:
_tile_overlayer_lowered:
.L_overlay_start_2:
0x2f: {  	(tag) =	ssettag $0x2  }
0x30: {  	s0 =	rddreg [dreg:$0x0];
	s2 =	stileid.u32  }
0x31: {  	s1 =	rddreg [dreg:$0x1];
	p0 =	sne.s32 s2, $0x0  }
0x32: {  	s3 =	rddreg [dreg:$0x2];
	[bflag:$0x3] =	sbarrier.arrive $0xFFFF;
	s2 =	simm.s32 @!p0 $0x1C02  }
0x33: {  	[timem:s3], [sflag:s2] =	dma.local @!p0 [hbm:s0], s1  }
0x34: {  	s0 =	simm.s32 @!p0 $0x2  }
0x35: {  	_ =	swait.ge @!p0 [sflag:s0], s1  }
0x36: {  	s1 =	ssub.s32 @!p0 $0x0, s1;
	[sflag:s0] =	ssyncset.done @!p0 $0x0  }
0x37: {  	[sflag:s0] =	ssyncadd.s32 @!p0 s1  }
0x38: {  	[bflag:$0x3] =	sbarrier.arrive $0xFFFF  }
0x39: {  	_ =	shalt  }

// kernel: kernel.7.cloned.1.call-start
scs
__scs_entry_jumppad:
0x0: {  	(pc) =	sbr.rel $0x88, $3  }
0x1: {  	(tag) =	ssettag $0x0;
	lr =	simm.s32 $0x1  }
0x2: {  	[smem:$0x3F9E] =	sst lr;
	_ =	strace $0xD0000000  }
0x3: {  	_ = 	snop  }
0x4: {  	_ = 	snop  }
0x5: {  	_ = 	snop  }
0x6: {  	_ = 	snop  }
0x7: {  	_ = 	snop  }
__scs_overlays_trampoline_lowered:
0x8: {  	[smem:$0x3FAD] =	sst s0  }
0x9: {  	[smem:$0x3FAE] =	sst s1  }
0xa: {  	[smem:$0x3FAF] =	sst s2  }
0xb: {  	[smem:$0x3FB0] =	sst s3  }
0xc: {  	[smem:$0x3FB1] =	sst s4  }
0xd: {  	[smem:$0x3FB2] =	sst s5  }
0xe: {  	[smem:$0x3FB3] =	sst s6  }
0xf: {  	[smem:$0x3FB4] =	sst s7  }
0x10: {  	[smem:$0x3FB5] =	sst s8  }
0x11: {  	[smem:$0x3FB6] =	sst s9;
	s0 =	simm.s32 @!p0 $0x0  }
0x12: {  	s1 =	sld [smem:$0x3F9C];
	s0 =	simm.s32 @p0 $0x1  }
0x13: {  	[smem:$0x3FB7] =	sst s0;
	s0 =	simm.s32 @!p1 $0x0  }
0x14: {  	s2 =	sld [smem:$0x3F9B];
	s0 =	simm.s32 @p1 $0x1  }
0x15: {  	[smem:$0x3FB8] =	sst s0;
	s0 =	simm.s32 @!p2 $0x0  }
0x16: {  	s3 =	sld [smem:$0x3FDB];
	s0 =	simm.s32 @p2 $0x1  }
0x17: {  	s4 =	simm.s32 $0x1BF5;
	[smem:$0x3FBA] =	sst s0  }
0x18: {  	s0 =	sld [smem:$0x3F9D];
	_ =	swait.ge [sflag:s4], $0x0  }
0x19: {  	s7 =	sld [smem:$0x3F9E]  }
0x1a: {  	s8 =	sadd.s32 $0xFFFFE003, lr  }
0x1b: {  	s9 =	sadd.s32 $0xFFFFFEF7, lr;
	s5 =	simm.s32 $0xFFFFFFFF;
	p2 =	slt.u32 s8, $0xFFFFF086  }
0x1c: {  	p1 =	slt.u32 s9, $0xF7A;
	s5 =	simm.s32 @!p2 $0x0  }
0x1d: {  	s5 =	simm.s32 @p1 $0x1;
	p0 =	seq.s32 s7, s2  }
0x1e: {  	s7 =	smul.u32 @!p0 $0xF7A, s2;
	p2 =	seq.s32 @!p0 s5, $0x0  }
0x1f: {  	s9 =	smul.u32 $0xF7A, s1;
	s8 =	simm.s32 @!p0 $0x1BF5;
	p2 =	por !p2, p0  }
0x20: {  	[sflag:s8] =	ssyncset.s32 @!p0 $0xFFFFF086;
	s6 =	sadd.s32 @!p0 s3, s7;
	s7 =	simm.s32 @!p0 $0x108  }
0x21: {  	s3 =	sadd.s32 s3, s9;
	s6 =	sadd.s32 @!p0 $0x88, s6;
	s7 =	simm.s32 @p2 $0x1082  }
0x22: {  	[simem:s7], [sflag:s8] =	dma.local @!p0 [hbm:s6], $0xF7A  }
0x23: {  	s9 =	sor.u32 $0xD0000000, s2;
	s6 =	simm.s32 $0x108;
	_ =	swait.ge @!p0 [sflag:s8], $0x0  }
0x24: {  	s3 =	sadd.s32 $0x88, s3;
	s6 =	simm.s32 @!p1 $0x1082;
	[sflag:s4] =	ssyncset.s32 $0xFFFFF086  }
0x25: {  	[simem:s6], [sflag:s4] =	dma.local [hbm:s3], $0xF7A  }
0x26: {  	[smem:$0x3F9E] =	sst s1;
	(tag) =	ssettag s2;
	_ =	strace s9  }
0x27: {  	s1 =	sld [smem:$0x3FAE]  }
0x28: {  	s2 =	sld [smem:$0x3FAF]  }
0x29: {  	s4 =	sld [smem:$0x3FB1]  }
0x2a: {  	p0 =	seq.s32 s5, $0x0;
	s5 =	sld [smem:$0x3FB2]  }
0x2b: {  	s6 =	sld [smem:$0x3FB3]  }
0x2c: {  	s7 =	sld [smem:$0x3FB4]  }
0x2d: {  	s3 =	simm.s32 $0x108;
	s8 =	sld [smem:$0x3FB5]  }
0x2e: {  	s3 =	simm.s32 @!p0 $0x1082;
	s9 =	sld [smem:$0x3FB6]  }
0x2f: {  	lr =	sadd.s32 s0, s3;
	s0 =	sld [smem:$0x3FAD]  }
0x30: {  	s3 =	sld [smem:$0x3FB0]  }
0x31: {  	[smem:$0x3FB9] =	sst s10  }
0x32: {  	s10 =	sld [smem:$0x3FB7];
	_ =	sdelay $0x3  }
0x33: {  	p0 =	seq.s32 s10, $0x1;
	s10 =	sld [smem:$0x3FB9];
	_ =	sdelay $0x3  }
0x34: {  	[smem:$0x3FB9] =	sst s10  }
0x35: {  	s10 =	sld [smem:$0x3FB8];
	_ =	sdelay $0x3  }
0x36: {  	p1 =	seq.s32 s10, $0x1;
	s10 =	sld [smem:$0x3FB9];
	_ =	sdelay $0x3  }
0x37: {  	[smem:$0x3FB9] =	sst s10  }
0x38: {  	s10 =	sld [smem:$0x3FBA]  }
0x39: {  	_ = 	snop;
	(pc) =	sbr.ind lr, $3  }
0x3a: {  	_ = 	snop  }
0x3b: {  	_ = 	snop  }
0x3c: {  	p2 =	seq.s32 s10, $0x1;
	s10 =	sld [smem:$0x3FB9]  }
0x3d: {  	_ =	shalt  }
0x3e: {  	_ =	shalt  }
0x3f: {  	_ =	shalt  }
0x40: {  	_ =	shalt  }
0x41: {  	_ =	shalt  }
0x42: {  	_ =	shalt  }
0x43: {  	_ =	shalt  }
0x44: {  	_ =	shalt  }
0x45: {  	_ =	shalt  }
0x46: {  	_ =	shalt  }
0x47: {  	_ =	shalt  }
0x48: {  	_ =	shalt  }
0x49: {  	_ =	shalt  }
0x4a: {  	_ =	shalt  }
0x4b: {  	_ =	shalt  }
0x4c: {  	_ =	shalt  }
0x4d: {  	_ =	shalt  }
0x4e: {  	_ =	shalt  }
0x4f: {  	_ =	shalt  }
0x50: {  	_ =	shalt  }
0x51: {  	_ =	shalt  }
0x52: {  	_ =	shalt  }
0x53: {  	_ =	shalt  }
0x54: {  	_ =	shalt  }
0x55: {  	_ =	shalt  }
0x56: {  	_ =	shalt  }
0x57: {  	_ =	shalt  }
0x58: {  	_ =	shalt  }
0x59: {  	_ =	shalt  }
0x5a: {  	_ =	shalt  }
0x5b: {  	_ =	shalt  }
0x5c: {  	_ =	shalt  }
0x5d: {  	_ =	shalt  }
0x5e: {  	_ =	shalt  }
0x5f: {  	_ =	shalt  }
0x60: {  	_ =	shalt  }
0x61: {  	_ =	shalt  }
0x62: {  	_ =	shalt  }
0x63: {  	_ =	shalt  }
0x64: {  	_ =	shalt  }
0x65: {  	_ =	shalt  }
0x66: {  	_ =	shalt  }
0x67: {  	_ =	shalt  }
0x68: {  	_ =	shalt  }
0x69: {  	_ =	shalt  }
0x6a: {  	_ =	shalt  }
0x6b: {  	_ =	shalt  }
0x6c: {  	_ =	shalt  }
0x6d: {  	_ =	shalt  }
0x6e: {  	_ =	shalt  }
0x6f: {  	_ =	shalt  }
0x70: {  	_ =	shalt  }
0x71: {  	_ =	shalt  }
0x72: {  	_ =	shalt  }
0x73: {  	_ =	shalt  }
0x74: {  	_ =	shalt  }
0x75: {  	_ =	shalt  }
0x76: {  	_ =	shalt  }
0x77: {  	_ =	shalt  }
0x78: {  	_ =	shalt  }
0x79: {  	_ =	shalt  }
0x7a: {  	_ =	shalt  }
0x7b: {  	_ =	shalt  }
0x7c: {  	_ =	shalt  }
0x7d: {  	_ =	shalt  }
0x7e: {  	_ =	shalt  }
0x7f: {  	_ =	shalt  }
0x80: {  	_ =	shalt  }
0x81: {  	_ =	shalt  }
0x82: {  	_ =	shalt  }
0x83: {  	_ =	shalt  }
0x84: {  	_ =	shalt  }
0x85: {  	_ =	shalt  }
0x86: {  	_ =	shalt  }
0x87: {  	_ =	shalt  }
.Lfunc_end0:
.L_simem_size_0:
called_computation_lowered:
.L_overlay_start_0:
0x88: {  	s2 =	sld [smem:$0x3FD9]  }
0x89: {  	s3 =	sld [smem:$0x3FFE];
	_ =	sdelay $0x1  }
0x8a: {  	s1 =	srdreg.scid  }
0x8b: {  	s0 =	sand.u32 $0x1, s1  }
0x8c: {  	s15 =	sshll.u32 s0, $0xA;
	s2 =	sadd.s32 s3, s2  }
0x8d: {  	s2 =	sadd.s32 s2, s15  }
0x8e: {  	[smem:$0x3FC5] =	sst s2  }
0x8f: {  	_ = 	snop  }
0x90: {  	s2 =	sld [smem:$0x3FD0];
	_ =	sdelay $0x2  }
0x91: {  	s16 =	simm.s32 $0xB;
	s4 =	simm.s32 $0x10  }
0x92: {  	[smem:s4], [sflag:s16] =	dma.local [hbm:s2], $0x1  }
0x93: {  	_ =	swait.eq [sflag:s16], $0x1  }
0x94: {  	[sflag:s16] =	ssyncset.done $0x0  }
0x95: {  	s17 =	sld [smem:$0x10];
	[sflag:s16] =	ssyncadd.s32 $0xFFFFFFFF  }
0x96: {  	s18 =	sld [smem:$0x11];
	(tm) =	ssettm $0x1  }
0x97: {  	s19 =	sld [smem:$0x3FFB];
	_ =	sdelay $0x3  }
0x98: {  	_ =	strace s19  }
0x99: {  	s4 =	sld [smem:$0x3FFC];
	_ =	sdelay $0x3  }
0x9a: {  	_ =	strace s4  }
0x9b: {  	s4 =	sld [smem:$0x3FFD];
	_ =	sdelay $0x3  }
0x9c: {  	_ =	strace s4  }
0x9d: {  	_ =	strace $0x8FFFFFFF  }
0x9e: {  	s20 =	sld [smem:$0x3FDB];
	_ =	sdelay $0x1  }
0x9f: {  	s5 =	simm.s32 $_scs_section_size  }
0xa0: {  	s6 =	simm.s32 $_size__tile_overlayer_lowered;
	s7 =	simm.s32 $_tile_overlayer_lowered  }
0xa1: {  	s23 =	simm.s32 $0x1BFF;
	s22 =	sshll.u32 s7, $0x1;
	s4 =	sadd.s32 s5, s20  }
0xa2: {  	s8 =	simm.s32 $0x0;
	s21 =	sshll.u32 s6, $0x1;
	s6 =	sadd.s32 s22, s4  }
0xa3: {  	[timem:s8], [sflag:s23] =	dma.local [hbm:s6], s21  }
0xa4: {  	_ =	swait.ge [sflag:s23], s21  }
0xa5: {  	s5 =	ssub.s32 $0x0, s21;
	[sflag:s23] =	ssyncset.done $0x0  }
0xa6: {  	[sflag:s23] =	ssyncadd.s32 s5;
	_ =	sdelay $0x1  }
0xa7: {  	s24 =	simm.s32 $0x1B8B  }
0xa8: {  	_ =	swait.ge [sflag:s24], $0x1  }
0xa9: {  	[sflag:s24] =	ssyncset.done $0x0  }
0xaa: {  	s25 =	simm.s32 $0x1B8E;
	[sflag:s24] =	ssyncadd.s32 $0xFFFFFFFF  }
0xab: {  	s26 =	simm.s32 $execute0_lowered;
	[smem:$0x3FD2] =	sst s25  }
0xac: {  	s5 =	sshll.u32 s26, $0x1;
	_ =	strace $0x80000046;
	[dreg:$0x1] =	wrdreg $0xFFFFFFFF  }
0xad: {  	s28 =	simm.s32 $_size_execute0_lowered;
	s4 =	sadd.s32 s4, s5;
	[dreg:$0x0] =	wrdreg $0x0  }
0xae: {  	s5 =	sshll.u32 s28, $0x1;
	[dreg:$0x2] =	wrdreg s4  }
0xaf: {  	[dreg:$0x3] =	wrdreg s5  }
0xb0: {  	[dreg:$0x4] =	wrdreg $0xC0  }
0xb1: {  	_ =	task [dreg:s8], $0x5FFFF  }
0xb2: {  	[dreg:$0x1] =	wrdreg $0xFFFFFFFF  }
0xb3: {  	[dreg:$0x0] =	wrdreg $0x60  }
0xb4: {  	[dreg:$0x2] =	wrdreg s17  }
0xb5: {  	[dreg:$0x3] =	wrdreg s18  }
0xb6: {  	[dreg:$0x4] =	wrdreg $0x9  }
0xb7: {  	_ =	task.clear_ibuf [dreg:s8], $0x5FFFF;
	_ =	strace $0x90000046  }
0xb8: {  	s29 =	simm.s32 $0x9;
	_ =	strace $0x80000048  }
0xb9: {  	_ =	swait.ge [sflag:s29], $0x1  }
0xba: {  	[sflag:s29] =	ssyncadd.s32 $0xFFFFFFFF  }
0xbb: {  	_ =	strace $0x90000048  }
0xbc: {  	_ =	sfence  }
0xbd: {  	s30 =	sld [smem:$0x0];
	_ =	sdelay $0x2  }
0xbe: {  	s31 =	sshll.u32 s1, $0xD;
	s1 =	sshrl.u32 s1, $0x2  }
0xbf: {  	s3 =	sand.u32 $0x4000, s31;
	s1 =	sadd.s32 s1, s30  }
0xc0: {  	s0 =	sor.u32 s3, s0;
	s1 =	sshll.u32 s1, $0x11  }
0xc1: {  	s0 =	sor.u32 s1, s0  }
0xc2: {  	s0 =	sadd.s32 $0x8F2B, s0  }
0xc3: {  	[sflag:s0] =	ssyncadd.remote.s32 $0x1  }
0xc4: {  	_ =	sfence.sel $0xFFFF  }
0xc5: {  	[dreg:$0x0] =	wrdreg $0xFFFFFFFF;
	(pc) =	sbr.abs _section_cstart, $3  }
0xc6: {  	[dreg:$0x1] =	wrdreg $0xFFFFFFFF  }
0xc7: {  	_ =	task.clear_ibuf [dreg:s8], $0x2FFFF;
	_ =	strace $0x9FFFFFFF  }
0xc8: {  	(tm) =	ssettm $0x7FFFFFFF  }
0xc9: {  	_ =	shalt  }
tec
execute0_lowered:
.L_overlay_start_1:
0x0: {  	(tag) =	ssettag $0x1  }
0x1: {  	s1 =	srdreg.scid;
	s0 =	stileid.u32  }
0x2: {  	s13 =	sand.u32 $0x1, s1;
	s28 =	sshll.u32 s0, $0x1  }
0x3: {  	s1 =	sor.u32 s13, s28  }
0x4: {  	s10 =	rddreg [dreg:$0x0];
	s12 =	smul.u32 $0x140, s1  }
0x5: {  	s2 =	rddreg [dreg:$0x1];
	s3 =	simm.s32 $0x0  }
0x6: {  	s5 =	simm.s32 $0x2;
	[smem:$0x7FF] =	sst s3;
	s4 =	sshrl.u32 s12, $0x3  }
0x7: {  	s1 =	rddreg [dreg:$0x2];
	_ =	strace $0x80000047;
	s4 =	sadd.s32 s10, s4  }
0x8: {  	[tilespmem:s3], [sflag:$0x2] =	stream.linear.gather [hbm4b:s4+s3], $0x50, $0x38;
	[tilespmem:$0x380] =	vst v63  }
0x9: {  	s14 =	sadd.s32 $0x50, s12;
	_ =	swait.ge [sflag:s5], $0x50  }
0xa: {  	s6 =	sshrl.u32 s14, $0x3;
	[sflag:s5] =	ssyncset.done $0x0  }
0xb: {  	s7 =	sadd.s32 s10, s6;
	s6 =	simm.s32 $0x80;
	[sflag:s5] =	ssyncadd.s32 $0xFFFFFFB0  }
0xc: {  	[tilespmem:s6], [sflag:$0x2] =	stream.linear.gather [hbm4b:s7+s3], $0x50, $0x38;
	[tilespmem:$0x380] =	vst v63  }
0xd: {  	s15 =	sadd.s32 $0xA0, s12;
	_ =	swait.ge [sflag:s5], $0x50  }
0xe: {  	s8 =	sshrl.u32 s15, $0x3;
	[sflag:s5] =	ssyncset.done $0x0  }
0xf: {  	s9 =	sadd.s32 s10, s8;
	s8 =	simm.s32 $0x100;
	[sflag:s5] =	ssyncadd.s32 $0xFFFFFFB0  }
0x10: {  	[tilespmem:s8], [sflag:$0x2] =	stream.linear.gather [hbm4b:s9+s3], $0x50, $0x38;
	[tilespmem:$0x380] =	vst v63  }
0x11: {  	s16 =	sadd.s32 $0xF0, s12;
	_ =	swait.ge [sflag:s5], $0x50  }
0x12: {  	s11 =	sshrl.u32 s16, $0x3;
	[sflag:s5] =	ssyncset.done $0x0  }
0x13: {  	s11 =	sadd.s32 s10, s11;
	s10 =	simm.s32 $0x180;
	[sflag:s5] =	ssyncadd.s32 $0xFFFFFFB0  }
0x14: {  	[tilespmem:s10], [sflag:$0x2] =	stream.linear.gather [hbm4b:s11+s3], $0x50, $0x38;
	[tilespmem:$0x380] =	vst v63  }
0x15: {  	_ =	swait.ge [sflag:s5], $0x50  }
0x16: {  	v19 =	vlaneseq.u32;
	s17 =	sadd.s32 $0x130, s12;
	[sflag:s5] =	ssyncset.done $0x0  }
0x17: {  	s18 =	sadd.s32 $0x120, s12;
	v0 =	vor.u32 s17, v19;
	[sflag:s5] =	ssyncadd.s32 $0xFFFFFFB0  }
0x18: {  	s29 =	sadd.s32 $0x110, s12;
	v1 =	vor.u32 s18, v19;
	[tilespmem:$0x330] =	vst v0  }
0x19: {  	s30 =	sadd.s32 $0x100, s12;
	v2 =	vor.u32 s29, v19;
	[tilespmem:$0x320] =	vst v1  }
0x1a: {  	v3 =	vor.u32 s30, v19;
	[tilespmem:$0x310] =	vst v2  }
0x1b: {  	s31 =	sadd.s32 $0xE0, s12;
	v4 =	vor.u32 s16, v19;
	[tilespmem:$0x300] =	vst v3  }
0x1c: {  	s18 =	sadd.s32 $0xD0, s12;
	v5 =	vor.u32 s31, v19;
	[tilespmem:$0x2F0] =	vst v4  }
0x1d: {  	s19 =	sadd.s32 $0xC0, s12;
	v6 =	vor.u32 s18, v19;
	[tilespmem:$0x2E0] =	vst v5  }
0x1e: {  	s20 =	sadd.s32 $0xB0, s12;
	v7 =	vor.u32 s19, v19;
	[tilespmem:$0x2D0] =	vst v6  }
0x1f: {  	v8 =	vor.u32 s20, v19;
	[tilespmem:$0x2C0] =	vst v7  }
0x20: {  	s21 =	sadd.s32 $0x90, s12;
	v9 =	vor.u32 s15, v19;
	[tilespmem:$0x2B0] =	vst v8  }
0x21: {  	s13 =	ssub.s32 $0x2, s13;
	s22 =	sadd.s32 $0x80, s12;
	v10 =	vor.u32 s21, v19;
	[tilespmem:$0x2A0] =	vst v9  }
0x22: {  	s26 =	sshrl.u32 s13, $0x1;
	s23 =	sadd.s32 $0x70, s12;
	v11 =	vor.u32 s22, v19;
	[tilespmem:$0x290] =	vst v10  }
0x23: {  	s13 =	ssub.s32 s13, s26;
	s24 =	sadd.s32 $0x60, s12;
	v12 =	vor.u32 s23, v19;
	[tilespmem:$0x280] =	vst v11  }
0x24: {  	v13 =	vor.u32 s24, v19;
	s31 =	smax.u32 s13, $0x1;
	[tilespmem:$0x270] =	vst v12  }
0x25: {  	s25 =	sadd.s32 $0x40, s12;
	v14 =	vor.u32 s14, v19;
	p0 =	sne.s32 s31, $0x1;
	[tilespmem:$0x260] =	vst v13  }
.Ltmp0:
0x26: {  	s28 =	sor.u32 $0x30, s12;
	v15 =	vor.u32 s25, v19;
	[tilespmem:$0x250] =	vst v14;
	(pc) =	sbr.rel @!p0 .LBB2_2-.Ltmp0, $4  }
0x27: {  	s30 =	sor.u32 $0x20, s12;
	v16 =	vor.u32 s28, v19;
	[tilespmem:$0x240] =	vst v15  }
0x28: {  	s29 =	sor.u32 $0x10, s12;
	s13 =	simm.s32 $0x50;
	v17 =	vor.u32 s30, v19;
	[tilespmem:$0x230] =	vst v16  }
0x29: {  	v18 =	vor.u32 s12, v19;
	s14 =	simm.s32 $0x200;
	s15 =	simm.s32 $0x250;
	s16 =	simm.s32 $0x2A0;
	[tilespmem:$0x220] =	vst v17  }
0x2a: {  	s17 =	simm.s32 $0x2F0;
	s12 =	simm.s32 $0x1;
	v19 =	vor.u32 s29, v19;
	s18 =	sadd.s32 $0xFFFFFFFF, s31;
	[tilespmem:$0x200] =	vst v18  }
.LBB2_1:
0x2b: {  	p0 =	sne.s32 s18, $0x1;
	s18 =	sadd.s32 $0xFFFFFFFF, s18;
	[tilespmem:$0x210] =	vst v19  }
0x2c: {  	[hbm4b:s2+s13] =	stream.indirect.scatter [tilespmem:s14], [sflag:$0x1], $0x1, s3, s13, $0xb8;
	[tilespmem:$0x380] =	vst v63  }
0x2d: {  	_ = 	snop  }
0x2e: {  	[hbm4b:s2+s13] =	stream.indirect.scatter [tilespmem:s15], [sflag:$0x1], $0x1, s6, s13, $0xb8;
	[tilespmem:$0x380] =	vst v63  }
0x2f: {  	_ = 	snop  }
0x30: {  	[hbm4b:s2+s13] =	stream.indirect.scatter [tilespmem:s16], [sflag:$0x1], $0x1, s8, s13, $0xb8;
	[tilespmem:$0x380] =	vst v63  }
0x31: {  	_ = 	snop  }
0x32: {  	[hbm4b:s2+s13] =	stream.indirect.scatter [tilespmem:s17], [sflag:$0x1], $0x1, s10, s13, $0xb8;
	[tilespmem:$0x380] =	vst v63  }
0x33: {  	_ =	swait.ge [sflag:s12], $0x50  }
0x34: {  	[sflag:s12] =	ssyncset.done $0x0  }
0x35: {  	[sflag:s12] =	ssyncadd.s32 $0xFFFFFFB0  }
0x36: {  	_ =	swait.ge [sflag:s12], $0x50  }
0x37: {  	[sflag:s12] =	ssyncset.done $0x0  }
0x38: {  	[sflag:s12] =	ssyncadd.s32 $0xFFFFFFB0  }
0x39: {  	_ =	swait.ge [sflag:s12], $0x50  }
0x3a: {  	[sflag:s12] =	ssyncset.done $0x0  }
0x3b: {  	[sflag:s12] =	ssyncadd.s32 $0xFFFFFFB0  }
0x3c: {  	_ =	swait.ge [sflag:s12], $0x50  }
0x3d: {  	[sflag:s12] =	ssyncset.done $0x0  }
0x3e: {  	[sflag:s12] =	ssyncadd.s32 $0xFFFFFFB0  }
0x3f: {  	[tilespmem:s3], [sflag:$0x2] =	stream.linear.gather [hbm4b:s4+s3], $0x50, $0x38;
	[tilespmem:$0x380] =	vst v63  }
0x40: {  	_ =	swait.ge [sflag:s5], $0x50  }
0x41: {  	[sflag:s5] =	ssyncset.done $0x0  }
0x42: {  	[sflag:s5] =	ssyncadd.s32 $0xFFFFFFB0  }
0x43: {  	[tilespmem:s6], [sflag:$0x2] =	stream.linear.gather [hbm4b:s7+s3], $0x50, $0x38;
	[tilespmem:$0x380] =	vst v63  }
0x44: {  	_ =	swait.ge [sflag:s5], $0x50  }
0x45: {  	[sflag:s5] =	ssyncset.done $0x0  }
0x46: {  	[sflag:s5] =	ssyncadd.s32 $0xFFFFFFB0  }
0x47: {  	[tilespmem:s8], [sflag:$0x2] =	stream.linear.gather [hbm4b:s9+s3], $0x50, $0x38;
	[tilespmem:$0x380] =	vst v63  }
0x48: {  	_ =	swait.ge [sflag:s5], $0x50  }
0x49: {  	[sflag:s5] =	ssyncset.done $0x0  }
0x4a: {  	[sflag:s5] =	ssyncadd.s32 $0xFFFFFFB0  }
0x4b: {  	[tilespmem:s10], [sflag:$0x2] =	stream.linear.gather [hbm4b:s11+s3], $0x50, $0x38;
	[tilespmem:$0x380] =	vst v63  }
0x4c: {  	_ =	swait.ge [sflag:s5], $0x50  }
0x4d: {  	[sflag:s5] =	ssyncset.done $0x0  }
0x4e: {  	[sflag:s5] =	ssyncadd.s32 $0xFFFFFFB0  }
0x4f: {  	[tilespmem:$0x330] =	vst v0  }
0x50: {  	[tilespmem:$0x320] =	vst v1  }
0x51: {  	[tilespmem:$0x310] =	vst v2  }
0x52: {  	[tilespmem:$0x300] =	vst v3  }
0x53: {  	[tilespmem:$0x2F0] =	vst v4  }
0x54: {  	[tilespmem:$0x2E0] =	vst v5  }
0x55: {  	[tilespmem:$0x2D0] =	vst v6  }
0x56: {  	[tilespmem:$0x2C0] =	vst v7  }
0x57: {  	[tilespmem:$0x2B0] =	vst v8  }
0x58: {  	[tilespmem:$0x2A0] =	vst v9  }
0x59: {  	[tilespmem:$0x290] =	vst v10  }
0x5a: {  	[tilespmem:$0x280] =	vst v11  }
0x5b: {  	[tilespmem:$0x270] =	vst v12  }
0x5c: {  	[tilespmem:$0x260] =	vst v13  }
.Ltmp1:
0x5d: {  	[tilespmem:$0x250] =	vst v14;
	(pc) =	sbr.rel @p0 .LBB2_1-.Ltmp1, $4  }
0x5e: {  	[tilespmem:$0x240] =	vst v15  }
0x5f: {  	[tilespmem:$0x230] =	vst v16  }
0x60: {  	[tilespmem:$0x220] =	vst v17  }
0x61: {  	[tilespmem:$0x200] =	vst v18  }
.LBB2_2:
0x62: {  	[tilespmem:$0x210] =	vst v19  }
0x63: {  	[hbm4b:s2+s13] =	stream.indirect.scatter [tilespmem:s14], [sflag:$0x1], $0x1, s3, s13, $0xb8;
	[tilespmem:$0x380] =	vst v63  }
0x64: {  	_ = 	snop  }
0x65: {  	[hbm4b:s2+s13] =	stream.indirect.scatter [tilespmem:s15], [sflag:$0x1], $0x1, s6, s13, $0xb8;
	[tilespmem:$0x380] =	vst v63  }
0x66: {  	_ = 	snop  }
0x67: {  	[hbm4b:s2+s13] =	stream.indirect.scatter [tilespmem:s16], [sflag:$0x1], $0x1, s8, s13, $0xb8;
	[tilespmem:$0x380] =	vst v63  }
0x68: {  	_ = 	snop  }
0x69: {  	[hbm4b:s2+s13] =	stream.indirect.scatter [tilespmem:s17], [sflag:$0x1], $0x1, s10, s13, $0xb8;
	[tilespmem:$0x380] =	vst v63  }
0x6a: {  	_ =	swait.ge [sflag:s12], $0x50  }
0x6b: {  	[sflag:s12] =	ssyncset.done $0x0  }
0x6c: {  	[sflag:s12] =	ssyncadd.s32 $0xFFFFFFB0  }
0x6d: {  	_ =	swait.ge [sflag:s12], $0x50  }
0x6e: {  	[sflag:s12] =	ssyncset.done $0x0  }
0x6f: {  	[sflag:s12] =	ssyncadd.s32 $0xFFFFFFB0  }
0x70: {  	_ =	swait.ge [sflag:s12], $0x50  }
0x71: {  	[sflag:s12] =	ssyncset.done $0x0  }
0x72: {  	[sflag:s12] =	ssyncadd.s32 $0xFFFFFFB0  }
0x73: {  	_ =	swait.ge [sflag:s12], $0x50  }
0x74: {  	[sflag:s12] =	ssyncset.done $0x0  }
0x75: {  	[sflag:s12] =	ssyncadd.s32 $0xFFFFFFB0  }
0x76: {  	_ =	sfence.sel $0x180000  }
0x77: {  	[bflag:$0x0] =	sbarrier.arrive $0xFFFF  }
0x78: {  	p0 =	sne.s32 s0, $0x0;
	_ =	strace $0x90000047  }
0x79: {  	s0 =	sadd.s32 @!p0 $0x100000, s1;
	[bflag:$0x2] =	sbarrier.arrive $0xFFFF  }
0x7a: {  	[sflag:s0] =	ssyncadd.tile.s32 @!p0 $0x1;
	_ =	shalt  }
.Lfunc_end2:
_tile_overlayer_lowered:
.L_overlay_start_2:
0x7b: {  	(tag) =	ssettag $0x2  }
0x7c: {  	s0 =	rddreg [dreg:$0x0];
	s2 =	stileid.u32  }
0x7d: {  	s1 =	rddreg [dreg:$0x1];
	p0 =	sne.s32 s2, $0x0  }
0x7e: {  	s3 =	rddreg [dreg:$0x2];
	[bflag:$0x3] =	sbarrier.arrive $0xFFFF;
	s2 =	simm.s32 @!p0 $0x1C02  }
0x7f: {  	[timem:s3], [sflag:s2] =	dma.local @!p0 [hbm:s0], s1  }
0x80: {  	s0 =	simm.s32 @!p0 $0x2  }
0x81: {  	_ =	swait.ge @!p0 [sflag:s0], s1  }
0x82: {  	s1 =	ssub.s32 @!p0 $0x0, s1;
	[sflag:s0] =	ssyncset.done @!p0 $0x0  }
0x83: {  	[sflag:s0] =	ssyncadd.s32 @!p0 s1  }
0x84: {  	[bflag:$0x3] =	sbarrier.arrive $0xFFFF  }
0x85: {  	_ =	shalt  }

</sc_bundles>
